<compile_context>
chip_gen: v7x
topology: tpu7x:2x2x1
jax: 0.10.2.dev20260603
libtpu: 0.0.44.dev20260713+nightly
codegen_flags: <defaults>
</compile_context>

<pallas_src>
import functools

import jax
import jax.numpy as jnp
from jax import lax
from jax.experimental import pallas as pl
from jax.experimental.pallas import tpu as pltpu
from jax.experimental.pallas import tpu_sc as plsc

N_ATOMS = 1_000_000
B_TOTAL = 16384

NC = 2
NS = 16
LANES = 16

H0 = 500_096
H1 = N_ATOMS - H0
DUMP = H0
SP_WORDS = H0 + 128

CHUNK = B_TOTAL // NS
ROWS = 8
COLS = 128
assert ROWS * COLS == CHUNK

CH = 31_232
CH0_LAST = H0 - 15 * CH
CH1_LAST = H1 - 15 * CH
BUF = max(CH, CH0_LAST, CH1_LAST)

_mesh = plsc.VectorSubcoreMesh(
    core_axis_name="c", subcore_axis_name="s", num_cores=NC, num_subcores=NS
)


@functools.partial(
    pl.kernel,
    out_type=jax.ShapeDtypeStruct((1, N_ATOMS), jnp.float32),
    mesh=_mesh,
    scratch_types=[
        pltpu.VMEM_SHARED((SP_WORDS,), jnp.float32),
        pltpu.VMEM((ROWS, COLS), jnp.int32),
        pltpu.VMEM((ROWS, COLS), jnp.int32),
        pltpu.VMEM((ROWS, COLS), jnp.float32),
        pltpu.VMEM((BUF,), jnp.float32),
        pltpu.VMEM((COLS,), jnp.float32),
    ],
)
def _facts_scatter(v0_hbm, idx_hbm, val_hbm, out_hbm,
                   vsh, idx_raw, idx_loc, vals, bufa, zbuf):
    c = lax.axis_index("c")
    s = lax.axis_index("s")
    base = c * H0
    hsize = H0 - c * (H0 - H1)
    off = pl.multiple_of(s * CH, 128)

    def _fire_init(n, hoff):
        pltpu.sync_copy(v0_hbm.at[0, pl.ds(hoff, n)], bufa.at[pl.ds(0, n)])
        pltpu.sync_copy(bufa.at[pl.ds(0, n)], vsh.at[pl.ds(off, n)])

    @pl.when(s < NS - 1)
    def _init_main():
        _fire_init(CH, base + off)

    @pl.when((s == NS - 1) & (c == 0))
    def _init_last0():
        _fire_init(CH0_LAST, 15 * CH)

    @pl.when((s == NS - 1) & (c == 1))
    def _init_last1():
        _fire_init(CH1_LAST, H0 + 15 * CH)

    pltpu.sync_copy(idx_hbm.at[s], idx_raw)
    pltpu.sync_copy(val_hbm.at[s], vals)

    for r in range(ROWS):
        for k in range(COLS // LANES):
            g = idx_raw[r, pl.ds(k * LANES, LANES)]
            local = g - base
            in_range = (local >= 0) & (local < hsize)
            idx_loc[r, pl.ds(k * LANES, LANES)] = jnp.where(in_range, local, DUMP)

    for k in range(COLS // LANES):
        zbuf[pl.ds(k * LANES, LANES)] = jnp.zeros((LANES,), jnp.float32)

    plsc.subcore_barrier()

    for r in range(ROWS):
        pltpu.sync_copy(vals.at[r], vsh.at[idx_loc.at[r]], add=True)

    pltpu.sync_copy(zbuf, vsh.at[idx_loc.at[ROWS - 1]], add=True)

    plsc.subcore_barrier()

    def _writeback(n, hoff):
        pltpu.sync_copy(vsh.at[pl.ds(off, n)], bufa.at[pl.ds(0, n)])
        @pl.when((c == 0) & (s == 0))
        def _bias():
            lane = lax.iota(jnp.int32, LANES)
            head = bufa[pl.ds(0, LANES)]
            bufa[pl.ds(0, LANES)] = head + jnp.where(
                lane == 0, 1.0, 0.0).astype(jnp.float32)
        pltpu.sync_copy(bufa.at[pl.ds(0, n)], out_hbm.at[0, pl.ds(hoff, n)])

    @pl.when(s < NS - 1)
    def _wb_main():
        _writeback(CH, base + off)

    @pl.when((s == NS - 1) & (c == 0))
    def _wb_last0():
        _writeback(CH0_LAST, 15 * CH)

    @pl.when((s == NS - 1) & (c == 1))
    def _wb_last1():
        _writeback(CH1_LAST, H0 + 15 * CH)


@jax.jit
def kernel(V0, val, bk_idx):
    idx = bk_idx.astype(jnp.int32).reshape(NS, ROWS, COLS)
    vals = val.astype(jnp.float32).reshape(NS, ROWS, COLS)
    return _facts_scatter(V0, idx, vals)

# --- scband reference (transcript-rebuilt; emitter-appended) ---
"""Pipeline reference for scband-facts-converter-18322330485080 (READ-ONLY COPY).

The authoritative reference and input builder live on the scoring server;
editing this copy changes nothing except your own understanding.
"""

import jax, jax.numpy as jnp
import numpy as np

N_ATOMS = 1000000  # len(self.atoms): size of the ground-atom space
B = 16384          # number of atoms present in bk_atoms passed to forward


def setup_inputs(seed: int = 0) -> dict:
    key = jax.random.key(seed)
    k1, _ = jax.random.split(key)
    # V0: the initial valuation vector, torch.zeros(1, len(self.atoms))
    V0 = jnp.zeros((1, N_ATOMS), dtype=jnp.float32)
    # val: the +1.0 increment applied for each atom found in bk_atoms
    val = jnp.ones((B,), dtype=jnp.float32)
    # bk_idx: precomputed indices i such that self.atoms[i] in bk_atoms
    # (the Python membership loop `if atom in bk_atoms` reduced to an index set)
    bk_idx = jax.random.randint(k1, (B,), 0, N_ATOMS)
    return {"V0": V0, "val": val, "bk_idx": bk_idx}


def reference(V0, val, bk_idx):
    # Faithful translation of FactsConverter.convert:
    #   V = torch.zeros(1, len(self.atoms))
    #   for i, atom in enumerate(self.atoms):
    #       if atom in bk_atoms: V[0, i] += 1.0
    #   V[0, 0] += 1.0
    # The membership loop is a scatter-add of 1.0 at the matching indices.
    V = V0.at[0, bk_idx].add(val)
    V = V.at[0, 0].add(1.0)
    return V

if __name__ == "__main__":
    import jax
    _d = setup_inputs()
    print(jax.jit(kernel)(*tuple(_d.values())))

</pallas_src>

<mosaic_0001>
#map = affine_map<(d0, d1) -> (0, 0)>
#map1 = affine_map<(d0, d1) -> (0, 0, 0)>
module attributes {stable_mosaic.version = 14 : i64} {
  func.func @_facts_scatter(%arg0: i32, %arg1: i32, %arg2: memref<1x1000000xf32, #tpu.memory_space<hbm>>, %arg3: memref<16x8x128xi32, #tpu.memory_space<hbm>>, %arg4: memref<16x8x128xf32, #tpu.memory_space<hbm>>, %arg5: memref<1x1000000xf32, #tpu.memory_space<hbm>>, %arg6: memref<500224xf32, #tpu.memory_space<vmem_shared>>, %arg7: memref<8x128xi32, #tpu.memory_space<vmem>>, %arg8: memref<8x128xi32, #tpu.memory_space<vmem>>, %arg9: memref<8x128xf32, #tpu.memory_space<vmem>>, %arg10: memref<31616xf32, #tpu.memory_space<vmem>>, %arg11: memref<128xf32, #tpu.memory_space<vmem>>) attributes {dimension_semantics = [#tpu.dimension_semantics<core_parallel>, #tpu.dimension_semantics<subcore_parallel>], iteration_bounds = array<i64: 2, 16>, scalar_prefetch = 0 : i64, scratch_operands = 6 : i64, tpu.core_type = #tpu.core_type<sc_vector_subcore>, window_params = [{transform_indices = #map}, {transform_indices = #map1}, {transform_indices = #map1}, {transform_indices = #map}]} {
    %mul3A = arith.constant 500096 : i32
    %mul3A_0 = arith.muli %arg0, %mul3A : i32
    %mul3A_1 = arith.constant 192 : i32
    %mul3A_2 = arith.muli %arg0, %mul3A_1 : i32
    %sub3A = arith.constant 500096 : i32
    %sub3A_3 = arith.subi %sub3A, %mul3A_2 : i32
    %mul3A_4 = arith.constant 31232 : i32
    %mul3A_5 = arith.muli %arg1, %mul3A_4 : i32
    %multiple_of3A = tpu.assume_multiple %mul3A_5, 128 : i32
    %lt3A = arith.constant 15 : i32
    %lt3A_6 = arith.cmpi slt, %arg1, %lt3A : i32
    %convert_element_type3A = arith.extui %lt3A_6 : i1 to i32
    %cond3A = arith.constant 0 : i32
    %cond3A_7 = arith.cmpi ne, %convert_element_type3A, %cond3A : i32
    scf.if %cond3A_7 {
      %add3A = arith.addi %mul3A_0, %multiple_of3A : i32
      %run_scoped3A_1510 = arith.constant 0 : i32
      "tpu.region"() ({
        %run_scoped3A_1511 = tpu.sem_alloc : memref<!tpu.dma_semaphore, #tpu.memory_space<semaphore_mem>>
        %dma_start3A = arith.constant 0 : i32
        %dma_start3A_1512 = tpu.memref_slice %arg10[%dma_start3A] : memref<31616xf32, #tpu.memory_space<vmem>> -> memref<31232xf32, #tpu.memory_space<vmem>>
        %dma_start3A_1513 = tpu.memref_slice %arg2[%run_scoped3A_1510, %add3A] : memref<1x1000000xf32, #tpu.memory_space<hbm>> -> memref<1x31232xf32, #tpu.memory_space<hbm>>
        %dma_start3A_1514 = tpu.memref_squeeze %dma_start3A_1513 : memref<1x31232xf32, #tpu.memory_space<hbm>> -> memref<31232xf32, #tpu.memory_space<hbm>>
        %dma_start3A_1515 = arith.constant 0 : i32
        %dma_start3A_1516 = tpu.memref_slice %arg10[%dma_start3A_1515] : memref<31616xf32, #tpu.memory_space<vmem>> -> memref<31232xf32, #tpu.memory_space<vmem>>
        %dma_start3A_1517 = tpu.memref_slice %arg2[%run_scoped3A_1510, %add3A] : memref<1x1000000xf32, #tpu.memory_space<hbm>> -> memref<1x31232xf32, #tpu.memory_space<hbm>>
        %dma_start3A_1518 = tpu.memref_squeeze %dma_start3A_1517 : memref<1x31232xf32, #tpu.memory_space<hbm>> -> memref<31232xf32, #tpu.memory_space<hbm>>
        tpu.enqueue_dma source(%dma_start3A_1518 : memref<31232xf32, #tpu.memory_space<hbm>>) target(%dma_start3A_1516 : memref<31232xf32, #tpu.memory_space<vmem>>) target_semaphore(%run_scoped3A_1511 : memref<!tpu.dma_semaphore, #tpu.memory_space<semaphore_mem>>)
        %dma_wait3A = arith.constant 0 : i32
        %dma_wait3A_1519 = tpu.memref_slice %arg10[%dma_wait3A] : memref<31616xf32, #tpu.memory_space<vmem>> -> memref<31232xf32, #tpu.memory_space<vmem>>
        %dma_wait3A_1520 = tpu.memref_slice %arg2[%run_scoped3A_1510, %add3A] : memref<1x1000000xf32, #tpu.memory_space<hbm>> -> memref<1x31232xf32, #tpu.memory_space<hbm>>
        %dma_wait3A_1521 = tpu.memref_squeeze %dma_wait3A_1520 : memref<1x31232xf32, #tpu.memory_space<hbm>> -> memref<31232xf32, #tpu.memory_space<hbm>>
        %dma_wait3A_1522 = arith.constant 0 : i32
        %dma_wait3A_1523 = tpu.memref_slice %arg10[%dma_wait3A_1522] : memref<31616xf32, #tpu.memory_space<vmem>> -> memref<31232xf32, #tpu.memory_space<vmem>>
        %dma_wait3A_1524 = tpu.memref_slice %arg2[%run_scoped3A_1510, %add3A] : memref<1x1000000xf32, #tpu.memory_space<hbm>> -> memref<1x31232xf32, #tpu.memory_space<hbm>>
        %dma_wait3A_1525 = tpu.memref_squeeze %dma_wait3A_1524 : memref<1x31232xf32, #tpu.memory_space<hbm>> -> memref<31232xf32, #tpu.memory_space<hbm>>
        tpu.wait_dma2 semaphore(%run_scoped3A_1511 : memref<!tpu.dma_semaphore, #tpu.memory_space<semaphore_mem>>) src(%dma_wait3A_1525 : memref<31232xf32, #tpu.memory_space<hbm>>) dst(%dma_wait3A_1523 : memref<31232xf32, #tpu.memory_space<vmem>>)
        tpu.yield
      }) : () -> ()
      "tpu.region"() ({
        %run_scoped3A_1511 = tpu.sem_alloc : memref<!tpu.dma_semaphore, #tpu.memory_space<semaphore_mem>>
        %dma_start3A = arith.constant 0 : i32
        %dma_start3A_1512 = tpu.memref_slice %arg10[%dma_start3A] : memref<31616xf32, #tpu.memory_space<vmem>> -> memref<31232xf32, #tpu.memory_space<vmem>>
        %dma_start3A_1513 = tpu.memref_slice %arg6[%multiple_of3A] : memref<500224xf32, #tpu.memory_space<vmem_shared>> -> memref<31232xf32, #tpu.memory_space<vmem_shared>>
        %dma_start3A_1514 = tpu.memref_slice %arg6[%multiple_of3A] : memref<500224xf32, #tpu.memory_space<vmem_shared>> -> memref<31232xf32, #tpu.memory_space<vmem_shared>>
        %dma_start3A_1515 = arith.constant 0 : i32
        %dma_start3A_1516 = tpu.memref_slice %arg10[%dma_start3A_1515] : memref<31616xf32, #tpu.memory_space<vmem>> -> memref<31232xf32, #tpu.memory_space<vmem>>
        tpu.enqueue_dma source(%dma_start3A_1516 : memref<31232xf32, #tpu.memory_space<vmem>>) target(%dma_start3A_1514 : memref<31232xf32, #tpu.memory_space<vmem_shared>>) target_semaphore(%run_scoped3A_1511 : memref<!tpu.dma_semaphore, #tpu.memory_space<semaphore_mem>>)
        %dma_wait3A = arith.constant 0 : i32
        %dma_wait3A_1517 = tpu.memref_slice %arg10[%dma_wait3A] : memref<31616xf32, #tpu.memory_space<vmem>> -> memref<31232xf32, #tpu.memory_space<vmem>>
        %dma_wait3A_1518 = tpu.memref_slice %arg6[%multiple_of3A] : memref<500224xf32, #tpu.memory_space<vmem_shared>> -> memref<31232xf32, #tpu.memory_space<vmem_shared>>
        %dma_wait3A_1519 = tpu.memref_slice %arg6[%multiple_of3A] : memref<500224xf32, #tpu.memory_space<vmem_shared>> -> memref<31232xf32, #tpu.memory_space<vmem_shared>>
        %dma_wait3A_1520 = arith.constant 0 : i32
        %dma_wait3A_1521 = tpu.memref_slice %arg10[%dma_wait3A_1520] : memref<31616xf32, #tpu.memory_space<vmem>> -> memref<31232xf32, #tpu.memory_space<vmem>>
        tpu.wait_dma2 semaphore(%run_scoped3A_1511 : memref<!tpu.dma_semaphore, #tpu.memory_space<semaphore_mem>>) src(%dma_wait3A_1521 : memref<31232xf32, #tpu.memory_space<vmem>>) dst(%dma_wait3A_1519 : memref<31232xf32, #tpu.memory_space<vmem_shared>>)
        tpu.yield
      }) : () -> ()
    } else {
    }
    %eq3A = arith.constant 15 : i32
    %eq3A_8 = arith.cmpi eq, %arg1, %eq3A : i32
    %eq3A_9 = arith.constant 0 : i32
    %eq3A_10 = arith.cmpi eq, %arg0, %eq3A_9 : i32
    %and3A = arith.andi %eq3A_8, %eq3A_10 : i1
    %convert_element_type3A_11 = arith.extui %and3A : i1 to i32
    %cond3A_12 = arith.constant 0 : i32
    %cond3A_13 = arith.cmpi ne, %convert_element_type3A_11, %cond3A_12 : i32
    scf.if %cond3A_13 {
      %run_scoped3A_1510 = arith.constant 0 : i32
      "tpu.region"() ({
        %run_scoped3A_1511 = tpu.sem_alloc : memref<!tpu.dma_semaphore, #tpu.memory_space<semaphore_mem>>
        %dma_start3A = arith.constant 0 : i32
        %dma_start3A_1512 = tpu.memref_slice %arg10[%dma_start3A] : memref<31616xf32, #tpu.memory_space<vmem>> -> memref<31616xf32, #tpu.memory_space<vmem>>
        %dma_start3A_1513 = arith.constant 468480 : i32
        %dma_start3A_1514 = tpu.memref_slice %arg2[%run_scoped3A_1510, %dma_start3A_1513] : memref<1x1000000xf32, #tpu.memory_space<hbm>> -> memref<1x31616xf32, #tpu.memory_space<hbm>>
        %dma_start3A_1515 = tpu.memref_squeeze %dma_start3A_1514 : memref<1x31616xf32, #tpu.memory_space<hbm>> -> memref<31616xf32, #tpu.memory_space<hbm>>
        %dma_start3A_1516 = arith.constant 0 : i32
        %dma_start3A_1517 = tpu.memref_slice %arg10[%dma_start3A_1516] : memref<31616xf32, #tpu.memory_space<vmem>> -> memref<31616xf32, #tpu.memory_space<vmem>>
        %dma_start3A_1518 = arith.constant 468480 : i32
        %dma_start3A_1519 = tpu.memref_slice %arg2[%run_scoped3A_1510, %dma_start3A_1518] : memref<1x1000000xf32, #tpu.memory_space<hbm>> -> memref<1x31616xf32, #tpu.memory_space<hbm>>
        %dma_start3A_1520 = tpu.memref_squeeze %dma_start3A_1519 : memref<1x31616xf32, #tpu.memory_space<hbm>> -> memref<31616xf32, #tpu.memory_space<hbm>>
        tpu.enqueue_dma source(%dma_start3A_1520 : memref<31616xf32, #tpu.memory_space<hbm>>) target(%dma_start3A_1517 : memref<31616xf32, #tpu.memory_space<vmem>>) target_semaphore(%run_scoped3A_1511 : memref<!tpu.dma_semaphore, #tpu.memory_space<semaphore_mem>>)
        %dma_wait3A = arith.constant 0 : i32
        %dma_wait3A_1521 = tpu.memref_slice %arg10[%dma_wait3A] : memref<31616xf32, #tpu.memory_space<vmem>> -> memref<31616xf32, #tpu.memory_space<vmem>>
        %dma_wait3A_1522 = arith.constant 468480 : i32
        %dma_wait3A_1523 = tpu.memref_slice %arg2[%run_scoped3A_1510, %dma_wait3A_1522] : memref<1x1000000xf32, #tpu.memory_space<hbm>> -> memref<1x31616xf32, #tpu.memory_space<hbm>>
        %dma_wait3A_1524 = tpu.memref_squeeze %dma_wait3A_1523 : memref<1x31616xf32, #tpu.memory_space<hbm>> -> memref<31616xf32, #tpu.memory_space<hbm>>
        %dma_wait3A_1525 = arith.constant 0 : i32
        %dma_wait3A_1526 = tpu.memref_slice %arg10[%dma_wait3A_1525] : memref<31616xf32, #tpu.memory_space<vmem>> -> memref<31616xf32, #tpu.memory_space<vmem>>
        %dma_wait3A_1527 = arith.constant 468480 : i32
        %dma_wait3A_1528 = tpu.memref_slice %arg2[%run_scoped3A_1510, %dma_wait3A_1527] : memref<1x1000000xf32, #tpu.memory_space<hbm>> -> memref<1x31616xf32, #tpu.memory_space<hbm>>
        %dma_wait3A_1529 = tpu.memref_squeeze %dma_wait3A_1528 : memref<1x31616xf32, #tpu.memory_space<hbm>> -> memref<31616xf32, #tpu.memory_space<hbm>>
        tpu.wait_dma2 semaphore(%run_scoped3A_1511 : memref<!tpu.dma_semaphore, #tpu.memory_space<semaphore_mem>>) src(%dma_wait3A_1529 : memref<31616xf32, #tpu.memory_space<hbm>>) dst(%dma_wait3A_1526 : memref<31616xf32, #tpu.memory_space<vmem>>)
        tpu.yield
      }) : () -> ()
      "tpu.region"() ({
        %run_scoped3A_1511 = tpu.sem_alloc : memref<!tpu.dma_semaphore, #tpu.memory_space<semaphore_mem>>
        %dma_start3A = arith.constant 0 : i32
        %dma_start3A_1512 = tpu.memref_slice %arg10[%dma_start3A] : memref<31616xf32, #tpu.memory_space<vmem>> -> memref<31616xf32, #tpu.memory_space<vmem>>
        %dma_start3A_1513 = tpu.memref_slice %arg6[%multiple_of3A] : memref<500224xf32, #tpu.memory_space<vmem_shared>> -> memref<31616xf32, #tpu.memory_space<vmem_shared>>
        %dma_start3A_1514 = tpu.memref_slice %arg6[%multiple_of3A] : memref<500224xf32, #tpu.memory_space<vmem_shared>> -> memref<31616xf32, #tpu.memory_space<vmem_shared>>
        %dma_start3A_1515 = arith.constant 0 : i32
        %dma_start3A_1516 = tpu.memref_slice %arg10[%dma_start3A_1515] : memref<31616xf32, #tpu.memory_space<vmem>> -> memref<31616xf32, #tpu.memory_space<vmem>>
        tpu.enqueue_dma source(%dma_start3A_1516 : memref<31616xf32, #tpu.memory_space<vmem>>) target(%dma_start3A_1514 : memref<31616xf32, #tpu.memory_space<vmem_shared>>) target_semaphore(%run_scoped3A_1511 : memref<!tpu.dma_semaphore, #tpu.memory_space<semaphore_mem>>)
        %dma_wait3A = arith.constant 0 : i32
        %dma_wait3A_1517 = tpu.memref_slice %arg10[%dma_wait3A] : memref<31616xf32, #tpu.memory_space<vmem>> -> memref<31616xf32, #tpu.memory_space<vmem>>
        %dma_wait3A_1518 = tpu.memref_slice %arg6[%multiple_of3A] : memref<500224xf32, #tpu.memory_space<vmem_shared>> -> memref<31616xf32, #tpu.memory_space<vmem_shared>>
        %dma_wait3A_1519 = tpu.memref_slice %arg6[%multiple_of3A] : memref<500224xf32, #tpu.memory_space<vmem_shared>> -> memref<31616xf32, #tpu.memory_space<vmem_shared>>
        %dma_wait3A_1520 = arith.constant 0 : i32
        %dma_wait3A_1521 = tpu.memref_slice %arg10[%dma_wait3A_1520] : memref<31616xf32, #tpu.memory_space<vmem>> -> memref<31616xf32, #tpu.memory_space<vmem>>
        tpu.wait_dma2 semaphore(%run_scoped3A_1511 : memref<!tpu.dma_semaphore, #tpu.memory_space<semaphore_mem>>) src(%dma_wait3A_1521 : memref<31616xf32, #tpu.memory_space<vmem>>) dst(%dma_wait3A_1519 : memref<31616xf32, #tpu.memory_space<vmem_shared>>)
        tpu.yield
      }) : () -> ()
    } else {
    }
    %eq3A_14 = arith.constant 15 : i32
    %eq3A_15 = arith.cmpi eq, %arg1, %eq3A_14 : i32
    %eq3A_16 = arith.constant 1 : i32
    %eq3A_17 = arith.cmpi eq, %arg0, %eq3A_16 : i32
    %and3A_18 = arith.andi %eq3A_15, %eq3A_17 : i1
    %convert_element_type3A_19 = arith.extui %and3A_18 : i1 to i32
    %cond3A_20 = arith.constant 0 : i32
    %cond3A_21 = arith.cmpi ne, %convert_element_type3A_19, %cond3A_20 : i32
    scf.if %cond3A_21 {
      %run_scoped3A_1510 = arith.constant 0 : i32
      "tpu.region"() ({
        %run_scoped3A_1511 = tpu.sem_alloc : memref<!tpu.dma_semaphore, #tpu.memory_space<semaphore_mem>>
        %dma_start3A = arith.constant 0 : i32
        %dma_start3A_1512 = tpu.memref_slice %arg10[%dma_start3A] : memref<31616xf32, #tpu.memory_space<vmem>> -> memref<31424xf32, #tpu.memory_space<vmem>>
        %dma_start3A_1513 = arith.constant 968576 : i32
        %dma_start3A_1514 = tpu.memref_slice %arg2[%run_scoped3A_1510, %dma_start3A_1513] : memref<1x1000000xf32, #tpu.memory_space<hbm>> -> memref<1x31424xf32, #tpu.memory_space<hbm>>
        %dma_start3A_1515 = tpu.memref_squeeze %dma_start3A_1514 : memref<1x31424xf32, #tpu.memory_space<hbm>> -> memref<31424xf32, #tpu.memory_space<hbm>>
        %dma_start3A_1516 = arith.constant 0 : i32
        %dma_start3A_1517 = tpu.memref_slice %arg10[%dma_start3A_1516] : memref<31616xf32, #tpu.memory_space<vmem>> -> memref<31424xf32, #tpu.memory_space<vmem>>
        %dma_start3A_1518 = arith.constant 968576 : i32
        %dma_start3A_1519 = tpu.memref_slice %arg2[%run_scoped3A_1510, %dma_start3A_1518] : memref<1x1000000xf32, #tpu.memory_space<hbm>> -> memref<1x31424xf32, #tpu.memory_space<hbm>>
        %dma_start3A_1520 = tpu.memref_squeeze %dma_start3A_1519 : memref<1x31424xf32, #tpu.memory_space<hbm>> -> memref<31424xf32, #tpu.memory_space<hbm>>
        tpu.enqueue_dma source(%dma_start3A_1520 : memref<31424xf32, #tpu.memory_space<hbm>>) target(%dma_start3A_1517 : memref<31424xf32, #tpu.memory_space<vmem>>) target_semaphore(%run_scoped3A_1511 : memref<!tpu.dma_semaphore, #tpu.memory_space<semaphore_mem>>)
        %dma_wait3A = arith.constant 0 : i32
        %dma_wait3A_1521 = tpu.memref_slice %arg10[%dma_wait3A] : memref<31616xf32, #tpu.memory_space<vmem>> -> memref<31424xf32, #tpu.memory_space<vmem>>
        %dma_wait3A_1522 = arith.constant 968576 : i32
        %dma_wait3A_1523 = tpu.memref_slice %arg2[%run_scoped3A_1510, %dma_wait3A_1522] : memref<1x1000000xf32, #tpu.memory_space<hbm>> -> memref<1x31424xf32, #tpu.memory_space<hbm>>
        %dma_wait3A_1524 = tpu.memref_squeeze %dma_wait3A_1523 : memref<1x31424xf32, #tpu.memory_space<hbm>> -> memref<31424xf32, #tpu.memory_space<hbm>>
        %dma_wait3A_1525 = arith.constant 0 : i32
        %dma_wait3A_1526 = tpu.memref_slice %arg10[%dma_wait3A_1525] : memref<31616xf32, #tpu.memory_space<vmem>> -> memref<31424xf32, #tpu.memory_space<vmem>>
        %dma_wait3A_1527 = arith.constant 968576 : i32
        %dma_wait3A_1528 = tpu.memref_slice %arg2[%run_scoped3A_1510, %dma_wait3A_1527] : memref<1x1000000xf32, #tpu.memory_space<hbm>> -> memref<1x31424xf32, #tpu.memory_space<hbm>>
        %dma_wait3A_1529 = tpu.memref_squeeze %dma_wait3A_1528 : memref<1x31424xf32, #tpu.memory_space<hbm>> -> memref<31424xf32, #tpu.memory_space<hbm>>
        tpu.wait_dma2 semaphore(%run_scoped3A_1511 : memref<!tpu.dma_semaphore, #tpu.memory_space<semaphore_mem>>) src(%dma_wait3A_1529 : memref<31424xf32, #tpu.memory_space<hbm>>) dst(%dma_wait3A_1526 : memref<31424xf32, #tpu.memory_space<vmem>>)
        tpu.yield
      }) : () -> ()
      "tpu.region"() ({
        %run_scoped3A_1511 = tpu.sem_alloc : memref<!tpu.dma_semaphore, #tpu.memory_space<semaphore_mem>>
        %dma_start3A = arith.constant 0 : i32
        %dma_start3A_1512 = tpu.memref_slice %arg10[%dma_start3A] : memref<31616xf32, #tpu.memory_space<vmem>> -> memref<31424xf32, #tpu.memory_space<vmem>>
        %dma_start3A_1513 = tpu.memref_slice %arg6[%multiple_of3A] : memref<500224xf32, #tpu.memory_space<vmem_shared>> -> memref<31424xf32, #tpu.memory_space<vmem_shared>>
        %dma_start3A_1514 = tpu.memref_slice %arg6[%multiple_of3A] : memref<500224xf32, #tpu.memory_space<vmem_shared>> -> memref<31424xf32, #tpu.memory_space<vmem_shared>>
        %dma_start3A_1515 = arith.constant 0 : i32
        %dma_start3A_1516 = tpu.memref_slice %arg10[%dma_start3A_1515] : memref<31616xf32, #tpu.memory_space<vmem>> -> memref<31424xf32, #tpu.memory_space<vmem>>
        tpu.enqueue_dma source(%dma_start3A_1516 : memref<31424xf32, #tpu.memory_space<vmem>>) target(%dma_start3A_1514 : memref<31424xf32, #tpu.memory_space<vmem_shared>>) target_semaphore(%run_scoped3A_1511 : memref<!tpu.dma_semaphore, #tpu.memory_space<semaphore_mem>>)
        %dma_wait3A = arith.constant 0 : i32
        %dma_wait3A_1517 = tpu.memref_slice %arg10[%dma_wait3A] : memref<31616xf32, #tpu.memory_space<vmem>> -> memref<31424xf32, #tpu.memory_space<vmem>>
        %dma_wait3A_1518 = tpu.memref_slice %arg6[%multiple_of3A] : memref<500224xf32, #tpu.memory_space<vmem_shared>> -> memref<31424xf32, #tpu.memory_space<vmem_shared>>
        %dma_wait3A_1519 = tpu.memref_slice %arg6[%multiple_of3A] : memref<500224xf32, #tpu.memory_space<vmem_shared>> -> memref<31424xf32, #tpu.memory_space<vmem_shared>>
        %dma_wait3A_1520 = arith.constant 0 : i32
        %dma_wait3A_1521 = tpu.memref_slice %arg10[%dma_wait3A_1520] : memref<31616xf32, #tpu.memory_space<vmem>> -> memref<31424xf32, #tpu.memory_space<vmem>>
        tpu.wait_dma2 semaphore(%run_scoped3A_1511 : memref<!tpu.dma_semaphore, #tpu.memory_space<semaphore_mem>>) src(%dma_wait3A_1521 : memref<31424xf32, #tpu.memory_space<vmem>>) dst(%dma_wait3A_1519 : memref<31424xf32, #tpu.memory_space<vmem_shared>>)
        tpu.yield
      }) : () -> ()
    } else {
    }
    "tpu.region"() ({
      %run_scoped3A_1510 = tpu.sem_alloc : memref<!tpu.dma_semaphore, #tpu.memory_space<semaphore_mem>>
      %dma_start3A = arith.constant 0 : i32
      %dma_start3A_1511 = arith.constant 0 : i32
      %dma_start3A_1512 = tpu.memref_slice %arg3[%arg1, %dma_start3A, %dma_start3A_1511] : memref<16x8x128xi32, #tpu.memory_space<hbm>> -> memref<1x8x128xi32, #tpu.memory_space<hbm>>
      %dma_start3A_1513 = tpu.memref_squeeze %dma_start3A_1512 : memref<1x8x128xi32, #tpu.memory_space<hbm>> -> memref<8x128xi32, #tpu.memory_space<hbm>>
      %dma_start3A_1514 = arith.constant 0 : i32
      %dma_start3A_1515 = arith.constant 0 : i32
      %dma_start3A_1516 = tpu.memref_slice %arg3[%arg1, %dma_start3A_1514, %dma_start3A_1515] : memref<16x8x128xi32, #tpu.memory_space<hbm>> -> memref<1x8x128xi32, #tpu.memory_space<hbm>>
      %dma_start3A_1517 = tpu.memref_squeeze %dma_start3A_1516 : memref<1x8x128xi32, #tpu.memory_space<hbm>> -> memref<8x128xi32, #tpu.memory_space<hbm>>
      tpu.enqueue_dma source(%dma_start3A_1517 : memref<8x128xi32, #tpu.memory_space<hbm>>) target(%arg7 : memref<8x128xi32, #tpu.memory_space<vmem>>) target_semaphore(%run_scoped3A_1510 : memref<!tpu.dma_semaphore, #tpu.memory_space<semaphore_mem>>)
      %dma_wait3A = arith.constant 0 : i32
      %dma_wait3A_1518 = arith.constant 0 : i32
      %dma_wait3A_1519 = tpu.memref_slice %arg3[%arg1, %dma_wait3A, %dma_wait3A_1518] : memref<16x8x128xi32, #tpu.memory_space<hbm>> -> memref<1x8x128xi32, #tpu.memory_space<hbm>>
      %dma_wait3A_1520 = tpu.memref_squeeze %dma_wait3A_1519 : memref<1x8x128xi32, #tpu.memory_space<hbm>> -> memref<8x128xi32, #tpu.memory_space<hbm>>
      %dma_wait3A_1521 = arith.constant 0 : i32
      %dma_wait3A_1522 = arith.constant 0 : i32
      %dma_wait3A_1523 = tpu.memref_slice %arg3[%arg1, %dma_wait3A_1521, %dma_wait3A_1522] : memref<16x8x128xi32, #tpu.memory_space<hbm>> -> memref<1x8x128xi32, #tpu.memory_space<hbm>>
      %dma_wait3A_1524 = tpu.memref_squeeze %dma_wait3A_1523 : memref<1x8x128xi32, #tpu.memory_space<hbm>> -> memref<8x128xi32, #tpu.memory_space<hbm>>
      tpu.wait_dma2 semaphore(%run_scoped3A_1510 : memref<!tpu.dma_semaphore, #tpu.memory_space<semaphore_mem>>) src(%dma_wait3A_1524 : memref<8x128xi32, #tpu.memory_space<hbm>>) dst(%arg7 : memref<8x128xi32, #tpu.memory_space<vmem>>)
      tpu.yield
    }) : () -> ()
    "tpu.region"() ({
      %run_scoped3A_1510 = tpu.sem_alloc : memref<!tpu.dma_semaphore, #tpu.memory_space<semaphore_mem>>
      %dma_start3A = arith.constant 0 : i32
      %dma_start3A_1511 = arith.constant 0 : i32
      %dma_start3A_1512 = tpu.memref_slice %arg4[%arg1, %dma_start3A, %dma_start3A_1511] : memref<16x8x128xf32, #tpu.memory_space<hbm>> -> memref<1x8x128xf32, #tpu.memory_space<hbm>>
      %dma_start3A_1513 = tpu.memref_squeeze %dma_start3A_1512 : memref<1x8x128xf32, #tpu.memory_space<hbm>> -> memref<8x128xf32, #tpu.memory_space<hbm>>
      %dma_start3A_1514 = arith.constant 0 : i32
      %dma_start3A_1515 = arith.constant 0 : i32
      %dma_start3A_1516 = tpu.memref_slice %arg4[%arg1, %dma_start3A_1514, %dma_start3A_1515] : memref<16x8x128xf32, #tpu.memory_space<hbm>> -> memref<1x8x128xf32, #tpu.memory_space<hbm>>
      %dma_start3A_1517 = tpu.memref_squeeze %dma_start3A_1516 : memref<1x8x128xf32, #tpu.memory_space<hbm>> -> memref<8x128xf32, #tpu.memory_space<hbm>>
      tpu.enqueue_dma source(%dma_start3A_1517 : memref<8x128xf32, #tpu.memory_space<hbm>>) target(%arg9 : memref<8x128xf32, #tpu.memory_space<vmem>>) target_semaphore(%run_scoped3A_1510 : memref<!tpu.dma_semaphore, #tpu.memory_space<semaphore_mem>>)
      %dma_wait3A = arith.constant 0 : i32
      %dma_wait3A_1518 = arith.constant 0 : i32
      %dma_wait3A_1519 = tpu.memref_slice %arg4[%arg1, %dma_wait3A, %dma_wait3A_1518] : memref<16x8x128xf32, #tpu.memory_space<hbm>> -> memref<1x8x128xf32, #tpu.memory_space<hbm>>
      %dma_wait3A_1520 = tpu.memref_squeeze %dma_wait3A_1519 : memref<1x8x128xf32, #tpu.memory_space<hbm>> -> memref<8x128xf32, #tpu.memory_space<hbm>>
      %dma_wait3A_1521 = arith.constant 0 : i32
      %dma_wait3A_1522 = arith.constant 0 : i32
      %dma_wait3A_1523 = tpu.memref_slice %arg4[%arg1, %dma_wait3A_1521, %dma_wait3A_1522] : memref<16x8x128xf32, #tpu.memory_space<hbm>> -> memref<1x8x128xf32, #tpu.memory_space<hbm>>
      %dma_wait3A_1524 = tpu.memref_squeeze %dma_wait3A_1523 : memref<1x8x128xf32, #tpu.memory_space<hbm>> -> memref<8x128xf32, #tpu.memory_space<hbm>>
      tpu.wait_dma2 semaphore(%run_scoped3A_1510 : memref<!tpu.dma_semaphore, #tpu.memory_space<semaphore_mem>>) src(%dma_wait3A_1524 : memref<8x128xf32, #tpu.memory_space<hbm>>) dst(%arg9 : memref<8x128xf32, #tpu.memory_space<vmem>>)
      tpu.yield
    }) : () -> ()
    %get3A = arith.constant 0 : i32
    %get3A_22 = arith.index_cast %get3A : i32 to index
    %get3A_23 = arith.constant 0 : index
    %get3A_24 = tpu.vector_load %arg7[%get3A_22, %get3A_23] {strides = array<i32>} : memref<8x128xi32, #tpu.memory_space<vmem>>, vector<1x16xi32>,
    %get3A_25 = vector.shape_cast %get3A_24 : vector<1x16xi32> to vector<16xi32>
    %sub3A_26 = vector.broadcast %mul3A_0 : i32 to vector<16xi32>
    %sub3A_27 = arith.subi %get3A_25, %sub3A_26 : vector<16xi32>
    %ge3A = arith.constant 0 : i32
    %ge3A_28 = vector.broadcast %ge3A : i32 to vector<16xi32>
    %ge3A_29 = arith.cmpi sge, %sub3A_27, %ge3A_28 : vector<16xi32>
    %lt3A_30 = vector.broadcast %sub3A_3 : i32 to vector<16xi32>
    %lt3A_31 = arith.cmpi slt, %sub3A_27, %lt3A_30 : vector<16xi32>
    %and3A_32 = arith.andi %ge3A_29, %lt3A_31 : vector<16xi1>
    %jit3A = arith.constant 500096 : i32
    %broadcast_in_dim3A = vector.broadcast %jit3A : i32 to vector<16xi32>
    %select_n3A = arith.select %and3A_32, %sub3A_27, %broadcast_in_dim3A : vector<16xi1>, vector<16xi32>
    %swap3A = arith.constant 0 : i32
    %swap3A_33 = arith.index_cast %swap3A : i32 to index
    %swap3A_34 = arith.constant 0 : index
    %swap3A_35 = tpu.vector_load %arg8[%swap3A_33, %swap3A_34] {strides = array<i32>} : memref<8x128xi32, #tpu.memory_space<vmem>>, vector<1x16xi32>,
    %swap3A_36 = vector.shape_cast %swap3A_35 : vector<1x16xi32> to vector<16xi32>
    %swap3A_37 = vector.shape_cast %select_n3A : vector<16xi32> to vector<1x16xi32>
    tpu.vector_store %arg8[%swap3A_33, %swap3A_34], %swap3A_37 {strides = array<i32>} : memref<8x128xi32, #tpu.memory_space<vmem>>, vector<1x16xi32>,
    %get3A_38 = arith.constant 0 : i32
    %get3A_39 = arith.index_cast %get3A_38 : i32 to index
    %get3A_40 = arith.constant 16 : index
    %get3A_41 = tpu.vector_load %arg7[%get3A_39, %get3A_40] {strides = array<i32>} : memref<8x128xi32, #tpu.memory_space<vmem>>, vector<1x16xi32>,
    %get3A_42 = vector.shape_cast %get3A_41 : vector<1x16xi32> to vector<16xi32>
    %sub3A_43 = vector.broadcast %mul3A_0 : i32 to vector<16xi32>
    %sub3A_44 = arith.subi %get3A_42, %sub3A_43 : vector<16xi32>
    %ge3A_45 = arith.constant 0 : i32
    %ge3A_46 = vector.broadcast %ge3A_45 : i32 to vector<16xi32>
    %ge3A_47 = arith.cmpi sge, %sub3A_44, %ge3A_46 : vector<16xi32>
    %lt3A_48 = vector.broadcast %sub3A_3 : i32 to vector<16xi32>
    %lt3A_49 = arith.cmpi slt, %sub3A_44, %lt3A_48 : vector<16xi32>
    %and3A_50 = arith.andi %ge3A_47, %lt3A_49 : vector<16xi1>
    %jit3A_51 = arith.constant 500096 : i32
    %broadcast_in_dim3A_52 = vector.broadcast %jit3A_51 : i32 to vector<16xi32>
    %select_n3A_53 = arith.select %and3A_50, %sub3A_44, %broadcast_in_dim3A_52 : vector<16xi1>, vector<16xi32>
    %swap3A_54 = arith.constant 0 : i32
    %swap3A_55 = arith.index_cast %swap3A_54 : i32 to index
    %swap3A_56 = arith.constant 16 : index
    %swap3A_57 = tpu.vector_load %arg8[%swap3A_55, %swap3A_56] {strides = array<i32>} : memref<8x128xi32, #tpu.memory_space<vmem>>, vector<1x16xi32>,
    %swap3A_58 = vector.shape_cast %swap3A_57 : vector<1x16xi32> to vector<16xi32>
    %swap3A_59 = vector.shape_cast %select_n3A_53 : vector<16xi32> to vector<1x16xi32>
    tpu.vector_store %arg8[%swap3A_55, %swap3A_56], %swap3A_59 {strides = array<i32>} : memref<8x128xi32, #tpu.memory_space<vmem>>, vector<1x16xi32>,
    %get3A_60 = arith.constant 0 : i32
    %get3A_61 = arith.index_cast %get3A_60 : i32 to index
    %get3A_62 = arith.constant 32 : index
    %get3A_63 = tpu.vector_load %arg7[%get3A_61, %get3A_62] {strides = array<i32>} : memref<8x128xi32, #tpu.memory_space<vmem>>, vector<1x16xi32>,
    %get3A_64 = vector.shape_cast %get3A_63 : vector<1x16xi32> to vector<16xi32>
    %sub3A_65 = vector.broadcast %mul3A_0 : i32 to vector<16xi32>
    %sub3A_66 = arith.subi %get3A_64, %sub3A_65 : vector<16xi32>
    %ge3A_67 = arith.constant 0 : i32
    %ge3A_68 = vector.broadcast %ge3A_67 : i32 to vector<16xi32>
    %ge3A_69 = arith.cmpi sge, %sub3A_66, %ge3A_68 : vector<16xi32>
    %lt3A_70 = vector.broadcast %sub3A_3 : i32 to vector<16xi32>
    %lt3A_71 = arith.cmpi slt, %sub3A_66, %lt3A_70 : vector<16xi32>
    %and3A_72 = arith.andi %ge3A_69, %lt3A_71 : vector<16xi1>
    %jit3A_73 = arith.constant 500096 : i32
    %broadcast_in_dim3A_74 = vector.broadcast %jit3A_73 : i32 to vector<16xi32>
    %select_n3A_75 = arith.select %and3A_72, %sub3A_66, %broadcast_in_dim3A_74 : vector<16xi1>, vector<16xi32>
    %swap3A_76 = arith.constant 0 : i32
    %swap3A_77 = arith.index_cast %swap3A_76 : i32 to index
    %swap3A_78 = arith.constant 32 : index
    %swap3A_79 = tpu.vector_load %arg8[%swap3A_77, %swap3A_78] {strides = array<i32>} : memref<8x128xi32, #tpu.memory_space<vmem>>, vector<1x16xi32>,
    %swap3A_80 = vector.shape_cast %swap3A_79 : vector<1x16xi32> to vector<16xi32>
    %swap3A_81 = vector.shape_cast %select_n3A_75 : vector<16xi32> to vector<1x16xi32>
    tpu.vector_store %arg8[%swap3A_77, %swap3A_78], %swap3A_81 {strides = array<i32>} : memref<8x128xi32, #tpu.memory_space<vmem>>, vector<1x16xi32>,
    %get3A_82 = arith.constant 0 : i32
    %get3A_83 = arith.index_cast %get3A_82 : i32 to index
    %get3A_84 = arith.constant 48 : index
    %get3A_85 = tpu.vector_load %arg7[%get3A_83, %get3A_84] {strides = array<i32>} : memref<8x128xi32, #tpu.memory_space<vmem>>, vector<1x16xi32>,
    %get3A_86 = vector.shape_cast %get3A_85 : vector<1x16xi32> to vector<16xi32>
    %sub3A_87 = vector.broadcast %mul3A_0 : i32 to vector<16xi32>
    %sub3A_88 = arith.subi %get3A_86, %sub3A_87 : vector<16xi32>
    %ge3A_89 = arith.constant 0 : i32
    %ge3A_90 = vector.broadcast %ge3A_89 : i32 to vector<16xi32>
    %ge3A_91 = arith.cmpi sge, %sub3A_88, %ge3A_90 : vector<16xi32>
    %lt3A_92 = vector.broadcast %sub3A_3 : i32 to vector<16xi32>
    %lt3A_93 = arith.cmpi slt, %sub3A_88, %lt3A_92 : vector<16xi32>
    %and3A_94 = arith.andi %ge3A_91, %lt3A_93 : vector<16xi1>
    %jit3A_95 = arith.constant 500096 : i32
    %broadcast_in_dim3A_96 = vector.broadcast %jit3A_95 : i32 to vector<16xi32>
    %select_n3A_97 = arith.select %and3A_94, %sub3A_88, %broadcast_in_dim3A_96 : vector<16xi1>, vector<16xi32>
    %swap3A_98 = arith.constant 0 : i32
    %swap3A_99 = arith.index_cast %swap3A_98 : i32 to index
    %swap3A_100 = arith.constant 48 : index
    %swap3A_101 = tpu.vector_load %arg8[%swap3A_99, %swap3A_100] {strides = array<i32>} : memref<8x128xi32, #tpu.memory_space<vmem>>, vector<1x16xi32>,
    %swap3A_102 = vector.shape_cast %swap3A_101 : vector<1x16xi32> to vector<16xi32>
    %swap3A_103 = vector.shape_cast %select_n3A_97 : vector<16xi32> to vector<1x16xi32>
    tpu.vector_store %arg8[%swap3A_99, %swap3A_100], %swap3A_103 {strides = array<i32>} : memref<8x128xi32, #tpu.memory_space<vmem>>, vector<1x16xi32>,
    %get3A_104 = arith.constant 0 : i32
    %get3A_105 = arith.index_cast %get3A_104 : i32 to index
    %get3A_106 = arith.constant 64 : index
    %get3A_107 = tpu.vector_load %arg7[%get3A_105, %get3A_106] {strides = array<i32>} : memref<8x128xi32, #tpu.memory_space<vmem>>, vector<1x16xi32>,
    %get3A_108 = vector.shape_cast %get3A_107 : vector<1x16xi32> to vector<16xi32>
    %sub3A_109 = vector.broadcast %mul3A_0 : i32 to vector<16xi32>
    %sub3A_110 = arith.subi %get3A_108, %sub3A_109 : vector<16xi32>
    %ge3A_111 = arith.constant 0 : i32
    %ge3A_112 = vector.broadcast %ge3A_111 : i32 to vector<16xi32>
    %ge3A_113 = arith.cmpi sge, %sub3A_110, %ge3A_112 : vector<16xi32>
    %lt3A_114 = vector.broadcast %sub3A_3 : i32 to vector<16xi32>
    %lt3A_115 = arith.cmpi slt, %sub3A_110, %lt3A_114 : vector<16xi32>
    %and3A_116 = arith.andi %ge3A_113, %lt3A_115 : vector<16xi1>
    %jit3A_117 = arith.constant 500096 : i32
    %broadcast_in_dim3A_118 = vector.broadcast %jit3A_117 : i32 to vector<16xi32>
    %select_n3A_119 = arith.select %and3A_116, %sub3A_110, %broadcast_in_dim3A_118 : vector<16xi1>, vector<16xi32>
    %swap3A_120 = arith.constant 0 : i32
    %swap3A_121 = arith.index_cast %swap3A_120 : i32 to index
    %swap3A_122 = arith.constant 64 : index
    %swap3A_123 = tpu.vector_load %arg8[%swap3A_121, %swap3A_122] {strides = array<i32>} : memref<8x128xi32, #tpu.memory_space<vmem>>, vector<1x16xi32>,
    %swap3A_124 = vector.shape_cast %swap3A_123 : vector<1x16xi32> to vector<16xi32>
    %swap3A_125 = vector.shape_cast %select_n3A_119 : vector<16xi32> to vector<1x16xi32>
    tpu.vector_store %arg8[%swap3A_121, %swap3A_122], %swap3A_125 {strides = array<i32>} : memref<8x128xi32, #tpu.memory_space<vmem>>, vector<1x16xi32>,
    %get3A_126 = arith.constant 0 : i32
    %get3A_127 = arith.index_cast %get3A_126 : i32 to index
    %get3A_128 = arith.constant 80 : index
    %get3A_129 = tpu.vector_load %arg7[%get3A_127, %get3A_128] {strides = array<i32>} : memref<8x128xi32, #tpu.memory_space<vmem>>, vector<1x16xi32>,
    %get3A_130 = vector.shape_cast %get3A_129 : vector<1x16xi32> to vector<16xi32>
    %sub3A_131 = vector.broadcast %mul3A_0 : i32 to vector<16xi32>
    %sub3A_132 = arith.subi %get3A_130, %sub3A_131 : vector<16xi32>
    %ge3A_133 = arith.constant 0 : i32
    %ge3A_134 = vector.broadcast %ge3A_133 : i32 to vector<16xi32>
    %ge3A_135 = arith.cmpi sge, %sub3A_132, %ge3A_134 : vector<16xi32>
    %lt3A_136 = vector.broadcast %sub3A_3 : i32 to vector<16xi32>
    %lt3A_137 = arith.cmpi slt, %sub3A_132, %lt3A_136 : vector<16xi32>
    %and3A_138 = arith.andi %ge3A_135, %lt3A_137 : vector<16xi1>
    %jit3A_139 = arith.constant 500096 : i32
    %broadcast_in_dim3A_140 = vector.broadcast %jit3A_139 : i32 to vector<16xi32>
    %select_n3A_141 = arith.select %and3A_138, %sub3A_132, %broadcast_in_dim3A_140 : vector<16xi1>, vector<16xi32>
    %swap3A_142 = arith.constant 0 : i32
    %swap3A_143 = arith.index_cast %swap3A_142 : i32 to index
    %swap3A_144 = arith.constant 80 : index
    %swap3A_145 = tpu.vector_load %arg8[%swap3A_143, %swap3A_144] {strides = array<i32>} : memref<8x128xi32, #tpu.memory_space<vmem>>, vector<1x16xi32>,
    %swap3A_146 = vector.shape_cast %swap3A_145 : vector<1x16xi32> to vector<16xi32>
    %swap3A_147 = vector.shape_cast %select_n3A_141 : vector<16xi32> to vector<1x16xi32>
    tpu.vector_store %arg8[%swap3A_143, %swap3A_144], %swap3A_147 {strides = array<i32>} : memref<8x128xi32, #tpu.memory_space<vmem>>, vector<1x16xi32>,
    %get3A_148 = arith.constant 0 : i32
    %get3A_149 = arith.index_cast %get3A_148 : i32 to index
    %get3A_150 = arith.constant 96 : index
    %get3A_151 = tpu.vector_load %arg7[%get3A_149, %get3A_150] {strides = array<i32>} : memref<8x128xi32, #tpu.memory_space<vmem>>, vector<1x16xi32>,
    %get3A_152 = vector.shape_cast %get3A_151 : vector<1x16xi32> to vector<16xi32>
    %sub3A_153 = vector.broadcast %mul3A_0 : i32 to vector<16xi32>
    %sub3A_154 = arith.subi %get3A_152, %sub3A_153 : vector<16xi32>
    %ge3A_155 = arith.constant 0 : i32
    %ge3A_156 = vector.broadcast %ge3A_155 : i32 to vector<16xi32>
    %ge3A_157 = arith.cmpi sge, %sub3A_154, %ge3A_156 : vector<16xi32>
    %lt3A_158 = vector.broadcast %sub3A_3 : i32 to vector<16xi32>
    %lt3A_159 = arith.cmpi slt, %sub3A_154, %lt3A_158 : vector<16xi32>
    %and3A_160 = arith.andi %ge3A_157, %lt3A_159 : vector<16xi1>
    %jit3A_161 = arith.constant 500096 : i32
    %broadcast_in_dim3A_162 = vector.broadcast %jit3A_161 : i32 to vector<16xi32>
    %select_n3A_163 = arith.select %and3A_160, %sub3A_154, %broadcast_in_dim3A_162 : vector<16xi1>, vector<16xi32>
    %swap3A_164 = arith.constant 0 : i32
    %swap3A_165 = arith.index_cast %swap3A_164 : i32 to index
    %swap3A_166 = arith.constant 96 : index
    %swap3A_167 = tpu.vector_load %arg8[%swap3A_165, %swap3A_166] {strides = array<i32>} : memref<8x128xi32, #tpu.memory_space<vmem>>, vector<1x16xi32>,
    %swap3A_168 = vector.shape_cast %swap3A_167 : vector<1x16xi32> to vector<16xi32>
    %swap3A_169 = vector.shape_cast %select_n3A_163 : vector<16xi32> to vector<1x16xi32>
    tpu.vector_store %arg8[%swap3A_165, %swap3A_166], %swap3A_169 {strides = array<i32>} : memref<8x128xi32, #tpu.memory_space<vmem>>, vector<1x16xi32>,
    %get3A_170 = arith.constant 0 : i32
    %get3A_171 = arith.index_cast %get3A_170 : i32 to index
    %get3A_172 = arith.constant 112 : index
    %get3A_173 = tpu.vector_load %arg7[%get3A_171, %get3A_172] {strides = array<i32>} : memref<8x128xi32, #tpu.memory_space<vmem>>, vector<1x16xi32>,
    %get3A_174 = vector.shape_cast %get3A_173 : vector<1x16xi32> to vector<16xi32>
    %sub3A_175 = vector.broadcast %mul3A_0 : i32 to vector<16xi32>
    %sub3A_176 = arith.subi %get3A_174, %sub3A_175 : vector<16xi32>
    %ge3A_177 = arith.constant 0 : i32
    %ge3A_178 = vector.broadcast %ge3A_177 : i32 to vector<16xi32>
    %ge3A_179 = arith.cmpi sge, %sub3A_176, %ge3A_178 : vector<16xi32>
    %lt3A_180 = vector.broadcast %sub3A_3 : i32 to vector<16xi32>
    %lt3A_181 = arith.cmpi slt, %sub3A_176, %lt3A_180 : vector<16xi32>
    %and3A_182 = arith.andi %ge3A_179, %lt3A_181 : vector<16xi1>
    %jit3A_183 = arith.constant 500096 : i32
    %broadcast_in_dim3A_184 = vector.broadcast %jit3A_183 : i32 to vector<16xi32>
    %select_n3A_185 = arith.select %and3A_182, %sub3A_176, %broadcast_in_dim3A_184 : vector<16xi1>, vector<16xi32>
    %swap3A_186 = arith.constant 0 : i32
    %swap3A_187 = arith.index_cast %swap3A_186 : i32 to index
    %swap3A_188 = arith.constant 112 : index
    %swap3A_189 = tpu.vector_load %arg8[%swap3A_187, %swap3A_188] {strides = array<i32>} : memref<8x128xi32, #tpu.memory_space<vmem>>, vector<1x16xi32>,
    %swap3A_190 = vector.shape_cast %swap3A_189 : vector<1x16xi32> to vector<16xi32>
    %swap3A_191 = vector.shape_cast %select_n3A_185 : vector<16xi32> to vector<1x16xi32>
    tpu.vector_store %arg8[%swap3A_187, %swap3A_188], %swap3A_191 {strides = array<i32>} : memref<8x128xi32, #tpu.memory_space<vmem>>, vector<1x16xi32>,
    %get3A_192 = arith.constant 1 : i32
    %get3A_193 = arith.index_cast %get3A_192 : i32 to index
    %get3A_194 = arith.constant 0 : index
    %get3A_195 = tpu.vector_load %arg7[%get3A_193, %get3A_194] {strides = array<i32>} : memref<8x128xi32, #tpu.memory_space<vmem>>, vector<1x16xi32>,
    %get3A_196 = vector.shape_cast %get3A_195 : vector<1x16xi32> to vector<16xi32>
    %sub3A_197 = vector.broadcast %mul3A_0 : i32 to vector<16xi32>
    %sub3A_198 = arith.subi %get3A_196, %sub3A_197 : vector<16xi32>
    %ge3A_199 = arith.constant 0 : i32
    %ge3A_200 = vector.broadcast %ge3A_199 : i32 to vector<16xi32>
    %ge3A_201 = arith.cmpi sge, %sub3A_198, %ge3A_200 : vector<16xi32>
    %lt3A_202 = vector.broadcast %sub3A_3 : i32 to vector<16xi32>
    %lt3A_203 = arith.cmpi slt, %sub3A_198, %lt3A_202 : vector<16xi32>
    %and3A_204 = arith.andi %ge3A_201, %lt3A_203 : vector<16xi1>
    %jit3A_205 = arith.constant 500096 : i32
    %broadcast_in_dim3A_206 = vector.broadcast %jit3A_205 : i32 to vector<16xi32>
    %select_n3A_207 = arith.select %and3A_204, %sub3A_198, %broadcast_in_dim3A_206 : vector<16xi1>, vector<16xi32>
    %swap3A_208 = arith.constant 1 : i32
    %swap3A_209 = arith.index_cast %swap3A_208 : i32 to index
    %swap3A_210 = arith.constant 0 : index
    %swap3A_211 = tpu.vector_load %arg8[%swap3A_209, %swap3A_210] {strides = array<i32>} : memref<8x128xi32, #tpu.memory_space<vmem>>, vector<1x16xi32>,
    %swap3A_212 = vector.shape_cast %swap3A_211 : vector<1x16xi32> to vector<16xi32>
    %swap3A_213 = vector.shape_cast %select_n3A_207 : vector<16xi32> to vector<1x16xi32>
    tpu.vector_store %arg8[%swap3A_209, %swap3A_210], %swap3A_213 {strides = array<i32>} : memref<8x128xi32, #tpu.memory_space<vmem>>, vector<1x16xi32>,
    %get3A_214 = arith.constant 1 : i32
    %get3A_215 = arith.index_cast %get3A_214 : i32 to index
    %get3A_216 = arith.constant 16 : index
    %get3A_217 = tpu.vector_load %arg7[%get3A_215, %get3A_216] {strides = array<i32>} : memref<8x128xi32, #tpu.memory_space<vmem>>, vector<1x16xi32>,
    %get3A_218 = vector.shape_cast %get3A_217 : vector<1x16xi32> to vector<16xi32>
    %sub3A_219 = vector.broadcast %mul3A_0 : i32 to vector<16xi32>
    %sub3A_220 = arith.subi %get3A_218, %sub3A_219 : vector<16xi32>
    %ge3A_221 = arith.constant 0 : i32
    %ge3A_222 = vector.broadcast %ge3A_221 : i32 to vector<16xi32>
    %ge3A_223 = arith.cmpi sge, %sub3A_220, %ge3A_222 : vector<16xi32>
    %lt3A_224 = vector.broadcast %sub3A_3 : i32 to vector<16xi32>
    %lt3A_225 = arith.cmpi slt, %sub3A_220, %lt3A_224 : vector<16xi32>
    %and3A_226 = arith.andi %ge3A_223, %lt3A_225 : vector<16xi1>
    %jit3A_227 = arith.constant 500096 : i32
    %broadcast_in_dim3A_228 = vector.broadcast %jit3A_227 : i32 to vector<16xi32>
    %select_n3A_229 = arith.select %and3A_226, %sub3A_220, %broadcast_in_dim3A_228 : vector<16xi1>, vector<16xi32>
    %swap3A_230 = arith.constant 1 : i32
    %swap3A_231 = arith.index_cast %swap3A_230 : i32 to index
    %swap3A_232 = arith.constant 16 : index
    %swap3A_233 = tpu.vector_load %arg8[%swap3A_231, %swap3A_232] {strides = array<i32>} : memref<8x128xi32, #tpu.memory_space<vmem>>, vector<1x16xi32>,
    %swap3A_234 = vector.shape_cast %swap3A_233 : vector<1x16xi32> to vector<16xi32>
    %swap3A_235 = vector.shape_cast %select_n3A_229 : vector<16xi32> to vector<1x16xi32>
    tpu.vector_store %arg8[%swap3A_231, %swap3A_232], %swap3A_235 {strides = array<i32>} : memref<8x128xi32, #tpu.memory_space<vmem>>, vector<1x16xi32>,
    %get3A_236 = arith.constant 1 : i32
    %get3A_237 = arith.index_cast %get3A_236 : i32 to index
    %get3A_238 = arith.constant 32 : index
    %get3A_239 = tpu.vector_load %arg7[%get3A_237, %get3A_238] {strides = array<i32>} : memref<8x128xi32, #tpu.memory_space<vmem>>, vector<1x16xi32>,
    %get3A_240 = vector.shape_cast %get3A_239 : vector<1x16xi32> to vector<16xi32>
    %sub3A_241 = vector.broadcast %mul3A_0 : i32 to vector<16xi32>
    %sub3A_242 = arith.subi %get3A_240, %sub3A_241 : vector<16xi32>
    %ge3A_243 = arith.constant 0 : i32
    %ge3A_244 = vector.broadcast %ge3A_243 : i32 to vector<16xi32>
    %ge3A_245 = arith.cmpi sge, %sub3A_242, %ge3A_244 : vector<16xi32>
    %lt3A_246 = vector.broadcast %sub3A_3 : i32 to vector<16xi32>
    %lt3A_247 = arith.cmpi slt, %sub3A_242, %lt3A_246 : vector<16xi32>
    %and3A_248 = arith.andi %ge3A_245, %lt3A_247 : vector<16xi1>
    %jit3A_249 = arith.constant 500096 : i32
    %broadcast_in_dim3A_250 = vector.broadcast %jit3A_249 : i32 to vector<16xi32>
    %select_n3A_251 = arith.select %and3A_248, %sub3A_242, %broadcast_in_dim3A_250 : vector<16xi1>, vector<16xi32>
    %swap3A_252 = arith.constant 1 : i32
    %swap3A_253 = arith.index_cast %swap3A_252 : i32 to index
    %swap3A_254 = arith.constant 32 : index
    %swap3A_255 = tpu.vector_load %arg8[%swap3A_253, %swap3A_254] {strides = array<i32>} : memref<8x128xi32, #tpu.memory_space<vmem>>, vector<1x16xi32>,
    %swap3A_256 = vector.shape_cast %swap3A_255 : vector<1x16xi32> to vector<16xi32>
    %swap3A_257 = vector.shape_cast %select_n3A_251 : vector<16xi32> to vector<1x16xi32>
    tpu.vector_store %arg8[%swap3A_253, %swap3A_254], %swap3A_257 {strides = array<i32>} : memref<8x128xi32, #tpu.memory_space<vmem>>, vector<1x16xi32>,
    %get3A_258 = arith.constant 1 : i32
    %get3A_259 = arith.index_cast %get3A_258 : i32 to index
    %get3A_260 = arith.constant 48 : index
    %get3A_261 = tpu.vector_load %arg7[%get3A_259, %get3A_260] {strides = array<i32>} : memref<8x128xi32, #tpu.memory_space<vmem>>, vector<1x16xi32>,
    %get3A_262 = vector.shape_cast %get3A_261 : vector<1x16xi32> to vector<16xi32>
    %sub3A_263 = vector.broadcast %mul3A_0 : i32 to vector<16xi32>
    %sub3A_264 = arith.subi %get3A_262, %sub3A_263 : vector<16xi32>
    %ge3A_265 = arith.constant 0 : i32
    %ge3A_266 = vector.broadcast %ge3A_265 : i32 to vector<16xi32>
    %ge3A_267 = arith.cmpi sge, %sub3A_264, %ge3A_266 : vector<16xi32>
    %lt3A_268 = vector.broadcast %sub3A_3 : i32 to vector<16xi32>
    %lt3A_269 = arith.cmpi slt, %sub3A_264, %lt3A_268 : vector<16xi32>
    %and3A_270 = arith.andi %ge3A_267, %lt3A_269 : vector<16xi1>
    %jit3A_271 = arith.constant 500096 : i32
    %broadcast_in_dim3A_272 = vector.broadcast %jit3A_271 : i32 to vector<16xi32>
    %select_n3A_273 = arith.select %and3A_270, %sub3A_264, %broadcast_in_dim3A_272 : vector<16xi1>, vector<16xi32>
    %swap3A_274 = arith.constant 1 : i32
    %swap3A_275 = arith.index_cast %swap3A_274 : i32 to index
    %swap3A_276 = arith.constant 48 : index
    %swap3A_277 = tpu.vector_load %arg8[%swap3A_275, %swap3A_276] {strides = array<i32>} : memref<8x128xi32, #tpu.memory_space<vmem>>, vector<1x16xi32>,
    %swap3A_278 = vector.shape_cast %swap3A_277 : vector<1x16xi32> to vector<16xi32>
    %swap3A_279 = vector.shape_cast %select_n3A_273 : vector<16xi32> to vector<1x16xi32>
    tpu.vector_store %arg8[%swap3A_275, %swap3A_276], %swap3A_279 {strides = array<i32>} : memref<8x128xi32, #tpu.memory_space<vmem>>, vector<1x16xi32>,
    %get3A_280 = arith.constant 1 : i32
    %get3A_281 = arith.index_cast %get3A_280 : i32 to index
    %get3A_282 = arith.constant 64 : index
    %get3A_283 = tpu.vector_load %arg7[%get3A_281, %get3A_282] {strides = array<i32>} : memref<8x128xi32, #tpu.memory_space<vmem>>, vector<1x16xi32>,
    %get3A_284 = vector.shape_cast %get3A_283 : vector<1x16xi32> to vector<16xi32>
    %sub3A_285 = vector.broadcast %mul3A_0 : i32 to vector<16xi32>
    %sub3A_286 = arith.subi %get3A_284, %sub3A_285 : vector<16xi32>
    %ge3A_287 = arith.constant 0 : i32
    %ge3A_288 = vector.broadcast %ge3A_287 : i32 to vector<16xi32>
    %ge3A_289 = arith.cmpi sge, %sub3A_286, %ge3A_288 : vector<16xi32>
    %lt3A_290 = vector.broadcast %sub3A_3 : i32 to vector<16xi32>
    %lt3A_291 = arith.cmpi slt, %sub3A_286, %lt3A_290 : vector<16xi32>
    %and3A_292 = arith.andi %ge3A_289, %lt3A_291 : vector<16xi1>
    %jit3A_293 = arith.constant 500096 : i32
    %broadcast_in_dim3A_294 = vector.broadcast %jit3A_293 : i32 to vector<16xi32>
    %select_n3A_295 = arith.select %and3A_292, %sub3A_286, %broadcast_in_dim3A_294 : vector<16xi1>, vector<16xi32>
    %swap3A_296 = arith.constant 1 : i32
    %swap3A_297 = arith.index_cast %swap3A_296 : i32 to index
    %swap3A_298 = arith.constant 64 : index
    %swap3A_299 = tpu.vector_load %arg8[%swap3A_297, %swap3A_298] {strides = array<i32>} : memref<8x128xi32, #tpu.memory_space<vmem>>, vector<1x16xi32>,
    %swap3A_300 = vector.shape_cast %swap3A_299 : vector<1x16xi32> to vector<16xi32>
    %swap3A_301 = vector.shape_cast %select_n3A_295 : vector<16xi32> to vector<1x16xi32>
    tpu.vector_store %arg8[%swap3A_297, %swap3A_298], %swap3A_301 {strides = array<i32>} : memref<8x128xi32, #tpu.memory_space<vmem>>, vector<1x16xi32>,
    %get3A_302 = arith.constant 1 : i32
    %get3A_303 = arith.index_cast %get3A_302 : i32 to index
    %get3A_304 = arith.constant 80 : index
    %get3A_305 = tpu.vector_load %arg7[%get3A_303, %get3A_304] {strides = array<i32>} : memref<8x128xi32, #tpu.memory_space<vmem>>, vector<1x16xi32>,
    %get3A_306 = vector.shape_cast %get3A_305 : vector<1x16xi32> to vector<16xi32>
    %sub3A_307 = vector.broadcast %mul3A_0 : i32 to vector<16xi32>
    %sub3A_308 = arith.subi %get3A_306, %sub3A_307 : vector<16xi32>
    %ge3A_309 = arith.constant 0 : i32
    %ge3A_310 = vector.broadcast %ge3A_309 : i32 to vector<16xi32>
    %ge3A_311 = arith.cmpi sge, %sub3A_308, %ge3A_310 : vector<16xi32>
    %lt3A_312 = vector.broadcast %sub3A_3 : i32 to vector<16xi32>
    %lt3A_313 = arith.cmpi slt, %sub3A_308, %lt3A_312 : vector<16xi32>
    %and3A_314 = arith.andi %ge3A_311, %lt3A_313 : vector<16xi1>
    %jit3A_315 = arith.constant 500096 : i32
    %broadcast_in_dim3A_316 = vector.broadcast %jit3A_315 : i32 to vector<16xi32>
    %select_n3A_317 = arith.select %and3A_314, %sub3A_308, %broadcast_in_dim3A_316 : vector<16xi1>, vector<16xi32>
    %swap3A_318 = arith.constant 1 : i32
    %swap3A_319 = arith.index_cast %swap3A_318 : i32 to index
    %swap3A_320 = arith.constant 80 : index
    %swap3A_321 = tpu.vector_load %arg8[%swap3A_319, %swap3A_320] {strides = array<i32>} : memref<8x128xi32, #tpu.memory_space<vmem>>, vector<1x16xi32>,
    %swap3A_322 = vector.shape_cast %swap3A_321 : vector<1x16xi32> to vector<16xi32>
    %swap3A_323 = vector.shape_cast %select_n3A_317 : vector<16xi32> to vector<1x16xi32>
    tpu.vector_store %arg8[%swap3A_319, %swap3A_320], %swap3A_323 {strides = array<i32>} : memref<8x128xi32, #tpu.memory_space<vmem>>, vector<1x16xi32>,
    %get3A_324 = arith.constant 1 : i32
    %get3A_325 = arith.index_cast %get3A_324 : i32 to index
    %get3A_326 = arith.constant 96 : index
    %get3A_327 = tpu.vector_load %arg7[%get3A_325, %get3A_326] {strides = array<i32>} : memref<8x128xi32, #tpu.memory_space<vmem>>, vector<1x16xi32>,
    %get3A_328 = vector.shape_cast %get3A_327 : vector<1x16xi32> to vector<16xi32>
    %sub3A_329 = vector.broadcast %mul3A_0 : i32 to vector<16xi32>
    %sub3A_330 = arith.subi %get3A_328, %sub3A_329 : vector<16xi32>
    %ge3A_331 = arith.constant 0 : i32
    %ge3A_332 = vector.broadcast %ge3A_331 : i32 to vector<16xi32>
    %ge3A_333 = arith.cmpi sge, %sub3A_330, %ge3A_332 : vector<16xi32>
    %lt3A_334 = vector.broadcast %sub3A_3 : i32 to vector<16xi32>
    %lt3A_335 = arith.cmpi slt, %sub3A_330, %lt3A_334 : vector<16xi32>
    %and3A_336 = arith.andi %ge3A_333, %lt3A_335 : vector<16xi1>
    %jit3A_337 = arith.constant 500096 : i32
    %broadcast_in_dim3A_338 = vector.broadcast %jit3A_337 : i32 to vector<16xi32>
    %select_n3A_339 = arith.select %and3A_336, %sub3A_330, %broadcast_in_dim3A_338 : vector<16xi1>, vector<16xi32>
    %swap3A_340 = arith.constant 1 : i32
    %swap3A_341 = arith.index_cast %swap3A_340 : i32 to index
    %swap3A_342 = arith.constant 96 : index
    %swap3A_343 = tpu.vector_load %arg8[%swap3A_341, %swap3A_342] {strides = array<i32>} : memref<8x128xi32, #tpu.memory_space<vmem>>, vector<1x16xi32>,
    %swap3A_344 = vector.shape_cast %swap3A_343 : vector<1x16xi32> to vector<16xi32>
    %swap3A_345 = vector.shape_cast %select_n3A_339 : vector<16xi32> to vector<1x16xi32>
    tpu.vector_store %arg8[%swap3A_341, %swap3A_342], %swap3A_345 {strides = array<i32>} : memref<8x128xi32, #tpu.memory_space<vmem>>, vector<1x16xi32>,
    %get3A_346 = arith.constant 1 : i32
    %get3A_347 = arith.index_cast %get3A_346 : i32 to index
    %get3A_348 = arith.constant 112 : index
    %get3A_349 = tpu.vector_load %arg7[%get3A_347, %get3A_348] {strides = array<i32>} : memref<8x128xi32, #tpu.memory_space<vmem>>, vector<1x16xi32>,
    %get3A_350 = vector.shape_cast %get3A_349 : vector<1x16xi32> to vector<16xi32>
    %sub3A_351 = vector.broadcast %mul3A_0 : i32 to vector<16xi32>
    %sub3A_352 = arith.subi %get3A_350, %sub3A_351 : vector<16xi32>
    %ge3A_353 = arith.constant 0 : i32
    %ge3A_354 = vector.broadcast %ge3A_353 : i32 to vector<16xi32>
    %ge3A_355 = arith.cmpi sge, %sub3A_352, %ge3A_354 : vector<16xi32>
    %lt3A_356 = vector.broadcast %sub3A_3 : i32 to vector<16xi32>
    %lt3A_357 = arith.cmpi slt, %sub3A_352, %lt3A_356 : vector<16xi32>
    %and3A_358 = arith.andi %ge3A_355, %lt3A_357 : vector<16xi1>
    %jit3A_359 = arith.constant 500096 : i32
    %broadcast_in_dim3A_360 = vector.broadcast %jit3A_359 : i32 to vector<16xi32>
    %select_n3A_361 = arith.select %and3A_358, %sub3A_352, %broadcast_in_dim3A_360 : vector<16xi1>, vector<16xi32>
    %swap3A_362 = arith.constant 1 : i32
    %swap3A_363 = arith.index_cast %swap3A_362 : i32 to index
    %swap3A_364 = arith.constant 112 : index
    %swap3A_365 = tpu.vector_load %arg8[%swap3A_363, %swap3A_364] {strides = array<i32>} : memref<8x128xi32, #tpu.memory_space<vmem>>, vector<1x16xi32>,
    %swap3A_366 = vector.shape_cast %swap3A_365 : vector<1x16xi32> to vector<16xi32>
    %swap3A_367 = vector.shape_cast %select_n3A_361 : vector<16xi32> to vector<1x16xi32>
    tpu.vector_store %arg8[%swap3A_363, %swap3A_364], %swap3A_367 {strides = array<i32>} : memref<8x128xi32, #tpu.memory_space<vmem>>, vector<1x16xi32>,
    %get3A_368 = arith.constant 2 : i32
    %get3A_369 = arith.index_cast %get3A_368 : i32 to index
    %get3A_370 = arith.constant 0 : index
    %get3A_371 = tpu.vector_load %arg7[%get3A_369, %get3A_370] {strides = array<i32>} : memref<8x128xi32, #tpu.memory_space<vmem>>, vector<1x16xi32>,
    %get3A_372 = vector.shape_cast %get3A_371 : vector<1x16xi32> to vector<16xi32>
    %sub3A_373 = vector.broadcast %mul3A_0 : i32 to vector<16xi32>
    %sub3A_374 = arith.subi %get3A_372, %sub3A_373 : vector<16xi32>
    %ge3A_375 = arith.constant 0 : i32
    %ge3A_376 = vector.broadcast %ge3A_375 : i32 to vector<16xi32>
    %ge3A_377 = arith.cmpi sge, %sub3A_374, %ge3A_376 : vector<16xi32>
    %lt3A_378 = vector.broadcast %sub3A_3 : i32 to vector<16xi32>
    %lt3A_379 = arith.cmpi slt, %sub3A_374, %lt3A_378 : vector<16xi32>
    %and3A_380 = arith.andi %ge3A_377, %lt3A_379 : vector<16xi1>
    %jit3A_381 = arith.constant 500096 : i32
    %broadcast_in_dim3A_382 = vector.broadcast %jit3A_381 : i32 to vector<16xi32>
    %select_n3A_383 = arith.select %and3A_380, %sub3A_374, %broadcast_in_dim3A_382 : vector<16xi1>, vector<16xi32>
    %swap3A_384 = arith.constant 2 : i32
    %swap3A_385 = arith.index_cast %swap3A_384 : i32 to index
    %swap3A_386 = arith.constant 0 : index
    %swap3A_387 = tpu.vector_load %arg8[%swap3A_385, %swap3A_386] {strides = array<i32>} : memref<8x128xi32, #tpu.memory_space<vmem>>, vector<1x16xi32>,
    %swap3A_388 = vector.shape_cast %swap3A_387 : vector<1x16xi32> to vector<16xi32>
    %swap3A_389 = vector.shape_cast %select_n3A_383 : vector<16xi32> to vector<1x16xi32>
    tpu.vector_store %arg8[%swap3A_385, %swap3A_386], %swap3A_389 {strides = array<i32>} : memref<8x128xi32, #tpu.memory_space<vmem>>, vector<1x16xi32>,
    %get3A_390 = arith.constant 2 : i32
    %get3A_391 = arith.index_cast %get3A_390 : i32 to index
    %get3A_392 = arith.constant 16 : index
    %get3A_393 = tpu.vector_load %arg7[%get3A_391, %get3A_392] {strides = array<i32>} : memref<8x128xi32, #tpu.memory_space<vmem>>, vector<1x16xi32>,
    %get3A_394 = vector.shape_cast %get3A_393 : vector<1x16xi32> to vector<16xi32>
    %sub3A_395 = vector.broadcast %mul3A_0 : i32 to vector<16xi32>
    %sub3A_396 = arith.subi %get3A_394, %sub3A_395 : vector<16xi32>
    %ge3A_397 = arith.constant 0 : i32
    %ge3A_398 = vector.broadcast %ge3A_397 : i32 to vector<16xi32>
    %ge3A_399 = arith.cmpi sge, %sub3A_396, %ge3A_398 : vector<16xi32>
    %lt3A_400 = vector.broadcast %sub3A_3 : i32 to vector<16xi32>
    %lt3A_401 = arith.cmpi slt, %sub3A_396, %lt3A_400 : vector<16xi32>
    %and3A_402 = arith.andi %ge3A_399, %lt3A_401 : vector<16xi1>
    %jit3A_403 = arith.constant 500096 : i32
    %broadcast_in_dim3A_404 = vector.broadcast %jit3A_403 : i32 to vector<16xi32>
    %select_n3A_405 = arith.select %and3A_402, %sub3A_396, %broadcast_in_dim3A_404 : vector<16xi1>, vector<16xi32>
    %swap3A_406 = arith.constant 2 : i32
    %swap3A_407 = arith.index_cast %swap3A_406 : i32 to index
    %swap3A_408 = arith.constant 16 : index
    %swap3A_409 = tpu.vector_load %arg8[%swap3A_407, %swap3A_408] {strides = array<i32>} : memref<8x128xi32, #tpu.memory_space<vmem>>, vector<1x16xi32>,
    %swap3A_410 = vector.shape_cast %swap3A_409 : vector<1x16xi32> to vector<16xi32>
    %swap3A_411 = vector.shape_cast %select_n3A_405 : vector<16xi32> to vector<1x16xi32>
    tpu.vector_store %arg8[%swap3A_407, %swap3A_408], %swap3A_411 {strides = array<i32>} : memref<8x128xi32, #tpu.memory_space<vmem>>, vector<1x16xi32>,
    %get3A_412 = arith.constant 2 : i32
    %get3A_413 = arith.index_cast %get3A_412 : i32 to index
    %get3A_414 = arith.constant 32 : index
    %get3A_415 = tpu.vector_load %arg7[%get3A_413, %get3A_414] {strides = array<i32>} : memref<8x128xi32, #tpu.memory_space<vmem>>, vector<1x16xi32>,
    %get3A_416 = vector.shape_cast %get3A_415 : vector<1x16xi32> to vector<16xi32>
    %sub3A_417 = vector.broadcast %mul3A_0 : i32 to vector<16xi32>
    %sub3A_418 = arith.subi %get3A_416, %sub3A_417 : vector<16xi32>
    %ge3A_419 = arith.constant 0 : i32
    %ge3A_420 = vector.broadcast %ge3A_419 : i32 to vector<16xi32>
    %ge3A_421 = arith.cmpi sge, %sub3A_418, %ge3A_420 : vector<16xi32>
    %lt3A_422 = vector.broadcast %sub3A_3 : i32 to vector<16xi32>
    %lt3A_423 = arith.cmpi slt, %sub3A_418, %lt3A_422 : vector<16xi32>
    %and3A_424 = arith.andi %ge3A_421, %lt3A_423 : vector<16xi1>
    %jit3A_425 = arith.constant 500096 : i32
    %broadcast_in_dim3A_426 = vector.broadcast %jit3A_425 : i32 to vector<16xi32>
    %select_n3A_427 = arith.select %and3A_424, %sub3A_418, %broadcast_in_dim3A_426 : vector<16xi1>, vector<16xi32>
    %swap3A_428 = arith.constant 2 : i32
    %swap3A_429 = arith.index_cast %swap3A_428 : i32 to index
    %swap3A_430 = arith.constant 32 : index
    %swap3A_431 = tpu.vector_load %arg8[%swap3A_429, %swap3A_430] {strides = array<i32>} : memref<8x128xi32, #tpu.memory_space<vmem>>, vector<1x16xi32>,
    %swap3A_432 = vector.shape_cast %swap3A_431 : vector<1x16xi32> to vector<16xi32>
    %swap3A_433 = vector.shape_cast %select_n3A_427 : vector<16xi32> to vector<1x16xi32>
    tpu.vector_store %arg8[%swap3A_429, %swap3A_430], %swap3A_433 {strides = array<i32>} : memref<8x128xi32, #tpu.memory_space<vmem>>, vector<1x16xi32>,
    %get3A_434 = arith.constant 2 : i32
    %get3A_435 = arith.index_cast %get3A_434 : i32 to index
    %get3A_436 = arith.constant 48 : index
    %get3A_437 = tpu.vector_load %arg7[%get3A_435, %get3A_436] {strides = array<i32>} : memref<8x128xi32, #tpu.memory_space<vmem>>, vector<1x16xi32>,
    %get3A_438 = vector.shape_cast %get3A_437 : vector<1x16xi32> to vector<16xi32>
    %sub3A_439 = vector.broadcast %mul3A_0 : i32 to vector<16xi32>
    %sub3A_440 = arith.subi %get3A_438, %sub3A_439 : vector<16xi32>
    %ge3A_441 = arith.constant 0 : i32
    %ge3A_442 = vector.broadcast %ge3A_441 : i32 to vector<16xi32>
    %ge3A_443 = arith.cmpi sge, %sub3A_440, %ge3A_442 : vector<16xi32>
    %lt3A_444 = vector.broadcast %sub3A_3 : i32 to vector<16xi32>
    %lt3A_445 = arith.cmpi slt, %sub3A_440, %lt3A_444 : vector<16xi32>
    %and3A_446 = arith.andi %ge3A_443, %lt3A_445 : vector<16xi1>
    %jit3A_447 = arith.constant 500096 : i32
    %broadcast_in_dim3A_448 = vector.broadcast %jit3A_447 : i32 to vector<16xi32>
    %select_n3A_449 = arith.select %and3A_446, %sub3A_440, %broadcast_in_dim3A_448 : vector<16xi1>, vector<16xi32>
    %swap3A_450 = arith.constant 2 : i32
    %swap3A_451 = arith.index_cast %swap3A_450 : i32 to index
    %swap3A_452 = arith.constant 48 : index
    %swap3A_453 = tpu.vector_load %arg8[%swap3A_451, %swap3A_452] {strides = array<i32>} : memref<8x128xi32, #tpu.memory_space<vmem>>, vector<1x16xi32>,
    %swap3A_454 = vector.shape_cast %swap3A_453 : vector<1x16xi32> to vector<16xi32>
    %swap3A_455 = vector.shape_cast %select_n3A_449 : vector<16xi32> to vector<1x16xi32>
    tpu.vector_store %arg8[%swap3A_451, %swap3A_452], %swap3A_455 {strides = array<i32>} : memref<8x128xi32, #tpu.memory_space<vmem>>, vector<1x16xi32>,
    %get3A_456 = arith.constant 2 : i32
    %get3A_457 = arith.index_cast %get3A_456 : i32 to index
    %get3A_458 = arith.constant 64 : index
    %get3A_459 = tpu.vector_load %arg7[%get3A_457, %get3A_458] {strides = array<i32>} : memref<8x128xi32, #tpu.memory_space<vmem>>, vector<1x16xi32>,
    %get3A_460 = vector.shape_cast %get3A_459 : vector<1x16xi32> to vector<16xi32>
    %sub3A_461 = vector.broadcast %mul3A_0 : i32 to vector<16xi32>
    %sub3A_462 = arith.subi %get3A_460, %sub3A_461 : vector<16xi32>
    %ge3A_463 = arith.constant 0 : i32
    %ge3A_464 = vector.broadcast %ge3A_463 : i32 to vector<16xi32>
    %ge3A_465 = arith.cmpi sge, %sub3A_462, %ge3A_464 : vector<16xi32>
    %lt3A_466 = vector.broadcast %sub3A_3 : i32 to vector<16xi32>
    %lt3A_467 = arith.cmpi slt, %sub3A_462, %lt3A_466 : vector<16xi32>
    %and3A_468 = arith.andi %ge3A_465, %lt3A_467 : vector<16xi1>
    %jit3A_469 = arith.constant 500096 : i32
    %broadcast_in_dim3A_470 = vector.broadcast %jit3A_469 : i32 to vector<16xi32>
    %select_n3A_471 = arith.select %and3A_468, %sub3A_462, %broadcast_in_dim3A_470 : vector<16xi1>, vector<16xi32>
    %swap3A_472 = arith.constant 2 : i32
    %swap3A_473 = arith.index_cast %swap3A_472 : i32 to index
    %swap3A_474 = arith.constant 64 : index
    %swap3A_475 = tpu.vector_load %arg8[%swap3A_473, %swap3A_474] {strides = array<i32>} : memref<8x128xi32, #tpu.memory_space<vmem>>, vector<1x16xi32>,
    %swap3A_476 = vector.shape_cast %swap3A_475 : vector<1x16xi32> to vector<16xi32>
    %swap3A_477 = vector.shape_cast %select_n3A_471 : vector<16xi32> to vector<1x16xi32>
    tpu.vector_store %arg8[%swap3A_473, %swap3A_474], %swap3A_477 {strides = array<i32>} : memref<8x128xi32, #tpu.memory_space<vmem>>, vector<1x16xi32>,
    %get3A_478 = arith.constant 2 : i32
    %get3A_479 = arith.index_cast %get3A_478 : i32 to index
    %get3A_480 = arith.constant 80 : index
    %get3A_481 = tpu.vector_load %arg7[%get3A_479, %get3A_480] {strides = array<i32>} : memref<8x128xi32, #tpu.memory_space<vmem>>, vector<1x16xi32>,
    %get3A_482 = vector.shape_cast %get3A_481 : vector<1x16xi32> to vector<16xi32>
    %sub3A_483 = vector.broadcast %mul3A_0 : i32 to vector<16xi32>
    %sub3A_484 = arith.subi %get3A_482, %sub3A_483 : vector<16xi32>
    %ge3A_485 = arith.constant 0 : i32
    %ge3A_486 = vector.broadcast %ge3A_485 : i32 to vector<16xi32>
    %ge3A_487 = arith.cmpi sge, %sub3A_484, %ge3A_486 : vector<16xi32>
    %lt3A_488 = vector.broadcast %sub3A_3 : i32 to vector<16xi32>
    %lt3A_489 = arith.cmpi slt, %sub3A_484, %lt3A_488 : vector<16xi32>
    %and3A_490 = arith.andi %ge3A_487, %lt3A_489 : vector<16xi1>
    %jit3A_491 = arith.constant 500096 : i32
    %broadcast_in_dim3A_492 = vector.broadcast %jit3A_491 : i32 to vector<16xi32>
    %select_n3A_493 = arith.select %and3A_490, %sub3A_484, %broadcast_in_dim3A_492 : vector<16xi1>, vector<16xi32>
    %swap3A_494 = arith.constant 2 : i32
    %swap3A_495 = arith.index_cast %swap3A_494 : i32 to index
    %swap3A_496 = arith.constant 80 : index
    %swap3A_497 = tpu.vector_load %arg8[%swap3A_495, %swap3A_496] {strides = array<i32>} : memref<8x128xi32, #tpu.memory_space<vmem>>, vector<1x16xi32>,
    %swap3A_498 = vector.shape_cast %swap3A_497 : vector<1x16xi32> to vector<16xi32>
    %swap3A_499 = vector.shape_cast %select_n3A_493 : vector<16xi32> to vector<1x16xi32>
    tpu.vector_store %arg8[%swap3A_495, %swap3A_496], %swap3A_499 {strides = array<i32>} : memref<8x128xi32, #tpu.memory_space<vmem>>, vector<1x16xi32>,
    %get3A_500 = arith.constant 2 : i32
    %get3A_501 = arith.index_cast %get3A_500 : i32 to index
    %get3A_502 = arith.constant 96 : index
    %get3A_503 = tpu.vector_load %arg7[%get3A_501, %get3A_502] {strides = array<i32>} : memref<8x128xi32, #tpu.memory_space<vmem>>, vector<1x16xi32>,
    %get3A_504 = vector.shape_cast %get3A_503 : vector<1x16xi32> to vector<16xi32>
    %sub3A_505 = vector.broadcast %mul3A_0 : i32 to vector<16xi32>
    %sub3A_506 = arith.subi %get3A_504, %sub3A_505 : vector<16xi32>
    %ge3A_507 = arith.constant 0 : i32
    %ge3A_508 = vector.broadcast %ge3A_507 : i32 to vector<16xi32>
    %ge3A_509 = arith.cmpi sge, %sub3A_506, %ge3A_508 : vector<16xi32>
    %lt3A_510 = vector.broadcast %sub3A_3 : i32 to vector<16xi32>
    %lt3A_511 = arith.cmpi slt, %sub3A_506, %lt3A_510 : vector<16xi32>
    %and3A_512 = arith.andi %ge3A_509, %lt3A_511 : vector<16xi1>
    %jit3A_513 = arith.constant 500096 : i32
    %broadcast_in_dim3A_514 = vector.broadcast %jit3A_513 : i32 to vector<16xi32>
    %select_n3A_515 = arith.select %and3A_512, %sub3A_506, %broadcast_in_dim3A_514 : vector<16xi1>, vector<16xi32>
    %swap3A_516 = arith.constant 2 : i32
    %swap3A_517 = arith.index_cast %swap3A_516 : i32 to index
    %swap3A_518 = arith.constant 96 : index
    %swap3A_519 = tpu.vector_load %arg8[%swap3A_517, %swap3A_518] {strides = array<i32>} : memref<8x128xi32, #tpu.memory_space<vmem>>, vector<1x16xi32>,
    %swap3A_520 = vector.shape_cast %swap3A_519 : vector<1x16xi32> to vector<16xi32>
    %swap3A_521 = vector.shape_cast %select_n3A_515 : vector<16xi32> to vector<1x16xi32>
    tpu.vector_store %arg8[%swap3A_517, %swap3A_518], %swap3A_521 {strides = array<i32>} : memref<8x128xi32, #tpu.memory_space<vmem>>, vector<1x16xi32>,
    %get3A_522 = arith.constant 2 : i32
    %get3A_523 = arith.index_cast %get3A_522 : i32 to index
    %get3A_524 = arith.constant 112 : index
    %get3A_525 = tpu.vector_load %arg7[%get3A_523, %get3A_524] {strides = array<i32>} : memref<8x128xi32, #tpu.memory_space<vmem>>, vector<1x16xi32>,
    %get3A_526 = vector.shape_cast %get3A_525 : vector<1x16xi32> to vector<16xi32>
    %sub3A_527 = vector.broadcast %mul3A_0 : i32 to vector<16xi32>
    %sub3A_528 = arith.subi %get3A_526, %sub3A_527 : vector<16xi32>
    %ge3A_529 = arith.constant 0 : i32
    %ge3A_530 = vector.broadcast %ge3A_529 : i32 to vector<16xi32>
    %ge3A_531 = arith.cmpi sge, %sub3A_528, %ge3A_530 : vector<16xi32>
    %lt3A_532 = vector.broadcast %sub3A_3 : i32 to vector<16xi32>
    %lt3A_533 = arith.cmpi slt, %sub3A_528, %lt3A_532 : vector<16xi32>
    %and3A_534 = arith.andi %ge3A_531, %lt3A_533 : vector<16xi1>
    %jit3A_535 = arith.constant 500096 : i32
    %broadcast_in_dim3A_536 = vector.broadcast %jit3A_535 : i32 to vector<16xi32>
    %select_n3A_537 = arith.select %and3A_534, %sub3A_528, %broadcast_in_dim3A_536 : vector<16xi1>, vector<16xi32>
    %swap3A_538 = arith.constant 2 : i32
    %swap3A_539 = arith.index_cast %swap3A_538 : i32 to index
    %swap3A_540 = arith.constant 112 : index
    %swap3A_541 = tpu.vector_load %arg8[%swap3A_539, %swap3A_540] {strides = array<i32>} : memref<8x128xi32, #tpu.memory_space<vmem>>, vector<1x16xi32>,
    %swap3A_542 = vector.shape_cast %swap3A_541 : vector<1x16xi32> to vector<16xi32>
    %swap3A_543 = vector.shape_cast %select_n3A_537 : vector<16xi32> to vector<1x16xi32>
    tpu.vector_store %arg8[%swap3A_539, %swap3A_540], %swap3A_543 {strides = array<i32>} : memref<8x128xi32, #tpu.memory_space<vmem>>, vector<1x16xi32>,
    %get3A_544 = arith.constant 3 : i32
    %get3A_545 = arith.index_cast %get3A_544 : i32 to index
    %get3A_546 = arith.constant 0 : index
    %get3A_547 = tpu.vector_load %arg7[%get3A_545, %get3A_546] {strides = array<i32>} : memref<8x128xi32, #tpu.memory_space<vmem>>, vector<1x16xi32>,
    %get3A_548 = vector.shape_cast %get3A_547 : vector<1x16xi32> to vector<16xi32>
    %sub3A_549 = vector.broadcast %mul3A_0 : i32 to vector<16xi32>
    %sub3A_550 = arith.subi %get3A_548, %sub3A_549 : vector<16xi32>
    %ge3A_551 = arith.constant 0 : i32
    %ge3A_552 = vector.broadcast %ge3A_551 : i32 to vector<16xi32>
    %ge3A_553 = arith.cmpi sge, %sub3A_550, %ge3A_552 : vector<16xi32>
    %lt3A_554 = vector.broadcast %sub3A_3 : i32 to vector<16xi32>
    %lt3A_555 = arith.cmpi slt, %sub3A_550, %lt3A_554 : vector<16xi32>
    %and3A_556 = arith.andi %ge3A_553, %lt3A_555 : vector<16xi1>
    %jit3A_557 = arith.constant 500096 : i32
    %broadcast_in_dim3A_558 = vector.broadcast %jit3A_557 : i32 to vector<16xi32>
    %select_n3A_559 = arith.select %and3A_556, %sub3A_550, %broadcast_in_dim3A_558 : vector<16xi1>, vector<16xi32>
    %swap3A_560 = arith.constant 3 : i32
    %swap3A_561 = arith.index_cast %swap3A_560 : i32 to index
    %swap3A_562 = arith.constant 0 : index
    %swap3A_563 = tpu.vector_load %arg8[%swap3A_561, %swap3A_562] {strides = array<i32>} : memref<8x128xi32, #tpu.memory_space<vmem>>, vector<1x16xi32>,
    %swap3A_564 = vector.shape_cast %swap3A_563 : vector<1x16xi32> to vector<16xi32>
    %swap3A_565 = vector.shape_cast %select_n3A_559 : vector<16xi32> to vector<1x16xi32>
    tpu.vector_store %arg8[%swap3A_561, %swap3A_562], %swap3A_565 {strides = array<i32>} : memref<8x128xi32, #tpu.memory_space<vmem>>, vector<1x16xi32>,
    %get3A_566 = arith.constant 3 : i32
    %get3A_567 = arith.index_cast %get3A_566 : i32 to index
    %get3A_568 = arith.constant 16 : index
    %get3A_569 = tpu.vector_load %arg7[%get3A_567, %get3A_568] {strides = array<i32>} : memref<8x128xi32, #tpu.memory_space<vmem>>, vector<1x16xi32>,
    %get3A_570 = vector.shape_cast %get3A_569 : vector<1x16xi32> to vector<16xi32>
    %sub3A_571 = vector.broadcast %mul3A_0 : i32 to vector<16xi32>
    %sub3A_572 = arith.subi %get3A_570, %sub3A_571 : vector<16xi32>
    %ge3A_573 = arith.constant 0 : i32
    %ge3A_574 = vector.broadcast %ge3A_573 : i32 to vector<16xi32>
    %ge3A_575 = arith.cmpi sge, %sub3A_572, %ge3A_574 : vector<16xi32>
    %lt3A_576 = vector.broadcast %sub3A_3 : i32 to vector<16xi32>
    %lt3A_577 = arith.cmpi slt, %sub3A_572, %lt3A_576 : vector<16xi32>
    %and3A_578 = arith.andi %ge3A_575, %lt3A_577 : vector<16xi1>
    %jit3A_579 = arith.constant 500096 : i32
    %broadcast_in_dim3A_580 = vector.broadcast %jit3A_579 : i32 to vector<16xi32>
    %select_n3A_581 = arith.select %and3A_578, %sub3A_572, %broadcast_in_dim3A_580 : vector<16xi1>, vector<16xi32>
    %swap3A_582 = arith.constant 3 : i32
    %swap3A_583 = arith.index_cast %swap3A_582 : i32 to index
    %swap3A_584 = arith.constant 16 : index
    %swap3A_585 = tpu.vector_load %arg8[%swap3A_583, %swap3A_584] {strides = array<i32>} : memref<8x128xi32, #tpu.memory_space<vmem>>, vector<1x16xi32>,
    %swap3A_586 = vector.shape_cast %swap3A_585 : vector<1x16xi32> to vector<16xi32>
    %swap3A_587 = vector.shape_cast %select_n3A_581 : vector<16xi32> to vector<1x16xi32>
    tpu.vector_store %arg8[%swap3A_583, %swap3A_584], %swap3A_587 {strides = array<i32>} : memref<8x128xi32, #tpu.memory_space<vmem>>, vector<1x16xi32>,
    %get3A_588 = arith.constant 3 : i32
    %get3A_589 = arith.index_cast %get3A_588 : i32 to index
    %get3A_590 = arith.constant 32 : index
    %get3A_591 = tpu.vector_load %arg7[%get3A_589, %get3A_590] {strides = array<i32>} : memref<8x128xi32, #tpu.memory_space<vmem>>, vector<1x16xi32>,
    %get3A_592 = vector.shape_cast %get3A_591 : vector<1x16xi32> to vector<16xi32>
    %sub3A_593 = vector.broadcast %mul3A_0 : i32 to vector<16xi32>
    %sub3A_594 = arith.subi %get3A_592, %sub3A_593 : vector<16xi32>
    %ge3A_595 = arith.constant 0 : i32
    %ge3A_596 = vector.broadcast %ge3A_595 : i32 to vector<16xi32>
    %ge3A_597 = arith.cmpi sge, %sub3A_594, %ge3A_596 : vector<16xi32>
    %lt3A_598 = vector.broadcast %sub3A_3 : i32 to vector<16xi32>
    %lt3A_599 = arith.cmpi slt, %sub3A_594, %lt3A_598 : vector<16xi32>
    %and3A_600 = arith.andi %ge3A_597, %lt3A_599 : vector<16xi1>
    %jit3A_601 = arith.constant 500096 : i32
    %broadcast_in_dim3A_602 = vector.broadcast %jit3A_601 : i32 to vector<16xi32>
    %select_n3A_603 = arith.select %and3A_600, %sub3A_594, %broadcast_in_dim3A_602 : vector<16xi1>, vector<16xi32>
    %swap3A_604 = arith.constant 3 : i32
    %swap3A_605 = arith.index_cast %swap3A_604 : i32 to index
    %swap3A_606 = arith.constant 32 : index
    %swap3A_607 = tpu.vector_load %arg8[%swap3A_605, %swap3A_606] {strides = array<i32>} : memref<8x128xi32, #tpu.memory_space<vmem>>, vector<1x16xi32>,
    %swap3A_608 = vector.shape_cast %swap3A_607 : vector<1x16xi32> to vector<16xi32>
    %swap3A_609 = vector.shape_cast %select_n3A_603 : vector<16xi32> to vector<1x16xi32>
    tpu.vector_store %arg8[%swap3A_605, %swap3A_606], %swap3A_609 {strides = array<i32>} : memref<8x128xi32, #tpu.memory_space<vmem>>, vector<1x16xi32>,
    %get3A_610 = arith.constant 3 : i32
    %get3A_611 = arith.index_cast %get3A_610 : i32 to index
    %get3A_612 = arith.constant 48 : index
    %get3A_613 = tpu.vector_load %arg7[%get3A_611, %get3A_612] {strides = array<i32>} : memref<8x128xi32, #tpu.memory_space<vmem>>, vector<1x16xi32>,
    %get3A_614 = vector.shape_cast %get3A_613 : vector<1x16xi32> to vector<16xi32>
    %sub3A_615 = vector.broadcast %mul3A_0 : i32 to vector<16xi32>
    %sub3A_616 = arith.subi %get3A_614, %sub3A_615 : vector<16xi32>
    %ge3A_617 = arith.constant 0 : i32
    %ge3A_618 = vector.broadcast %ge3A_617 : i32 to vector<16xi32>
    %ge3A_619 = arith.cmpi sge, %sub3A_616, %ge3A_618 : vector<16xi32>
    %lt3A_620 = vector.broadcast %sub3A_3 : i32 to vector<16xi32>
    %lt3A_621 = arith.cmpi slt, %sub3A_616, %lt3A_620 : vector<16xi32>
    %and3A_622 = arith.andi %ge3A_619, %lt3A_621 : vector<16xi1>
    %jit3A_623 = arith.constant 500096 : i32
    %broadcast_in_dim3A_624 = vector.broadcast %jit3A_623 : i32 to vector<16xi32>
    %select_n3A_625 = arith.select %and3A_622, %sub3A_616, %broadcast_in_dim3A_624 : vector<16xi1>, vector<16xi32>
    %swap3A_626 = arith.constant 3 : i32
    %swap3A_627 = arith.index_cast %swap3A_626 : i32 to index
    %swap3A_628 = arith.constant 48 : index
    %swap3A_629 = tpu.vector_load %arg8[%swap3A_627, %swap3A_628] {strides = array<i32>} : memref<8x128xi32, #tpu.memory_space<vmem>>, vector<1x16xi32>,
    %swap3A_630 = vector.shape_cast %swap3A_629 : vector<1x16xi32> to vector<16xi32>
    %swap3A_631 = vector.shape_cast %select_n3A_625 : vector<16xi32> to vector<1x16xi32>
    tpu.vector_store %arg8[%swap3A_627, %swap3A_628], %swap3A_631 {strides = array<i32>} : memref<8x128xi32, #tpu.memory_space<vmem>>, vector<1x16xi32>,
    %get3A_632 = arith.constant 3 : i32
    %get3A_633 = arith.index_cast %get3A_632 : i32 to index
    %get3A_634 = arith.constant 64 : index
    %get3A_635 = tpu.vector_load %arg7[%get3A_633, %get3A_634] {strides = array<i32>} : memref<8x128xi32, #tpu.memory_space<vmem>>, vector<1x16xi32>,
    %get3A_636 = vector.shape_cast %get3A_635 : vector<1x16xi32> to vector<16xi32>
    %sub3A_637 = vector.broadcast %mul3A_0 : i32 to vector<16xi32>
    %sub3A_638 = arith.subi %get3A_636, %sub3A_637 : vector<16xi32>
    %ge3A_639 = arith.constant 0 : i32
    %ge3A_640 = vector.broadcast %ge3A_639 : i32 to vector<16xi32>
    %ge3A_641 = arith.cmpi sge, %sub3A_638, %ge3A_640 : vector<16xi32>
    %lt3A_642 = vector.broadcast %sub3A_3 : i32 to vector<16xi32>
    %lt3A_643 = arith.cmpi slt, %sub3A_638, %lt3A_642 : vector<16xi32>
    %and3A_644 = arith.andi %ge3A_641, %lt3A_643 : vector<16xi1>
    %jit3A_645 = arith.constant 500096 : i32
    %broadcast_in_dim3A_646 = vector.broadcast %jit3A_645 : i32 to vector<16xi32>
    %select_n3A_647 = arith.select %and3A_644, %sub3A_638, %broadcast_in_dim3A_646 : vector<16xi1>, vector<16xi32>
    %swap3A_648 = arith.constant 3 : i32
    %swap3A_649 = arith.index_cast %swap3A_648 : i32 to index
    %swap3A_650 = arith.constant 64 : index
    %swap3A_651 = tpu.vector_load %arg8[%swap3A_649, %swap3A_650] {strides = array<i32>} : memref<8x128xi32, #tpu.memory_space<vmem>>, vector<1x16xi32>,
    %swap3A_652 = vector.shape_cast %swap3A_651 : vector<1x16xi32> to vector<16xi32>
    %swap3A_653 = vector.shape_cast %select_n3A_647 : vector<16xi32> to vector<1x16xi32>
    tpu.vector_store %arg8[%swap3A_649, %swap3A_650], %swap3A_653 {strides = array<i32>} : memref<8x128xi32, #tpu.memory_space<vmem>>, vector<1x16xi32>,
    %get3A_654 = arith.constant 3 : i32
    %get3A_655 = arith.index_cast %get3A_654 : i32 to index
    %get3A_656 = arith.constant 80 : index
    %get3A_657 = tpu.vector_load %arg7[%get3A_655, %get3A_656] {strides = array<i32>} : memref<8x128xi32, #tpu.memory_space<vmem>>, vector<1x16xi32>,
    %get3A_658 = vector.shape_cast %get3A_657 : vector<1x16xi32> to vector<16xi32>
    %sub3A_659 = vector.broadcast %mul3A_0 : i32 to vector<16xi32>
    %sub3A_660 = arith.subi %get3A_658, %sub3A_659 : vector<16xi32>
    %ge3A_661 = arith.constant 0 : i32
    %ge3A_662 = vector.broadcast %ge3A_661 : i32 to vector<16xi32>
    %ge3A_663 = arith.cmpi sge, %sub3A_660, %ge3A_662 : vector<16xi32>
    %lt3A_664 = vector.broadcast %sub3A_3 : i32 to vector<16xi32>
    %lt3A_665 = arith.cmpi slt, %sub3A_660, %lt3A_664 : vector<16xi32>
    %and3A_666 = arith.andi %ge3A_663, %lt3A_665 : vector<16xi1>
    %jit3A_667 = arith.constant 500096 : i32
    %broadcast_in_dim3A_668 = vector.broadcast %jit3A_667 : i32 to vector<16xi32>
    %select_n3A_669 = arith.select %and3A_666, %sub3A_660, %broadcast_in_dim3A_668 : vector<16xi1>, vector<16xi32>
    %swap3A_670 = arith.constant 3 : i32
    %swap3A_671 = arith.index_cast %swap3A_670 : i32 to index
    %swap3A_672 = arith.constant 80 : index
    %swap3A_673 = tpu.vector_load %arg8[%swap3A_671, %swap3A_672] {strides = array<i32>} : memref<8x128xi32, #tpu.memory_space<vmem>>, vector<1x16xi32>,
    %swap3A_674 = vector.shape_cast %swap3A_673 : vector<1x16xi32> to vector<16xi32>
    %swap3A_675 = vector.shape_cast %select_n3A_669 : vector<16xi32> to vector<1x16xi32>
    tpu.vector_store %arg8[%swap3A_671, %swap3A_672], %swap3A_675 {strides = array<i32>} : memref<8x128xi32, #tpu.memory_space<vmem>>, vector<1x16xi32>,
    %get3A_676 = arith.constant 3 : i32
    %get3A_677 = arith.index_cast %get3A_676 : i32 to index
    %get3A_678 = arith.constant 96 : index
    %get3A_679 = tpu.vector_load %arg7[%get3A_677, %get3A_678] {strides = array<i32>} : memref<8x128xi32, #tpu.memory_space<vmem>>, vector<1x16xi32>,
    %get3A_680 = vector.shape_cast %get3A_679 : vector<1x16xi32> to vector<16xi32>
    %sub3A_681 = vector.broadcast %mul3A_0 : i32 to vector<16xi32>
    %sub3A_682 = arith.subi %get3A_680, %sub3A_681 : vector<16xi32>
    %ge3A_683 = arith.constant 0 : i32
    %ge3A_684 = vector.broadcast %ge3A_683 : i32 to vector<16xi32>
    %ge3A_685 = arith.cmpi sge, %sub3A_682, %ge3A_684 : vector<16xi32>
    %lt3A_686 = vector.broadcast %sub3A_3 : i32 to vector<16xi32>
    %lt3A_687 = arith.cmpi slt, %sub3A_682, %lt3A_686 : vector<16xi32>
    %and3A_688 = arith.andi %ge3A_685, %lt3A_687 : vector<16xi1>
    %jit3A_689 = arith.constant 500096 : i32
    %broadcast_in_dim3A_690 = vector.broadcast %jit3A_689 : i32 to vector<16xi32>
    %select_n3A_691 = arith.select %and3A_688, %sub3A_682, %broadcast_in_dim3A_690 : vector<16xi1>, vector<16xi32>
    %swap3A_692 = arith.constant 3 : i32
    %swap3A_693 = arith.index_cast %swap3A_692 : i32 to index
    %swap3A_694 = arith.constant 96 : index
    %swap3A_695 = tpu.vector_load %arg8[%swap3A_693, %swap3A_694] {strides = array<i32>} : memref<8x128xi32, #tpu.memory_space<vmem>>, vector<1x16xi32>,
    %swap3A_696 = vector.shape_cast %swap3A_695 : vector<1x16xi32> to vector<16xi32>
    %swap3A_697 = vector.shape_cast %select_n3A_691 : vector<16xi32> to vector<1x16xi32>
    tpu.vector_store %arg8[%swap3A_693, %swap3A_694], %swap3A_697 {strides = array<i32>} : memref<8x128xi32, #tpu.memory_space<vmem>>, vector<1x16xi32>,
    %get3A_698 = arith.constant 3 : i32
    %get3A_699 = arith.index_cast %get3A_698 : i32 to index
    %get3A_700 = arith.constant 112 : index
    %get3A_701 = tpu.vector_load %arg7[%get3A_699, %get3A_700] {strides = array<i32>} : memref<8x128xi32, #tpu.memory_space<vmem>>, vector<1x16xi32>,
    %get3A_702 = vector.shape_cast %get3A_701 : vector<1x16xi32> to vector<16xi32>
    %sub3A_703 = vector.broadcast %mul3A_0 : i32 to vector<16xi32>
    %sub3A_704 = arith.subi %get3A_702, %sub3A_703 : vector<16xi32>
    %ge3A_705 = arith.constant 0 : i32
    %ge3A_706 = vector.broadcast %ge3A_705 : i32 to vector<16xi32>
    %ge3A_707 = arith.cmpi sge, %sub3A_704, %ge3A_706 : vector<16xi32>
    %lt3A_708 = vector.broadcast %sub3A_3 : i32 to vector<16xi32>
    %lt3A_709 = arith.cmpi slt, %sub3A_704, %lt3A_708 : vector<16xi32>
    %and3A_710 = arith.andi %ge3A_707, %lt3A_709 : vector<16xi1>
    %jit3A_711 = arith.constant 500096 : i32
    %broadcast_in_dim3A_712 = vector.broadcast %jit3A_711 : i32 to vector<16xi32>
    %select_n3A_713 = arith.select %and3A_710, %sub3A_704, %broadcast_in_dim3A_712 : vector<16xi1>, vector<16xi32>
    %swap3A_714 = arith.constant 3 : i32
    %swap3A_715 = arith.index_cast %swap3A_714 : i32 to index
    %swap3A_716 = arith.constant 112 : index
    %swap3A_717 = tpu.vector_load %arg8[%swap3A_715, %swap3A_716] {strides = array<i32>} : memref<8x128xi32, #tpu.memory_space<vmem>>, vector<1x16xi32>,
    %swap3A_718 = vector.shape_cast %swap3A_717 : vector<1x16xi32> to vector<16xi32>
    %swap3A_719 = vector.shape_cast %select_n3A_713 : vector<16xi32> to vector<1x16xi32>
    tpu.vector_store %arg8[%swap3A_715, %swap3A_716], %swap3A_719 {strides = array<i32>} : memref<8x128xi32, #tpu.memory_space<vmem>>, vector<1x16xi32>,
    %get3A_720 = arith.constant 4 : i32
    %get3A_721 = arith.index_cast %get3A_720 : i32 to index
    %get3A_722 = arith.constant 0 : index
    %get3A_723 = tpu.vector_load %arg7[%get3A_721, %get3A_722] {strides = array<i32>} : memref<8x128xi32, #tpu.memory_space<vmem>>, vector<1x16xi32>,
    %get3A_724 = vector.shape_cast %get3A_723 : vector<1x16xi32> to vector<16xi32>
    %sub3A_725 = vector.broadcast %mul3A_0 : i32 to vector<16xi32>
    %sub3A_726 = arith.subi %get3A_724, %sub3A_725 : vector<16xi32>
    %ge3A_727 = arith.constant 0 : i32
    %ge3A_728 = vector.broadcast %ge3A_727 : i32 to vector<16xi32>
    %ge3A_729 = arith.cmpi sge, %sub3A_726, %ge3A_728 : vector<16xi32>
    %lt3A_730 = vector.broadcast %sub3A_3 : i32 to vector<16xi32>
    %lt3A_731 = arith.cmpi slt, %sub3A_726, %lt3A_730 : vector<16xi32>
    %and3A_732 = arith.andi %ge3A_729, %lt3A_731 : vector<16xi1>
    %jit3A_733 = arith.constant 500096 : i32
    %broadcast_in_dim3A_734 = vector.broadcast %jit3A_733 : i32 to vector<16xi32>
    %select_n3A_735 = arith.select %and3A_732, %sub3A_726, %broadcast_in_dim3A_734 : vector<16xi1>, vector<16xi32>
    %swap3A_736 = arith.constant 4 : i32
    %swap3A_737 = arith.index_cast %swap3A_736 : i32 to index
    %swap3A_738 = arith.constant 0 : index
    %swap3A_739 = tpu.vector_load %arg8[%swap3A_737, %swap3A_738] {strides = array<i32>} : memref<8x128xi32, #tpu.memory_space<vmem>>, vector<1x16xi32>,
    %swap3A_740 = vector.shape_cast %swap3A_739 : vector<1x16xi32> to vector<16xi32>
    %swap3A_741 = vector.shape_cast %select_n3A_735 : vector<16xi32> to vector<1x16xi32>
    tpu.vector_store %arg8[%swap3A_737, %swap3A_738], %swap3A_741 {strides = array<i32>} : memref<8x128xi32, #tpu.memory_space<vmem>>, vector<1x16xi32>,
    %get3A_742 = arith.constant 4 : i32
    %get3A_743 = arith.index_cast %get3A_742 : i32 to index
    %get3A_744 = arith.constant 16 : index
    %get3A_745 = tpu.vector_load %arg7[%get3A_743, %get3A_744] {strides = array<i32>} : memref<8x128xi32, #tpu.memory_space<vmem>>, vector<1x16xi32>,
    %get3A_746 = vector.shape_cast %get3A_745 : vector<1x16xi32> to vector<16xi32>
    %sub3A_747 = vector.broadcast %mul3A_0 : i32 to vector<16xi32>
    %sub3A_748 = arith.subi %get3A_746, %sub3A_747 : vector<16xi32>
    %ge3A_749 = arith.constant 0 : i32
    %ge3A_750 = vector.broadcast %ge3A_749 : i32 to vector<16xi32>
    %ge3A_751 = arith.cmpi sge, %sub3A_748, %ge3A_750 : vector<16xi32>
    %lt3A_752 = vector.broadcast %sub3A_3 : i32 to vector<16xi32>
    %lt3A_753 = arith.cmpi slt, %sub3A_748, %lt3A_752 : vector<16xi32>
    %and3A_754 = arith.andi %ge3A_751, %lt3A_753 : vector<16xi1>
    %jit3A_755 = arith.constant 500096 : i32
    %broadcast_in_dim3A_756 = vector.broadcast %jit3A_755 : i32 to vector<16xi32>
    %select_n3A_757 = arith.select %and3A_754, %sub3A_748, %broadcast_in_dim3A_756 : vector<16xi1>, vector<16xi32>
    %swap3A_758 = arith.constant 4 : i32
    %swap3A_759 = arith.index_cast %swap3A_758 : i32 to index
    %swap3A_760 = arith.constant 16 : index
    %swap3A_761 = tpu.vector_load %arg8[%swap3A_759, %swap3A_760] {strides = array<i32>} : memref<8x128xi32, #tpu.memory_space<vmem>>, vector<1x16xi32>,
    %swap3A_762 = vector.shape_cast %swap3A_761 : vector<1x16xi32> to vector<16xi32>
    %swap3A_763 = vector.shape_cast %select_n3A_757 : vector<16xi32> to vector<1x16xi32>
    tpu.vector_store %arg8[%swap3A_759, %swap3A_760], %swap3A_763 {strides = array<i32>} : memref<8x128xi32, #tpu.memory_space<vmem>>, vector<1x16xi32>,
    %get3A_764 = arith.constant 4 : i32
    %get3A_765 = arith.index_cast %get3A_764 : i32 to index
    %get3A_766 = arith.constant 32 : index
    %get3A_767 = tpu.vector_load %arg7[%get3A_765, %get3A_766] {strides = array<i32>} : memref<8x128xi32, #tpu.memory_space<vmem>>, vector<1x16xi32>,
    %get3A_768 = vector.shape_cast %get3A_767 : vector<1x16xi32> to vector<16xi32>
    %sub3A_769 = vector.broadcast %mul3A_0 : i32 to vector<16xi32>
    %sub3A_770 = arith.subi %get3A_768, %sub3A_769 : vector<16xi32>
    %ge3A_771 = arith.constant 0 : i32
    %ge3A_772 = vector.broadcast %ge3A_771 : i32 to vector<16xi32>
    %ge3A_773 = arith.cmpi sge, %sub3A_770, %ge3A_772 : vector<16xi32>
    %lt3A_774 = vector.broadcast %sub3A_3 : i32 to vector<16xi32>
    %lt3A_775 = arith.cmpi slt, %sub3A_770, %lt3A_774 : vector<16xi32>
    %and3A_776 = arith.andi %ge3A_773, %lt3A_775 : vector<16xi1>
    %jit3A_777 = arith.constant 500096 : i32
    %broadcast_in_dim3A_778 = vector.broadcast %jit3A_777 : i32 to vector<16xi32>
    %select_n3A_779 = arith.select %and3A_776, %sub3A_770, %broadcast_in_dim3A_778 : vector<16xi1>, vector<16xi32>
    %swap3A_780 = arith.constant 4 : i32
    %swap3A_781 = arith.index_cast %swap3A_780 : i32 to index
    %swap3A_782 = arith.constant 32 : index
    %swap3A_783 = tpu.vector_load %arg8[%swap3A_781, %swap3A_782] {strides = array<i32>} : memref<8x128xi32, #tpu.memory_space<vmem>>, vector<1x16xi32>,
    %swap3A_784 = vector.shape_cast %swap3A_783 : vector<1x16xi32> to vector<16xi32>
    %swap3A_785 = vector.shape_cast %select_n3A_779 : vector<16xi32> to vector<1x16xi32>
    tpu.vector_store %arg8[%swap3A_781, %swap3A_782], %swap3A_785 {strides = array<i32>} : memref<8x128xi32, #tpu.memory_space<vmem>>, vector<1x16xi32>,
    %get3A_786 = arith.constant 4 : i32
    %get3A_787 = arith.index_cast %get3A_786 : i32 to index
    %get3A_788 = arith.constant 48 : index
    %get3A_789 = tpu.vector_load %arg7[%get3A_787, %get3A_788] {strides = array<i32>} : memref<8x128xi32, #tpu.memory_space<vmem>>, vector<1x16xi32>,
    %get3A_790 = vector.shape_cast %get3A_789 : vector<1x16xi32> to vector<16xi32>
    %sub3A_791 = vector.broadcast %mul3A_0 : i32 to vector<16xi32>
    %sub3A_792 = arith.subi %get3A_790, %sub3A_791 : vector<16xi32>
    %ge3A_793 = arith.constant 0 : i32
    %ge3A_794 = vector.broadcast %ge3A_793 : i32 to vector<16xi32>
    %ge3A_795 = arith.cmpi sge, %sub3A_792, %ge3A_794 : vector<16xi32>
    %lt3A_796 = vector.broadcast %sub3A_3 : i32 to vector<16xi32>
    %lt3A_797 = arith.cmpi slt, %sub3A_792, %lt3A_796 : vector<16xi32>
    %and3A_798 = arith.andi %ge3A_795, %lt3A_797 : vector<16xi1>
    %jit3A_799 = arith.constant 500096 : i32
    %broadcast_in_dim3A_800 = vector.broadcast %jit3A_799 : i32 to vector<16xi32>
    %select_n3A_801 = arith.select %and3A_798, %sub3A_792, %broadcast_in_dim3A_800 : vector<16xi1>, vector<16xi32>
    %swap3A_802 = arith.constant 4 : i32
    %swap3A_803 = arith.index_cast %swap3A_802 : i32 to index
    %swap3A_804 = arith.constant 48 : index
    %swap3A_805 = tpu.vector_load %arg8[%swap3A_803, %swap3A_804] {strides = array<i32>} : memref<8x128xi32, #tpu.memory_space<vmem>>, vector<1x16xi32>,
    %swap3A_806 = vector.shape_cast %swap3A_805 : vector<1x16xi32> to vector<16xi32>
    %swap3A_807 = vector.shape_cast %select_n3A_801 : vector<16xi32> to vector<1x16xi32>
    tpu.vector_store %arg8[%swap3A_803, %swap3A_804], %swap3A_807 {strides = array<i32>} : memref<8x128xi32, #tpu.memory_space<vmem>>, vector<1x16xi32>,
    %get3A_808 = arith.constant 4 : i32
    %get3A_809 = arith.index_cast %get3A_808 : i32 to index
    %get3A_810 = arith.constant 64 : index
    %get3A_811 = tpu.vector_load %arg7[%get3A_809, %get3A_810] {strides = array<i32>} : memref<8x128xi32, #tpu.memory_space<vmem>>, vector<1x16xi32>,
    %get3A_812 = vector.shape_cast %get3A_811 : vector<1x16xi32> to vector<16xi32>
    %sub3A_813 = vector.broadcast %mul3A_0 : i32 to vector<16xi32>
    %sub3A_814 = arith.subi %get3A_812, %sub3A_813 : vector<16xi32>
    %ge3A_815 = arith.constant 0 : i32
    %ge3A_816 = vector.broadcast %ge3A_815 : i32 to vector<16xi32>
    %ge3A_817 = arith.cmpi sge, %sub3A_814, %ge3A_816 : vector<16xi32>
    %lt3A_818 = vector.broadcast %sub3A_3 : i32 to vector<16xi32>
    %lt3A_819 = arith.cmpi slt, %sub3A_814, %lt3A_818 : vector<16xi32>
    %and3A_820 = arith.andi %ge3A_817, %lt3A_819 : vector<16xi1>
    %jit3A_821 = arith.constant 500096 : i32
    %broadcast_in_dim3A_822 = vector.broadcast %jit3A_821 : i32 to vector<16xi32>
    %select_n3A_823 = arith.select %and3A_820, %sub3A_814, %broadcast_in_dim3A_822 : vector<16xi1>, vector<16xi32>
    %swap3A_824 = arith.constant 4 : i32
    %swap3A_825 = arith.index_cast %swap3A_824 : i32 to index
    %swap3A_826 = arith.constant 64 : index
    %swap3A_827 = tpu.vector_load %arg8[%swap3A_825, %swap3A_826] {strides = array<i32>} : memref<8x128xi32, #tpu.memory_space<vmem>>, vector<1x16xi32>,
    %swap3A_828 = vector.shape_cast %swap3A_827 : vector<1x16xi32> to vector<16xi32>
    %swap3A_829 = vector.shape_cast %select_n3A_823 : vector<16xi32> to vector<1x16xi32>
    tpu.vector_store %arg8[%swap3A_825, %swap3A_826], %swap3A_829 {strides = array<i32>} : memref<8x128xi32, #tpu.memory_space<vmem>>, vector<1x16xi32>,
    %get3A_830 = arith.constant 4 : i32
    %get3A_831 = arith.index_cast %get3A_830 : i32 to index
    %get3A_832 = arith.constant 80 : index
    %get3A_833 = tpu.vector_load %arg7[%get3A_831, %get3A_832] {strides = array<i32>} : memref<8x128xi32, #tpu.memory_space<vmem>>, vector<1x16xi32>,
    %get3A_834 = vector.shape_cast %get3A_833 : vector<1x16xi32> to vector<16xi32>
    %sub3A_835 = vector.broadcast %mul3A_0 : i32 to vector<16xi32>
    %sub3A_836 = arith.subi %get3A_834, %sub3A_835 : vector<16xi32>
    %ge3A_837 = arith.constant 0 : i32
    %ge3A_838 = vector.broadcast %ge3A_837 : i32 to vector<16xi32>
    %ge3A_839 = arith.cmpi sge, %sub3A_836, %ge3A_838 : vector<16xi32>
    %lt3A_840 = vector.broadcast %sub3A_3 : i32 to vector<16xi32>
    %lt3A_841 = arith.cmpi slt, %sub3A_836, %lt3A_840 : vector<16xi32>
    %and3A_842 = arith.andi %ge3A_839, %lt3A_841 : vector<16xi1>
    %jit3A_843 = arith.constant 500096 : i32
    %broadcast_in_dim3A_844 = vector.broadcast %jit3A_843 : i32 to vector<16xi32>
    %select_n3A_845 = arith.select %and3A_842, %sub3A_836, %broadcast_in_dim3A_844 : vector<16xi1>, vector<16xi32>
    %swap3A_846 = arith.constant 4 : i32
    %swap3A_847 = arith.index_cast %swap3A_846 : i32 to index
    %swap3A_848 = arith.constant 80 : index
    %swap3A_849 = tpu.vector_load %arg8[%swap3A_847, %swap3A_848] {strides = array<i32>} : memref<8x128xi32, #tpu.memory_space<vmem>>, vector<1x16xi32>,
    %swap3A_850 = vector.shape_cast %swap3A_849 : vector<1x16xi32> to vector<16xi32>
    %swap3A_851 = vector.shape_cast %select_n3A_845 : vector<16xi32> to vector<1x16xi32>
    tpu.vector_store %arg8[%swap3A_847, %swap3A_848], %swap3A_851 {strides = array<i32>} : memref<8x128xi32, #tpu.memory_space<vmem>>, vector<1x16xi32>,
    %get3A_852 = arith.constant 4 : i32
    %get3A_853 = arith.index_cast %get3A_852 : i32 to index
    %get3A_854 = arith.constant 96 : index
    %get3A_855 = tpu.vector_load %arg7[%get3A_853, %get3A_854] {strides = array<i32>} : memref<8x128xi32, #tpu.memory_space<vmem>>, vector<1x16xi32>,
    %get3A_856 = vector.shape_cast %get3A_855 : vector<1x16xi32> to vector<16xi32>
    %sub3A_857 = vector.broadcast %mul3A_0 : i32 to vector<16xi32>
    %sub3A_858 = arith.subi %get3A_856, %sub3A_857 : vector<16xi32>
    %ge3A_859 = arith.constant 0 : i32
    %ge3A_860 = vector.broadcast %ge3A_859 : i32 to vector<16xi32>
    %ge3A_861 = arith.cmpi sge, %sub3A_858, %ge3A_860 : vector<16xi32>
    %lt3A_862 = vector.broadcast %sub3A_3 : i32 to vector<16xi32>
    %lt3A_863 = arith.cmpi slt, %sub3A_858, %lt3A_862 : vector<16xi32>
    %and3A_864 = arith.andi %ge3A_861, %lt3A_863 : vector<16xi1>
    %jit3A_865 = arith.constant 500096 : i32
    %broadcast_in_dim3A_866 = vector.broadcast %jit3A_865 : i32 to vector<16xi32>
    %select_n3A_867 = arith.select %and3A_864, %sub3A_858, %broadcast_in_dim3A_866 : vector<16xi1>, vector<16xi32>
    %swap3A_868 = arith.constant 4 : i32
    %swap3A_869 = arith.index_cast %swap3A_868 : i32 to index
    %swap3A_870 = arith.constant 96 : index
    %swap3A_871 = tpu.vector_load %arg8[%swap3A_869, %swap3A_870] {strides = array<i32>} : memref<8x128xi32, #tpu.memory_space<vmem>>, vector<1x16xi32>,
    %swap3A_872 = vector.shape_cast %swap3A_871 : vector<1x16xi32> to vector<16xi32>
    %swap3A_873 = vector.shape_cast %select_n3A_867 : vector<16xi32> to vector<1x16xi32>
    tpu.vector_store %arg8[%swap3A_869, %swap3A_870], %swap3A_873 {strides = array<i32>} : memref<8x128xi32, #tpu.memory_space<vmem>>, vector<1x16xi32>,
    %get3A_874 = arith.constant 4 : i32
    %get3A_875 = arith.index_cast %get3A_874 : i32 to index
    %get3A_876 = arith.constant 112 : index
    %get3A_877 = tpu.vector_load %arg7[%get3A_875, %get3A_876] {strides = array<i32>} : memref<8x128xi32, #tpu.memory_space<vmem>>, vector<1x16xi32>,
    %get3A_878 = vector.shape_cast %get3A_877 : vector<1x16xi32> to vector<16xi32>
    %sub3A_879 = vector.broadcast %mul3A_0 : i32 to vector<16xi32>
    %sub3A_880 = arith.subi %get3A_878, %sub3A_879 : vector<16xi32>
    %ge3A_881 = arith.constant 0 : i32
    %ge3A_882 = vector.broadcast %ge3A_881 : i32 to vector<16xi32>
    %ge3A_883 = arith.cmpi sge, %sub3A_880, %ge3A_882 : vector<16xi32>
    %lt3A_884 = vector.broadcast %sub3A_3 : i32 to vector<16xi32>
    %lt3A_885 = arith.cmpi slt, %sub3A_880, %lt3A_884 : vector<16xi32>
    %and3A_886 = arith.andi %ge3A_883, %lt3A_885 : vector<16xi1>
    %jit3A_887 = arith.constant 500096 : i32
    %broadcast_in_dim3A_888 = vector.broadcast %jit3A_887 : i32 to vector<16xi32>
    %select_n3A_889 = arith.select %and3A_886, %sub3A_880, %broadcast_in_dim3A_888 : vector<16xi1>, vector<16xi32>
    %swap3A_890 = arith.constant 4 : i32
    %swap3A_891 = arith.index_cast %swap3A_890 : i32 to index
    %swap3A_892 = arith.constant 112 : index
    %swap3A_893 = tpu.vector_load %arg8[%swap3A_891, %swap3A_892] {strides = array<i32>} : memref<8x128xi32, #tpu.memory_space<vmem>>, vector<1x16xi32>,
    %swap3A_894 = vector.shape_cast %swap3A_893 : vector<1x16xi32> to vector<16xi32>
    %swap3A_895 = vector.shape_cast %select_n3A_889 : vector<16xi32> to vector<1x16xi32>
    tpu.vector_store %arg8[%swap3A_891, %swap3A_892], %swap3A_895 {strides = array<i32>} : memref<8x128xi32, #tpu.memory_space<vmem>>, vector<1x16xi32>,
    %get3A_896 = arith.constant 5 : i32
    %get3A_897 = arith.index_cast %get3A_896 : i32 to index
    %get3A_898 = arith.constant 0 : index
    %get3A_899 = tpu.vector_load %arg7[%get3A_897, %get3A_898] {strides = array<i32>} : memref<8x128xi32, #tpu.memory_space<vmem>>, vector<1x16xi32>,
    %get3A_900 = vector.shape_cast %get3A_899 : vector<1x16xi32> to vector<16xi32>
    %sub3A_901 = vector.broadcast %mul3A_0 : i32 to vector<16xi32>
    %sub3A_902 = arith.subi %get3A_900, %sub3A_901 : vector<16xi32>
    %ge3A_903 = arith.constant 0 : i32
    %ge3A_904 = vector.broadcast %ge3A_903 : i32 to vector<16xi32>
    %ge3A_905 = arith.cmpi sge, %sub3A_902, %ge3A_904 : vector<16xi32>
    %lt3A_906 = vector.broadcast %sub3A_3 : i32 to vector<16xi32>
    %lt3A_907 = arith.cmpi slt, %sub3A_902, %lt3A_906 : vector<16xi32>
    %and3A_908 = arith.andi %ge3A_905, %lt3A_907 : vector<16xi1>
    %jit3A_909 = arith.constant 500096 : i32
    %broadcast_in_dim3A_910 = vector.broadcast %jit3A_909 : i32 to vector<16xi32>
    %select_n3A_911 = arith.select %and3A_908, %sub3A_902, %broadcast_in_dim3A_910 : vector<16xi1>, vector<16xi32>
    %swap3A_912 = arith.constant 5 : i32
    %swap3A_913 = arith.index_cast %swap3A_912 : i32 to index
    %swap3A_914 = arith.constant 0 : index
    %swap3A_915 = tpu.vector_load %arg8[%swap3A_913, %swap3A_914] {strides = array<i32>} : memref<8x128xi32, #tpu.memory_space<vmem>>, vector<1x16xi32>,
    %swap3A_916 = vector.shape_cast %swap3A_915 : vector<1x16xi32> to vector<16xi32>
    %swap3A_917 = vector.shape_cast %select_n3A_911 : vector<16xi32> to vector<1x16xi32>
    tpu.vector_store %arg8[%swap3A_913, %swap3A_914], %swap3A_917 {strides = array<i32>} : memref<8x128xi32, #tpu.memory_space<vmem>>, vector<1x16xi32>,
    %get3A_918 = arith.constant 5 : i32
    %get3A_919 = arith.index_cast %get3A_918 : i32 to index
    %get3A_920 = arith.constant 16 : index
    %get3A_921 = tpu.vector_load %arg7[%get3A_919, %get3A_920] {strides = array<i32>} : memref<8x128xi32, #tpu.memory_space<vmem>>, vector<1x16xi32>,
    %get3A_922 = vector.shape_cast %get3A_921 : vector<1x16xi32> to vector<16xi32>
    %sub3A_923 = vector.broadcast %mul3A_0 : i32 to vector<16xi32>
    %sub3A_924 = arith.subi %get3A_922, %sub3A_923 : vector<16xi32>
    %ge3A_925 = arith.constant 0 : i32
    %ge3A_926 = vector.broadcast %ge3A_925 : i32 to vector<16xi32>
    %ge3A_927 = arith.cmpi sge, %sub3A_924, %ge3A_926 : vector<16xi32>
    %lt3A_928 = vector.broadcast %sub3A_3 : i32 to vector<16xi32>
    %lt3A_929 = arith.cmpi slt, %sub3A_924, %lt3A_928 : vector<16xi32>
    %and3A_930 = arith.andi %ge3A_927, %lt3A_929 : vector<16xi1>
    %jit3A_931 = arith.constant 500096 : i32
    %broadcast_in_dim3A_932 = vector.broadcast %jit3A_931 : i32 to vector<16xi32>
    %select_n3A_933 = arith.select %and3A_930, %sub3A_924, %broadcast_in_dim3A_932 : vector<16xi1>, vector<16xi32>
    %swap3A_934 = arith.constant 5 : i32
    %swap3A_935 = arith.index_cast %swap3A_934 : i32 to index
    %swap3A_936 = arith.constant 16 : index
    %swap3A_937 = tpu.vector_load %arg8[%swap3A_935, %swap3A_936] {strides = array<i32>} : memref<8x128xi32, #tpu.memory_space<vmem>>, vector<1x16xi32>,
    %swap3A_938 = vector.shape_cast %swap3A_937 : vector<1x16xi32> to vector<16xi32>
    %swap3A_939 = vector.shape_cast %select_n3A_933 : vector<16xi32> to vector<1x16xi32>
    tpu.vector_store %arg8[%swap3A_935, %swap3A_936], %swap3A_939 {strides = array<i32>} : memref<8x128xi32, #tpu.memory_space<vmem>>, vector<1x16xi32>,
    %get3A_940 = arith.constant 5 : i32
    %get3A_941 = arith.index_cast %get3A_940 : i32 to index
    %get3A_942 = arith.constant 32 : index
    %get3A_943 = tpu.vector_load %arg7[%get3A_941, %get3A_942] {strides = array<i32>} : memref<8x128xi32, #tpu.memory_space<vmem>>, vector<1x16xi32>,
    %get3A_944 = vector.shape_cast %get3A_943 : vector<1x16xi32> to vector<16xi32>
    %sub3A_945 = vector.broadcast %mul3A_0 : i32 to vector<16xi32>
    %sub3A_946 = arith.subi %get3A_944, %sub3A_945 : vector<16xi32>
    %ge3A_947 = arith.constant 0 : i32
    %ge3A_948 = vector.broadcast %ge3A_947 : i32 to vector<16xi32>
    %ge3A_949 = arith.cmpi sge, %sub3A_946, %ge3A_948 : vector<16xi32>
    %lt3A_950 = vector.broadcast %sub3A_3 : i32 to vector<16xi32>
    %lt3A_951 = arith.cmpi slt, %sub3A_946, %lt3A_950 : vector<16xi32>
    %and3A_952 = arith.andi %ge3A_949, %lt3A_951 : vector<16xi1>
    %jit3A_953 = arith.constant 500096 : i32
    %broadcast_in_dim3A_954 = vector.broadcast %jit3A_953 : i32 to vector<16xi32>
    %select_n3A_955 = arith.select %and3A_952, %sub3A_946, %broadcast_in_dim3A_954 : vector<16xi1>, vector<16xi32>
    %swap3A_956 = arith.constant 5 : i32
    %swap3A_957 = arith.index_cast %swap3A_956 : i32 to index
    %swap3A_958 = arith.constant 32 : index
    %swap3A_959 = tpu.vector_load %arg8[%swap3A_957, %swap3A_958] {strides = array<i32>} : memref<8x128xi32, #tpu.memory_space<vmem>>, vector<1x16xi32>,
    %swap3A_960 = vector.shape_cast %swap3A_959 : vector<1x16xi32> to vector<16xi32>
    %swap3A_961 = vector.shape_cast %select_n3A_955 : vector<16xi32> to vector<1x16xi32>
    tpu.vector_store %arg8[%swap3A_957, %swap3A_958], %swap3A_961 {strides = array<i32>} : memref<8x128xi32, #tpu.memory_space<vmem>>, vector<1x16xi32>,
    %get3A_962 = arith.constant 5 : i32
    %get3A_963 = arith.index_cast %get3A_962 : i32 to index
    %get3A_964 = arith.constant 48 : index
    %get3A_965 = tpu.vector_load %arg7[%get3A_963, %get3A_964] {strides = array<i32>} : memref<8x128xi32, #tpu.memory_space<vmem>>, vector<1x16xi32>,
    %get3A_966 = vector.shape_cast %get3A_965 : vector<1x16xi32> to vector<16xi32>
    %sub3A_967 = vector.broadcast %mul3A_0 : i32 to vector<16xi32>
    %sub3A_968 = arith.subi %get3A_966, %sub3A_967 : vector<16xi32>
    %ge3A_969 = arith.constant 0 : i32
    %ge3A_970 = vector.broadcast %ge3A_969 : i32 to vector<16xi32>
    %ge3A_971 = arith.cmpi sge, %sub3A_968, %ge3A_970 : vector<16xi32>
    %lt3A_972 = vector.broadcast %sub3A_3 : i32 to vector<16xi32>
    %lt3A_973 = arith.cmpi slt, %sub3A_968, %lt3A_972 : vector<16xi32>
    %and3A_974 = arith.andi %ge3A_971, %lt3A_973 : vector<16xi1>
    %jit3A_975 = arith.constant 500096 : i32
    %broadcast_in_dim3A_976 = vector.broadcast %jit3A_975 : i32 to vector<16xi32>
    %select_n3A_977 = arith.select %and3A_974, %sub3A_968, %broadcast_in_dim3A_976 : vector<16xi1>, vector<16xi32>
    %swap3A_978 = arith.constant 5 : i32
    %swap3A_979 = arith.index_cast %swap3A_978 : i32 to index
    %swap3A_980 = arith.constant 48 : index
    %swap3A_981 = tpu.vector_load %arg8[%swap3A_979, %swap3A_980] {strides = array<i32>} : memref<8x128xi32, #tpu.memory_space<vmem>>, vector<1x16xi32>,
    %swap3A_982 = vector.shape_cast %swap3A_981 : vector<1x16xi32> to vector<16xi32>
    %swap3A_983 = vector.shape_cast %select_n3A_977 : vector<16xi32> to vector<1x16xi32>
    tpu.vector_store %arg8[%swap3A_979, %swap3A_980], %swap3A_983 {strides = array<i32>} : memref<8x128xi32, #tpu.memory_space<vmem>>, vector<1x16xi32>,
    %get3A_984 = arith.constant 5 : i32
    %get3A_985 = arith.index_cast %get3A_984 : i32 to index
    %get3A_986 = arith.constant 64 : index
    %get3A_987 = tpu.vector_load %arg7[%get3A_985, %get3A_986] {strides = array<i32>} : memref<8x128xi32, #tpu.memory_space<vmem>>, vector<1x16xi32>,
    %get3A_988 = vector.shape_cast %get3A_987 : vector<1x16xi32> to vector<16xi32>
    %sub3A_989 = vector.broadcast %mul3A_0 : i32 to vector<16xi32>
    %sub3A_990 = arith.subi %get3A_988, %sub3A_989 : vector<16xi32>
    %ge3A_991 = arith.constant 0 : i32
    %ge3A_992 = vector.broadcast %ge3A_991 : i32 to vector<16xi32>
    %ge3A_993 = arith.cmpi sge, %sub3A_990, %ge3A_992 : vector<16xi32>
    %lt3A_994 = vector.broadcast %sub3A_3 : i32 to vector<16xi32>
    %lt3A_995 = arith.cmpi slt, %sub3A_990, %lt3A_994 : vector<16xi32>
    %and3A_996 = arith.andi %ge3A_993, %lt3A_995 : vector<16xi1>
    %jit3A_997 = arith.constant 500096 : i32
    %broadcast_in_dim3A_998 = vector.broadcast %jit3A_997 : i32 to vector<16xi32>
    %select_n3A_999 = arith.select %and3A_996, %sub3A_990, %broadcast_in_dim3A_998 : vector<16xi1>, vector<16xi32>
    %swap3A_1000 = arith.constant 5 : i32
    %swap3A_1001 = arith.index_cast %swap3A_1000 : i32 to index
    %swap3A_1002 = arith.constant 64 : index
    %swap3A_1003 = tpu.vector_load %arg8[%swap3A_1001, %swap3A_1002] {strides = array<i32>} : memref<8x128xi32, #tpu.memory_space<vmem>>, vector<1x16xi32>,
    %swap3A_1004 = vector.shape_cast %swap3A_1003 : vector<1x16xi32> to vector<16xi32>
    %swap3A_1005 = vector.shape_cast %select_n3A_999 : vector<16xi32> to vector<1x16xi32>
    tpu.vector_store %arg8[%swap3A_1001, %swap3A_1002], %swap3A_1005 {strides = array<i32>} : memref<8x128xi32, #tpu.memory_space<vmem>>, vector<1x16xi32>,
    %get3A_1006 = arith.constant 5 : i32
    %get3A_1007 = arith.index_cast %get3A_1006 : i32 to index
    %get3A_1008 = arith.constant 80 : index
    %get3A_1009 = tpu.vector_load %arg7[%get3A_1007, %get3A_1008] {strides = array<i32>} : memref<8x128xi32, #tpu.memory_space<vmem>>, vector<1x16xi32>,
    %get3A_1010 = vector.shape_cast %get3A_1009 : vector<1x16xi32> to vector<16xi32>
    %sub3A_1011 = vector.broadcast %mul3A_0 : i32 to vector<16xi32>
    %sub3A_1012 = arith.subi %get3A_1010, %sub3A_1011 : vector<16xi32>
    %ge3A_1013 = arith.constant 0 : i32
    %ge3A_1014 = vector.broadcast %ge3A_1013 : i32 to vector<16xi32>
    %ge3A_1015 = arith.cmpi sge, %sub3A_1012, %ge3A_1014 : vector<16xi32>
    %lt3A_1016 = vector.broadcast %sub3A_3 : i32 to vector<16xi32>
    %lt3A_1017 = arith.cmpi slt, %sub3A_1012, %lt3A_1016 : vector<16xi32>
    %and3A_1018 = arith.andi %ge3A_1015, %lt3A_1017 : vector<16xi1>
    %jit3A_1019 = arith.constant 500096 : i32
    %broadcast_in_dim3A_1020 = vector.broadcast %jit3A_1019 : i32 to vector<16xi32>
    %select_n3A_1021 = arith.select %and3A_1018, %sub3A_1012, %broadcast_in_dim3A_1020 : vector<16xi1>, vector<16xi32>
    %swap3A_1022 = arith.constant 5 : i32
    %swap3A_1023 = arith.index_cast %swap3A_1022 : i32 to index
    %swap3A_1024 = arith.constant 80 : index
    %swap3A_1025 = tpu.vector_load %arg8[%swap3A_1023, %swap3A_1024] {strides = array<i32>} : memref<8x128xi32, #tpu.memory_space<vmem>>, vector<1x16xi32>,
    %swap3A_1026 = vector.shape_cast %swap3A_1025 : vector<1x16xi32> to vector<16xi32>
    %swap3A_1027 = vector.shape_cast %select_n3A_1021 : vector<16xi32> to vector<1x16xi32>
    tpu.vector_store %arg8[%swap3A_1023, %swap3A_1024], %swap3A_1027 {strides = array<i32>} : memref<8x128xi32, #tpu.memory_space<vmem>>, vector<1x16xi32>,
    %get3A_1028 = arith.constant 5 : i32
    %get3A_1029 = arith.index_cast %get3A_1028 : i32 to index
    %get3A_1030 = arith.constant 96 : index
    %get3A_1031 = tpu.vector_load %arg7[%get3A_1029, %get3A_1030] {strides = array<i32>} : memref<8x128xi32, #tpu.memory_space<vmem>>, vector<1x16xi32>,
    %get3A_1032 = vector.shape_cast %get3A_1031 : vector<1x16xi32> to vector<16xi32>
    %sub3A_1033 = vector.broadcast %mul3A_0 : i32 to vector<16xi32>
    %sub3A_1034 = arith.subi %get3A_1032, %sub3A_1033 : vector<16xi32>
    %ge3A_1035 = arith.constant 0 : i32
    %ge3A_1036 = vector.broadcast %ge3A_1035 : i32 to vector<16xi32>
    %ge3A_1037 = arith.cmpi sge, %sub3A_1034, %ge3A_1036 : vector<16xi32>
    %lt3A_1038 = vector.broadcast %sub3A_3 : i32 to vector<16xi32>
    %lt3A_1039 = arith.cmpi slt, %sub3A_1034, %lt3A_1038 : vector<16xi32>
    %and3A_1040 = arith.andi %ge3A_1037, %lt3A_1039 : vector<16xi1>
    %jit3A_1041 = arith.constant 500096 : i32
    %broadcast_in_dim3A_1042 = vector.broadcast %jit3A_1041 : i32 to vector<16xi32>
    %select_n3A_1043 = arith.select %and3A_1040, %sub3A_1034, %broadcast_in_dim3A_1042 : vector<16xi1>, vector<16xi32>
    %swap3A_1044 = arith.constant 5 : i32
    %swap3A_1045 = arith.index_cast %swap3A_1044 : i32 to index
    %swap3A_1046 = arith.constant 96 : index
    %swap3A_1047 = tpu.vector_load %arg8[%swap3A_1045, %swap3A_1046] {strides = array<i32>} : memref<8x128xi32, #tpu.memory_space<vmem>>, vector<1x16xi32>,
    %swap3A_1048 = vector.shape_cast %swap3A_1047 : vector<1x16xi32> to vector<16xi32>
    %swap3A_1049 = vector.shape_cast %select_n3A_1043 : vector<16xi32> to vector<1x16xi32>
    tpu.vector_store %arg8[%swap3A_1045, %swap3A_1046], %swap3A_1049 {strides = array<i32>} : memref<8x128xi32, #tpu.memory_space<vmem>>, vector<1x16xi32>,
    %get3A_1050 = arith.constant 5 : i32
    %get3A_1051 = arith.index_cast %get3A_1050 : i32 to index
    %get3A_1052 = arith.constant 112 : index
    %get3A_1053 = tpu.vector_load %arg7[%get3A_1051, %get3A_1052] {strides = array<i32>} : memref<8x128xi32, #tpu.memory_space<vmem>>, vector<1x16xi32>,
    %get3A_1054 = vector.shape_cast %get3A_1053 : vector<1x16xi32> to vector<16xi32>
    %sub3A_1055 = vector.broadcast %mul3A_0 : i32 to vector<16xi32>
    %sub3A_1056 = arith.subi %get3A_1054, %sub3A_1055 : vector<16xi32>
    %ge3A_1057 = arith.constant 0 : i32
    %ge3A_1058 = vector.broadcast %ge3A_1057 : i32 to vector<16xi32>
    %ge3A_1059 = arith.cmpi sge, %sub3A_1056, %ge3A_1058 : vector<16xi32>
    %lt3A_1060 = vector.broadcast %sub3A_3 : i32 to vector<16xi32>
    %lt3A_1061 = arith.cmpi slt, %sub3A_1056, %lt3A_1060 : vector<16xi32>
    %and3A_1062 = arith.andi %ge3A_1059, %lt3A_1061 : vector<16xi1>
    %jit3A_1063 = arith.constant 500096 : i32
    %broadcast_in_dim3A_1064 = vector.broadcast %jit3A_1063 : i32 to vector<16xi32>
    %select_n3A_1065 = arith.select %and3A_1062, %sub3A_1056, %broadcast_in_dim3A_1064 : vector<16xi1>, vector<16xi32>
    %swap3A_1066 = arith.constant 5 : i32
    %swap3A_1067 = arith.index_cast %swap3A_1066 : i32 to index
    %swap3A_1068 = arith.constant 112 : index
    %swap3A_1069 = tpu.vector_load %arg8[%swap3A_1067, %swap3A_1068] {strides = array<i32>} : memref<8x128xi32, #tpu.memory_space<vmem>>, vector<1x16xi32>,
    %swap3A_1070 = vector.shape_cast %swap3A_1069 : vector<1x16xi32> to vector<16xi32>
    %swap3A_1071 = vector.shape_cast %select_n3A_1065 : vector<16xi32> to vector<1x16xi32>
    tpu.vector_store %arg8[%swap3A_1067, %swap3A_1068], %swap3A_1071 {strides = array<i32>} : memref<8x128xi32, #tpu.memory_space<vmem>>, vector<1x16xi32>,
    %get3A_1072 = arith.constant 6 : i32
    %get3A_1073 = arith.index_cast %get3A_1072 : i32 to index
    %get3A_1074 = arith.constant 0 : index
    %get3A_1075 = tpu.vector_load %arg7[%get3A_1073, %get3A_1074] {strides = array<i32>} : memref<8x128xi32, #tpu.memory_space<vmem>>, vector<1x16xi32>,
    %get3A_1076 = vector.shape_cast %get3A_1075 : vector<1x16xi32> to vector<16xi32>
    %sub3A_1077 = vector.broadcast %mul3A_0 : i32 to vector<16xi32>
    %sub3A_1078 = arith.subi %get3A_1076, %sub3A_1077 : vector<16xi32>
    %ge3A_1079 = arith.constant 0 : i32
    %ge3A_1080 = vector.broadcast %ge3A_1079 : i32 to vector<16xi32>
    %ge3A_1081 = arith.cmpi sge, %sub3A_1078, %ge3A_1080 : vector<16xi32>
    %lt3A_1082 = vector.broadcast %sub3A_3 : i32 to vector<16xi32>
    %lt3A_1083 = arith.cmpi slt, %sub3A_1078, %lt3A_1082 : vector<16xi32>
    %and3A_1084 = arith.andi %ge3A_1081, %lt3A_1083 : vector<16xi1>
    %jit3A_1085 = arith.constant 500096 : i32
    %broadcast_in_dim3A_1086 = vector.broadcast %jit3A_1085 : i32 to vector<16xi32>
    %select_n3A_1087 = arith.select %and3A_1084, %sub3A_1078, %broadcast_in_dim3A_1086 : vector<16xi1>, vector<16xi32>
    %swap3A_1088 = arith.constant 6 : i32
    %swap3A_1089 = arith.index_cast %swap3A_1088 : i32 to index
    %swap3A_1090 = arith.constant 0 : index
    %swap3A_1091 = tpu.vector_load %arg8[%swap3A_1089, %swap3A_1090] {strides = array<i32>} : memref<8x128xi32, #tpu.memory_space<vmem>>, vector<1x16xi32>,
    %swap3A_1092 = vector.shape_cast %swap3A_1091 : vector<1x16xi32> to vector<16xi32>
    %swap3A_1093 = vector.shape_cast %select_n3A_1087 : vector<16xi32> to vector<1x16xi32>
    tpu.vector_store %arg8[%swap3A_1089, %swap3A_1090], %swap3A_1093 {strides = array<i32>} : memref<8x128xi32, #tpu.memory_space<vmem>>, vector<1x16xi32>,
    %get3A_1094 = arith.constant 6 : i32
    %get3A_1095 = arith.index_cast %get3A_1094 : i32 to index
    %get3A_1096 = arith.constant 16 : index
    %get3A_1097 = tpu.vector_load %arg7[%get3A_1095, %get3A_1096] {strides = array<i32>} : memref<8x128xi32, #tpu.memory_space<vmem>>, vector<1x16xi32>,
    %get3A_1098 = vector.shape_cast %get3A_1097 : vector<1x16xi32> to vector<16xi32>
    %sub3A_1099 = vector.broadcast %mul3A_0 : i32 to vector<16xi32>
    %sub3A_1100 = arith.subi %get3A_1098, %sub3A_1099 : vector<16xi32>
    %ge3A_1101 = arith.constant 0 : i32
    %ge3A_1102 = vector.broadcast %ge3A_1101 : i32 to vector<16xi32>
    %ge3A_1103 = arith.cmpi sge, %sub3A_1100, %ge3A_1102 : vector<16xi32>
    %lt3A_1104 = vector.broadcast %sub3A_3 : i32 to vector<16xi32>
    %lt3A_1105 = arith.cmpi slt, %sub3A_1100, %lt3A_1104 : vector<16xi32>
    %and3A_1106 = arith.andi %ge3A_1103, %lt3A_1105 : vector<16xi1>
    %jit3A_1107 = arith.constant 500096 : i32
    %broadcast_in_dim3A_1108 = vector.broadcast %jit3A_1107 : i32 to vector<16xi32>
    %select_n3A_1109 = arith.select %and3A_1106, %sub3A_1100, %broadcast_in_dim3A_1108 : vector<16xi1>, vector<16xi32>
    %swap3A_1110 = arith.constant 6 : i32
    %swap3A_1111 = arith.index_cast %swap3A_1110 : i32 to index
    %swap3A_1112 = arith.constant 16 : index
    %swap3A_1113 = tpu.vector_load %arg8[%swap3A_1111, %swap3A_1112] {strides = array<i32>} : memref<8x128xi32, #tpu.memory_space<vmem>>, vector<1x16xi32>,
    %swap3A_1114 = vector.shape_cast %swap3A_1113 : vector<1x16xi32> to vector<16xi32>
    %swap3A_1115 = vector.shape_cast %select_n3A_1109 : vector<16xi32> to vector<1x16xi32>
    tpu.vector_store %arg8[%swap3A_1111, %swap3A_1112], %swap3A_1115 {strides = array<i32>} : memref<8x128xi32, #tpu.memory_space<vmem>>, vector<1x16xi32>,
    %get3A_1116 = arith.constant 6 : i32
    %get3A_1117 = arith.index_cast %get3A_1116 : i32 to index
    %get3A_1118 = arith.constant 32 : index
    %get3A_1119 = tpu.vector_load %arg7[%get3A_1117, %get3A_1118] {strides = array<i32>} : memref<8x128xi32, #tpu.memory_space<vmem>>, vector<1x16xi32>,
    %get3A_1120 = vector.shape_cast %get3A_1119 : vector<1x16xi32> to vector<16xi32>
    %sub3A_1121 = vector.broadcast %mul3A_0 : i32 to vector<16xi32>
    %sub3A_1122 = arith.subi %get3A_1120, %sub3A_1121 : vector<16xi32>
    %ge3A_1123 = arith.constant 0 : i32
    %ge3A_1124 = vector.broadcast %ge3A_1123 : i32 to vector<16xi32>
    %ge3A_1125 = arith.cmpi sge, %sub3A_1122, %ge3A_1124 : vector<16xi32>
    %lt3A_1126 = vector.broadcast %sub3A_3 : i32 to vector<16xi32>
    %lt3A_1127 = arith.cmpi slt, %sub3A_1122, %lt3A_1126 : vector<16xi32>
    %and3A_1128 = arith.andi %ge3A_1125, %lt3A_1127 : vector<16xi1>
    %jit3A_1129 = arith.constant 500096 : i32
    %broadcast_in_dim3A_1130 = vector.broadcast %jit3A_1129 : i32 to vector<16xi32>
    %select_n3A_1131 = arith.select %and3A_1128, %sub3A_1122, %broadcast_in_dim3A_1130 : vector<16xi1>, vector<16xi32>
    %swap3A_1132 = arith.constant 6 : i32
    %swap3A_1133 = arith.index_cast %swap3A_1132 : i32 to index
    %swap3A_1134 = arith.constant 32 : index
    %swap3A_1135 = tpu.vector_load %arg8[%swap3A_1133, %swap3A_1134] {strides = array<i32>} : memref<8x128xi32, #tpu.memory_space<vmem>>, vector<1x16xi32>,
    %swap3A_1136 = vector.shape_cast %swap3A_1135 : vector<1x16xi32> to vector<16xi32>
    %swap3A_1137 = vector.shape_cast %select_n3A_1131 : vector<16xi32> to vector<1x16xi32>
    tpu.vector_store %arg8[%swap3A_1133, %swap3A_1134], %swap3A_1137 {strides = array<i32>} : memref<8x128xi32, #tpu.memory_space<vmem>>, vector<1x16xi32>,
    %get3A_1138 = arith.constant 6 : i32
    %get3A_1139 = arith.index_cast %get3A_1138 : i32 to index
    %get3A_1140 = arith.constant 48 : index
    %get3A_1141 = tpu.vector_load %arg7[%get3A_1139, %get3A_1140] {strides = array<i32>} : memref<8x128xi32, #tpu.memory_space<vmem>>, vector<1x16xi32>,
    %get3A_1142 = vector.shape_cast %get3A_1141 : vector<1x16xi32> to vector<16xi32>
    %sub3A_1143 = vector.broadcast %mul3A_0 : i32 to vector<16xi32>
    %sub3A_1144 = arith.subi %get3A_1142, %sub3A_1143 : vector<16xi32>
    %ge3A_1145 = arith.constant 0 : i32
    %ge3A_1146 = vector.broadcast %ge3A_1145 : i32 to vector<16xi32>
    %ge3A_1147 = arith.cmpi sge, %sub3A_1144, %ge3A_1146 : vector<16xi32>
    %lt3A_1148 = vector.broadcast %sub3A_3 : i32 to vector<16xi32>
    %lt3A_1149 = arith.cmpi slt, %sub3A_1144, %lt3A_1148 : vector<16xi32>
    %and3A_1150 = arith.andi %ge3A_1147, %lt3A_1149 : vector<16xi1>
    %jit3A_1151 = arith.constant 500096 : i32
    %broadcast_in_dim3A_1152 = vector.broadcast %jit3A_1151 : i32 to vector<16xi32>
    %select_n3A_1153 = arith.select %and3A_1150, %sub3A_1144, %broadcast_in_dim3A_1152 : vector<16xi1>, vector<16xi32>
    %swap3A_1154 = arith.constant 6 : i32
    %swap3A_1155 = arith.index_cast %swap3A_1154 : i32 to index
    %swap3A_1156 = arith.constant 48 : index
    %swap3A_1157 = tpu.vector_load %arg8[%swap3A_1155, %swap3A_1156] {strides = array<i32>} : memref<8x128xi32, #tpu.memory_space<vmem>>, vector<1x16xi32>,
    %swap3A_1158 = vector.shape_cast %swap3A_1157 : vector<1x16xi32> to vector<16xi32>
    %swap3A_1159 = vector.shape_cast %select_n3A_1153 : vector<16xi32> to vector<1x16xi32>
    tpu.vector_store %arg8[%swap3A_1155, %swap3A_1156], %swap3A_1159 {strides = array<i32>} : memref<8x128xi32, #tpu.memory_space<vmem>>, vector<1x16xi32>,
    %get3A_1160 = arith.constant 6 : i32
    %get3A_1161 = arith.index_cast %get3A_1160 : i32 to index
    %get3A_1162 = arith.constant 64 : index
    %get3A_1163 = tpu.vector_load %arg7[%get3A_1161, %get3A_1162] {strides = array<i32>} : memref<8x128xi32, #tpu.memory_space<vmem>>, vector<1x16xi32>,
    %get3A_1164 = vector.shape_cast %get3A_1163 : vector<1x16xi32> to vector<16xi32>
    %sub3A_1165 = vector.broadcast %mul3A_0 : i32 to vector<16xi32>
    %sub3A_1166 = arith.subi %get3A_1164, %sub3A_1165 : vector<16xi32>
    %ge3A_1167 = arith.constant 0 : i32
    %ge3A_1168 = vector.broadcast %ge3A_1167 : i32 to vector<16xi32>
    %ge3A_1169 = arith.cmpi sge, %sub3A_1166, %ge3A_1168 : vector<16xi32>
    %lt3A_1170 = vector.broadcast %sub3A_3 : i32 to vector<16xi32>
    %lt3A_1171 = arith.cmpi slt, %sub3A_1166, %lt3A_1170 : vector<16xi32>
    %and3A_1172 = arith.andi %ge3A_1169, %lt3A_1171 : vector<16xi1>
    %jit3A_1173 = arith.constant 500096 : i32
    %broadcast_in_dim3A_1174 = vector.broadcast %jit3A_1173 : i32 to vector<16xi32>
    %select_n3A_1175 = arith.select %and3A_1172, %sub3A_1166, %broadcast_in_dim3A_1174 : vector<16xi1>, vector<16xi32>
    %swap3A_1176 = arith.constant 6 : i32
    %swap3A_1177 = arith.index_cast %swap3A_1176 : i32 to index
    %swap3A_1178 = arith.constant 64 : index
    %swap3A_1179 = tpu.vector_load %arg8[%swap3A_1177, %swap3A_1178] {strides = array<i32>} : memref<8x128xi32, #tpu.memory_space<vmem>>, vector<1x16xi32>,
    %swap3A_1180 = vector.shape_cast %swap3A_1179 : vector<1x16xi32> to vector<16xi32>
    %swap3A_1181 = vector.shape_cast %select_n3A_1175 : vector<16xi32> to vector<1x16xi32>
    tpu.vector_store %arg8[%swap3A_1177, %swap3A_1178], %swap3A_1181 {strides = array<i32>} : memref<8x128xi32, #tpu.memory_space<vmem>>, vector<1x16xi32>,
    %get3A_1182 = arith.constant 6 : i32
    %get3A_1183 = arith.index_cast %get3A_1182 : i32 to index
    %get3A_1184 = arith.constant 80 : index
    %get3A_1185 = tpu.vector_load %arg7[%get3A_1183, %get3A_1184] {strides = array<i32>} : memref<8x128xi32, #tpu.memory_space<vmem>>, vector<1x16xi32>,
    %get3A_1186 = vector.shape_cast %get3A_1185 : vector<1x16xi32> to vector<16xi32>
    %sub3A_1187 = vector.broadcast %mul3A_0 : i32 to vector<16xi32>
    %sub3A_1188 = arith.subi %get3A_1186, %sub3A_1187 : vector<16xi32>
    %ge3A_1189 = arith.constant 0 : i32
    %ge3A_1190 = vector.broadcast %ge3A_1189 : i32 to vector<16xi32>
    %ge3A_1191 = arith.cmpi sge, %sub3A_1188, %ge3A_1190 : vector<16xi32>
    %lt3A_1192 = vector.broadcast %sub3A_3 : i32 to vector<16xi32>
    %lt3A_1193 = arith.cmpi slt, %sub3A_1188, %lt3A_1192 : vector<16xi32>
    %and3A_1194 = arith.andi %ge3A_1191, %lt3A_1193 : vector<16xi1>
    %jit3A_1195 = arith.constant 500096 : i32
    %broadcast_in_dim3A_1196 = vector.broadcast %jit3A_1195 : i32 to vector<16xi32>
    %select_n3A_1197 = arith.select %and3A_1194, %sub3A_1188, %broadcast_in_dim3A_1196 : vector<16xi1>, vector<16xi32>
    %swap3A_1198 = arith.constant 6 : i32
    %swap3A_1199 = arith.index_cast %swap3A_1198 : i32 to index
    %swap3A_1200 = arith.constant 80 : index
    %swap3A_1201 = tpu.vector_load %arg8[%swap3A_1199, %swap3A_1200] {strides = array<i32>} : memref<8x128xi32, #tpu.memory_space<vmem>>, vector<1x16xi32>,
    %swap3A_1202 = vector.shape_cast %swap3A_1201 : vector<1x16xi32> to vector<16xi32>
    %swap3A_1203 = vector.shape_cast %select_n3A_1197 : vector<16xi32> to vector<1x16xi32>
    tpu.vector_store %arg8[%swap3A_1199, %swap3A_1200], %swap3A_1203 {strides = array<i32>} : memref<8x128xi32, #tpu.memory_space<vmem>>, vector<1x16xi32>,
    %get3A_1204 = arith.constant 6 : i32
    %get3A_1205 = arith.index_cast %get3A_1204 : i32 to index
    %get3A_1206 = arith.constant 96 : index
    %get3A_1207 = tpu.vector_load %arg7[%get3A_1205, %get3A_1206] {strides = array<i32>} : memref<8x128xi32, #tpu.memory_space<vmem>>, vector<1x16xi32>,
    %get3A_1208 = vector.shape_cast %get3A_1207 : vector<1x16xi32> to vector<16xi32>
    %sub3A_1209 = vector.broadcast %mul3A_0 : i32 to vector<16xi32>
    %sub3A_1210 = arith.subi %get3A_1208, %sub3A_1209 : vector<16xi32>
    %ge3A_1211 = arith.constant 0 : i32
    %ge3A_1212 = vector.broadcast %ge3A_1211 : i32 to vector<16xi32>
    %ge3A_1213 = arith.cmpi sge, %sub3A_1210, %ge3A_1212 : vector<16xi32>
    %lt3A_1214 = vector.broadcast %sub3A_3 : i32 to vector<16xi32>
    %lt3A_1215 = arith.cmpi slt, %sub3A_1210, %lt3A_1214 : vector<16xi32>
    %and3A_1216 = arith.andi %ge3A_1213, %lt3A_1215 : vector<16xi1>
    %jit3A_1217 = arith.constant 500096 : i32
    %broadcast_in_dim3A_1218 = vector.broadcast %jit3A_1217 : i32 to vector<16xi32>
    %select_n3A_1219 = arith.select %and3A_1216, %sub3A_1210, %broadcast_in_dim3A_1218 : vector<16xi1>, vector<16xi32>
    %swap3A_1220 = arith.constant 6 : i32
    %swap3A_1221 = arith.index_cast %swap3A_1220 : i32 to index
    %swap3A_1222 = arith.constant 96 : index
    %swap3A_1223 = tpu.vector_load %arg8[%swap3A_1221, %swap3A_1222] {strides = array<i32>} : memref<8x128xi32, #tpu.memory_space<vmem>>, vector<1x16xi32>,
    %swap3A_1224 = vector.shape_cast %swap3A_1223 : vector<1x16xi32> to vector<16xi32>
    %swap3A_1225 = vector.shape_cast %select_n3A_1219 : vector<16xi32> to vector<1x16xi32>
    tpu.vector_store %arg8[%swap3A_1221, %swap3A_1222], %swap3A_1225 {strides = array<i32>} : memref<8x128xi32, #tpu.memory_space<vmem>>, vector<1x16xi32>,
    %get3A_1226 = arith.constant 6 : i32
    %get3A_1227 = arith.index_cast %get3A_1226 : i32 to index
    %get3A_1228 = arith.constant 112 : index
    %get3A_1229 = tpu.vector_load %arg7[%get3A_1227, %get3A_1228] {strides = array<i32>} : memref<8x128xi32, #tpu.memory_space<vmem>>, vector<1x16xi32>,
    %get3A_1230 = vector.shape_cast %get3A_1229 : vector<1x16xi32> to vector<16xi32>
    %sub3A_1231 = vector.broadcast %mul3A_0 : i32 to vector<16xi32>
    %sub3A_1232 = arith.subi %get3A_1230, %sub3A_1231 : vector<16xi32>
    %ge3A_1233 = arith.constant 0 : i32
    %ge3A_1234 = vector.broadcast %ge3A_1233 : i32 to vector<16xi32>
    %ge3A_1235 = arith.cmpi sge, %sub3A_1232, %ge3A_1234 : vector<16xi32>
    %lt3A_1236 = vector.broadcast %sub3A_3 : i32 to vector<16xi32>
    %lt3A_1237 = arith.cmpi slt, %sub3A_1232, %lt3A_1236 : vector<16xi32>
    %and3A_1238 = arith.andi %ge3A_1235, %lt3A_1237 : vector<16xi1>
    %jit3A_1239 = arith.constant 500096 : i32
    %broadcast_in_dim3A_1240 = vector.broadcast %jit3A_1239 : i32 to vector<16xi32>
    %select_n3A_1241 = arith.select %and3A_1238, %sub3A_1232, %broadcast_in_dim3A_1240 : vector<16xi1>, vector<16xi32>
    %swap3A_1242 = arith.constant 6 : i32
    %swap3A_1243 = arith.index_cast %swap3A_1242 : i32 to index
    %swap3A_1244 = arith.constant 112 : index
    %swap3A_1245 = tpu.vector_load %arg8[%swap3A_1243, %swap3A_1244] {strides = array<i32>} : memref<8x128xi32, #tpu.memory_space<vmem>>, vector<1x16xi32>,
    %swap3A_1246 = vector.shape_cast %swap3A_1245 : vector<1x16xi32> to vector<16xi32>
    %swap3A_1247 = vector.shape_cast %select_n3A_1241 : vector<16xi32> to vector<1x16xi32>
    tpu.vector_store %arg8[%swap3A_1243, %swap3A_1244], %swap3A_1247 {strides = array<i32>} : memref<8x128xi32, #tpu.memory_space<vmem>>, vector<1x16xi32>,
    %get3A_1248 = arith.constant 7 : i32
    %get3A_1249 = arith.index_cast %get3A_1248 : i32 to index
    %get3A_1250 = arith.constant 0 : index
    %get3A_1251 = tpu.vector_load %arg7[%get3A_1249, %get3A_1250] {strides = array<i32>} : memref<8x128xi32, #tpu.memory_space<vmem>>, vector<1x16xi32>,
    %get3A_1252 = vector.shape_cast %get3A_1251 : vector<1x16xi32> to vector<16xi32>
    %sub3A_1253 = vector.broadcast %mul3A_0 : i32 to vector<16xi32>
    %sub3A_1254 = arith.subi %get3A_1252, %sub3A_1253 : vector<16xi32>
    %ge3A_1255 = arith.constant 0 : i32
    %ge3A_1256 = vector.broadcast %ge3A_1255 : i32 to vector<16xi32>
    %ge3A_1257 = arith.cmpi sge, %sub3A_1254, %ge3A_1256 : vector<16xi32>
    %lt3A_1258 = vector.broadcast %sub3A_3 : i32 to vector<16xi32>
    %lt3A_1259 = arith.cmpi slt, %sub3A_1254, %lt3A_1258 : vector<16xi32>
    %and3A_1260 = arith.andi %ge3A_1257, %lt3A_1259 : vector<16xi1>
    %jit3A_1261 = arith.constant 500096 : i32
    %broadcast_in_dim3A_1262 = vector.broadcast %jit3A_1261 : i32 to vector<16xi32>
    %select_n3A_1263 = arith.select %and3A_1260, %sub3A_1254, %broadcast_in_dim3A_1262 : vector<16xi1>, vector<16xi32>
    %swap3A_1264 = arith.constant 7 : i32
    %swap3A_1265 = arith.index_cast %swap3A_1264 : i32 to index
    %swap3A_1266 = arith.constant 0 : index
    %swap3A_1267 = tpu.vector_load %arg8[%swap3A_1265, %swap3A_1266] {strides = array<i32>} : memref<8x128xi32, #tpu.memory_space<vmem>>, vector<1x16xi32>,
    %swap3A_1268 = vector.shape_cast %swap3A_1267 : vector<1x16xi32> to vector<16xi32>
    %swap3A_1269 = vector.shape_cast %select_n3A_1263 : vector<16xi32> to vector<1x16xi32>
    tpu.vector_store %arg8[%swap3A_1265, %swap3A_1266], %swap3A_1269 {strides = array<i32>} : memref<8x128xi32, #tpu.memory_space<vmem>>, vector<1x16xi32>,
    %get3A_1270 = arith.constant 7 : i32
    %get3A_1271 = arith.index_cast %get3A_1270 : i32 to index
    %get3A_1272 = arith.constant 16 : index
    %get3A_1273 = tpu.vector_load %arg7[%get3A_1271, %get3A_1272] {strides = array<i32>} : memref<8x128xi32, #tpu.memory_space<vmem>>, vector<1x16xi32>,
    %get3A_1274 = vector.shape_cast %get3A_1273 : vector<1x16xi32> to vector<16xi32>
    %sub3A_1275 = vector.broadcast %mul3A_0 : i32 to vector<16xi32>
    %sub3A_1276 = arith.subi %get3A_1274, %sub3A_1275 : vector<16xi32>
    %ge3A_1277 = arith.constant 0 : i32
    %ge3A_1278 = vector.broadcast %ge3A_1277 : i32 to vector<16xi32>
    %ge3A_1279 = arith.cmpi sge, %sub3A_1276, %ge3A_1278 : vector<16xi32>
    %lt3A_1280 = vector.broadcast %sub3A_3 : i32 to vector<16xi32>
    %lt3A_1281 = arith.cmpi slt, %sub3A_1276, %lt3A_1280 : vector<16xi32>
    %and3A_1282 = arith.andi %ge3A_1279, %lt3A_1281 : vector<16xi1>
    %jit3A_1283 = arith.constant 500096 : i32
    %broadcast_in_dim3A_1284 = vector.broadcast %jit3A_1283 : i32 to vector<16xi32>
    %select_n3A_1285 = arith.select %and3A_1282, %sub3A_1276, %broadcast_in_dim3A_1284 : vector<16xi1>, vector<16xi32>
    %swap3A_1286 = arith.constant 7 : i32
    %swap3A_1287 = arith.index_cast %swap3A_1286 : i32 to index
    %swap3A_1288 = arith.constant 16 : index
    %swap3A_1289 = tpu.vector_load %arg8[%swap3A_1287, %swap3A_1288] {strides = array<i32>} : memref<8x128xi32, #tpu.memory_space<vmem>>, vector<1x16xi32>,
    %swap3A_1290 = vector.shape_cast %swap3A_1289 : vector<1x16xi32> to vector<16xi32>
    %swap3A_1291 = vector.shape_cast %select_n3A_1285 : vector<16xi32> to vector<1x16xi32>
    tpu.vector_store %arg8[%swap3A_1287, %swap3A_1288], %swap3A_1291 {strides = array<i32>} : memref<8x128xi32, #tpu.memory_space<vmem>>, vector<1x16xi32>,
    %get3A_1292 = arith.constant 7 : i32
    %get3A_1293 = arith.index_cast %get3A_1292 : i32 to index
    %get3A_1294 = arith.constant 32 : index
    %get3A_1295 = tpu.vector_load %arg7[%get3A_1293, %get3A_1294] {strides = array<i32>} : memref<8x128xi32, #tpu.memory_space<vmem>>, vector<1x16xi32>,
    %get3A_1296 = vector.shape_cast %get3A_1295 : vector<1x16xi32> to vector<16xi32>
    %sub3A_1297 = vector.broadcast %mul3A_0 : i32 to vector<16xi32>
    %sub3A_1298 = arith.subi %get3A_1296, %sub3A_1297 : vector<16xi32>
    %ge3A_1299 = arith.constant 0 : i32
    %ge3A_1300 = vector.broadcast %ge3A_1299 : i32 to vector<16xi32>
    %ge3A_1301 = arith.cmpi sge, %sub3A_1298, %ge3A_1300 : vector<16xi32>
    %lt3A_1302 = vector.broadcast %sub3A_3 : i32 to vector<16xi32>
    %lt3A_1303 = arith.cmpi slt, %sub3A_1298, %lt3A_1302 : vector<16xi32>
    %and3A_1304 = arith.andi %ge3A_1301, %lt3A_1303 : vector<16xi1>
    %jit3A_1305 = arith.constant 500096 : i32
    %broadcast_in_dim3A_1306 = vector.broadcast %jit3A_1305 : i32 to vector<16xi32>
    %select_n3A_1307 = arith.select %and3A_1304, %sub3A_1298, %broadcast_in_dim3A_1306 : vector<16xi1>, vector<16xi32>
    %swap3A_1308 = arith.constant 7 : i32
    %swap3A_1309 = arith.index_cast %swap3A_1308 : i32 to index
    %swap3A_1310 = arith.constant 32 : index
    %swap3A_1311 = tpu.vector_load %arg8[%swap3A_1309, %swap3A_1310] {strides = array<i32>} : memref<8x128xi32, #tpu.memory_space<vmem>>, vector<1x16xi32>,
    %swap3A_1312 = vector.shape_cast %swap3A_1311 : vector<1x16xi32> to vector<16xi32>
    %swap3A_1313 = vector.shape_cast %select_n3A_1307 : vector<16xi32> to vector<1x16xi32>
    tpu.vector_store %arg8[%swap3A_1309, %swap3A_1310], %swap3A_1313 {strides = array<i32>} : memref<8x128xi32, #tpu.memory_space<vmem>>, vector<1x16xi32>,
    %get3A_1314 = arith.constant 7 : i32
    %get3A_1315 = arith.index_cast %get3A_1314 : i32 to index
    %get3A_1316 = arith.constant 48 : index
    %get3A_1317 = tpu.vector_load %arg7[%get3A_1315, %get3A_1316] {strides = array<i32>} : memref<8x128xi32, #tpu.memory_space<vmem>>, vector<1x16xi32>,
    %get3A_1318 = vector.shape_cast %get3A_1317 : vector<1x16xi32> to vector<16xi32>
    %sub3A_1319 = vector.broadcast %mul3A_0 : i32 to vector<16xi32>
    %sub3A_1320 = arith.subi %get3A_1318, %sub3A_1319 : vector<16xi32>
    %ge3A_1321 = arith.constant 0 : i32
    %ge3A_1322 = vector.broadcast %ge3A_1321 : i32 to vector<16xi32>
    %ge3A_1323 = arith.cmpi sge, %sub3A_1320, %ge3A_1322 : vector<16xi32>
    %lt3A_1324 = vector.broadcast %sub3A_3 : i32 to vector<16xi32>
    %lt3A_1325 = arith.cmpi slt, %sub3A_1320, %lt3A_1324 : vector<16xi32>
    %and3A_1326 = arith.andi %ge3A_1323, %lt3A_1325 : vector<16xi1>
    %jit3A_1327 = arith.constant 500096 : i32
    %broadcast_in_dim3A_1328 = vector.broadcast %jit3A_1327 : i32 to vector<16xi32>
    %select_n3A_1329 = arith.select %and3A_1326, %sub3A_1320, %broadcast_in_dim3A_1328 : vector<16xi1>, vector<16xi32>
    %swap3A_1330 = arith.constant 7 : i32
    %swap3A_1331 = arith.index_cast %swap3A_1330 : i32 to index
    %swap3A_1332 = arith.constant 48 : index
    %swap3A_1333 = tpu.vector_load %arg8[%swap3A_1331, %swap3A_1332] {strides = array<i32>} : memref<8x128xi32, #tpu.memory_space<vmem>>, vector<1x16xi32>,
    %swap3A_1334 = vector.shape_cast %swap3A_1333 : vector<1x16xi32> to vector<16xi32>
    %swap3A_1335 = vector.shape_cast %select_n3A_1329 : vector<16xi32> to vector<1x16xi32>
    tpu.vector_store %arg8[%swap3A_1331, %swap3A_1332], %swap3A_1335 {strides = array<i32>} : memref<8x128xi32, #tpu.memory_space<vmem>>, vector<1x16xi32>,
    %get3A_1336 = arith.constant 7 : i32
    %get3A_1337 = arith.index_cast %get3A_1336 : i32 to index
    %get3A_1338 = arith.constant 64 : index
    %get3A_1339 = tpu.vector_load %arg7[%get3A_1337, %get3A_1338] {strides = array<i32>} : memref<8x128xi32, #tpu.memory_space<vmem>>, vector<1x16xi32>,
    %get3A_1340 = vector.shape_cast %get3A_1339 : vector<1x16xi32> to vector<16xi32>
    %sub3A_1341 = vector.broadcast %mul3A_0 : i32 to vector<16xi32>
    %sub3A_1342 = arith.subi %get3A_1340, %sub3A_1341 : vector<16xi32>
    %ge3A_1343 = arith.constant 0 : i32
    %ge3A_1344 = vector.broadcast %ge3A_1343 : i32 to vector<16xi32>
    %ge3A_1345 = arith.cmpi sge, %sub3A_1342, %ge3A_1344 : vector<16xi32>
    %lt3A_1346 = vector.broadcast %sub3A_3 : i32 to vector<16xi32>
    %lt3A_1347 = arith.cmpi slt, %sub3A_1342, %lt3A_1346 : vector<16xi32>
    %and3A_1348 = arith.andi %ge3A_1345, %lt3A_1347 : vector<16xi1>
    %jit3A_1349 = arith.constant 500096 : i32
    %broadcast_in_dim3A_1350 = vector.broadcast %jit3A_1349 : i32 to vector<16xi32>
    %select_n3A_1351 = arith.select %and3A_1348, %sub3A_1342, %broadcast_in_dim3A_1350 : vector<16xi1>, vector<16xi32>
    %swap3A_1352 = arith.constant 7 : i32
    %swap3A_1353 = arith.index_cast %swap3A_1352 : i32 to index
    %swap3A_1354 = arith.constant 64 : index
    %swap3A_1355 = tpu.vector_load %arg8[%swap3A_1353, %swap3A_1354] {strides = array<i32>} : memref<8x128xi32, #tpu.memory_space<vmem>>, vector<1x16xi32>,
    %swap3A_1356 = vector.shape_cast %swap3A_1355 : vector<1x16xi32> to vector<16xi32>
    %swap3A_1357 = vector.shape_cast %select_n3A_1351 : vector<16xi32> to vector<1x16xi32>
    tpu.vector_store %arg8[%swap3A_1353, %swap3A_1354], %swap3A_1357 {strides = array<i32>} : memref<8x128xi32, #tpu.memory_space<vmem>>, vector<1x16xi32>,
    %get3A_1358 = arith.constant 7 : i32
    %get3A_1359 = arith.index_cast %get3A_1358 : i32 to index
    %get3A_1360 = arith.constant 80 : index
    %get3A_1361 = tpu.vector_load %arg7[%get3A_1359, %get3A_1360] {strides = array<i32>} : memref<8x128xi32, #tpu.memory_space<vmem>>, vector<1x16xi32>,
    %get3A_1362 = vector.shape_cast %get3A_1361 : vector<1x16xi32> to vector<16xi32>
    %sub3A_1363 = vector.broadcast %mul3A_0 : i32 to vector<16xi32>
    %sub3A_1364 = arith.subi %get3A_1362, %sub3A_1363 : vector<16xi32>
    %ge3A_1365 = arith.constant 0 : i32
    %ge3A_1366 = vector.broadcast %ge3A_1365 : i32 to vector<16xi32>
    %ge3A_1367 = arith.cmpi sge, %sub3A_1364, %ge3A_1366 : vector<16xi32>
    %lt3A_1368 = vector.broadcast %sub3A_3 : i32 to vector<16xi32>
    %lt3A_1369 = arith.cmpi slt, %sub3A_1364, %lt3A_1368 : vector<16xi32>
    %and3A_1370 = arith.andi %ge3A_1367, %lt3A_1369 : vector<16xi1>
    %jit3A_1371 = arith.constant 500096 : i32
    %broadcast_in_dim3A_1372 = vector.broadcast %jit3A_1371 : i32 to vector<16xi32>
    %select_n3A_1373 = arith.select %and3A_1370, %sub3A_1364, %broadcast_in_dim3A_1372 : vector<16xi1>, vector<16xi32>
    %swap3A_1374 = arith.constant 7 : i32
    %swap3A_1375 = arith.index_cast %swap3A_1374 : i32 to index
    %swap3A_1376 = arith.constant 80 : index
    %swap3A_1377 = tpu.vector_load %arg8[%swap3A_1375, %swap3A_1376] {strides = array<i32>} : memref<8x128xi32, #tpu.memory_space<vmem>>, vector<1x16xi32>,
    %swap3A_1378 = vector.shape_cast %swap3A_1377 : vector<1x16xi32> to vector<16xi32>
    %swap3A_1379 = vector.shape_cast %select_n3A_1373 : vector<16xi32> to vector<1x16xi32>
    tpu.vector_store %arg8[%swap3A_1375, %swap3A_1376], %swap3A_1379 {strides = array<i32>} : memref<8x128xi32, #tpu.memory_space<vmem>>, vector<1x16xi32>,
    %get3A_1380 = arith.constant 7 : i32
    %get3A_1381 = arith.index_cast %get3A_1380 : i32 to index
    %get3A_1382 = arith.constant 96 : index
    %get3A_1383 = tpu.vector_load %arg7[%get3A_1381, %get3A_1382] {strides = array<i32>} : memref<8x128xi32, #tpu.memory_space<vmem>>, vector<1x16xi32>,
    %get3A_1384 = vector.shape_cast %get3A_1383 : vector<1x16xi32> to vector<16xi32>
    %sub3A_1385 = vector.broadcast %mul3A_0 : i32 to vector<16xi32>
    %sub3A_1386 = arith.subi %get3A_1384, %sub3A_1385 : vector<16xi32>
    %ge3A_1387 = arith.constant 0 : i32
    %ge3A_1388 = vector.broadcast %ge3A_1387 : i32 to vector<16xi32>
    %ge3A_1389 = arith.cmpi sge, %sub3A_1386, %ge3A_1388 : vector<16xi32>
    %lt3A_1390 = vector.broadcast %sub3A_3 : i32 to vector<16xi32>
    %lt3A_1391 = arith.cmpi slt, %sub3A_1386, %lt3A_1390 : vector<16xi32>
    %and3A_1392 = arith.andi %ge3A_1389, %lt3A_1391 : vector<16xi1>
    %jit3A_1393 = arith.constant 500096 : i32
    %broadcast_in_dim3A_1394 = vector.broadcast %jit3A_1393 : i32 to vector<16xi32>
    %select_n3A_1395 = arith.select %and3A_1392, %sub3A_1386, %broadcast_in_dim3A_1394 : vector<16xi1>, vector<16xi32>
    %swap3A_1396 = arith.constant 7 : i32
    %swap3A_1397 = arith.index_cast %swap3A_1396 : i32 to index
    %swap3A_1398 = arith.constant 96 : index
    %swap3A_1399 = tpu.vector_load %arg8[%swap3A_1397, %swap3A_1398] {strides = array<i32>} : memref<8x128xi32, #tpu.memory_space<vmem>>, vector<1x16xi32>,
    %swap3A_1400 = vector.shape_cast %swap3A_1399 : vector<1x16xi32> to vector<16xi32>
    %swap3A_1401 = vector.shape_cast %select_n3A_1395 : vector<16xi32> to vector<1x16xi32>
    tpu.vector_store %arg8[%swap3A_1397, %swap3A_1398], %swap3A_1401 {strides = array<i32>} : memref<8x128xi32, #tpu.memory_space<vmem>>, vector<1x16xi32>,
    %get3A_1402 = arith.constant 7 : i32
    %get3A_1403 = arith.index_cast %get3A_1402 : i32 to index
    %get3A_1404 = arith.constant 112 : index
    %get3A_1405 = tpu.vector_load %arg7[%get3A_1403, %get3A_1404] {strides = array<i32>} : memref<8x128xi32, #tpu.memory_space<vmem>>, vector<1x16xi32>,
    %get3A_1406 = vector.shape_cast %get3A_1405 : vector<1x16xi32> to vector<16xi32>
    %sub3A_1407 = vector.broadcast %mul3A_0 : i32 to vector<16xi32>
    %sub3A_1408 = arith.subi %get3A_1406, %sub3A_1407 : vector<16xi32>
    %ge3A_1409 = arith.constant 0 : i32
    %ge3A_1410 = vector.broadcast %ge3A_1409 : i32 to vector<16xi32>
    %ge3A_1411 = arith.cmpi sge, %sub3A_1408, %ge3A_1410 : vector<16xi32>
    %lt3A_1412 = vector.broadcast %sub3A_3 : i32 to vector<16xi32>
    %lt3A_1413 = arith.cmpi slt, %sub3A_1408, %lt3A_1412 : vector<16xi32>
    %and3A_1414 = arith.andi %ge3A_1411, %lt3A_1413 : vector<16xi1>
    %jit3A_1415 = arith.constant 500096 : i32
    %broadcast_in_dim3A_1416 = vector.broadcast %jit3A_1415 : i32 to vector<16xi32>
    %select_n3A_1417 = arith.select %and3A_1414, %sub3A_1408, %broadcast_in_dim3A_1416 : vector<16xi1>, vector<16xi32>
    %swap3A_1418 = arith.constant 7 : i32
    %swap3A_1419 = arith.index_cast %swap3A_1418 : i32 to index
    %swap3A_1420 = arith.constant 112 : index
    %swap3A_1421 = tpu.vector_load %arg8[%swap3A_1419, %swap3A_1420] {strides = array<i32>} : memref<8x128xi32, #tpu.memory_space<vmem>>, vector<1x16xi32>,
    %swap3A_1422 = vector.shape_cast %swap3A_1421 : vector<1x16xi32> to vector<16xi32>
    %swap3A_1423 = vector.shape_cast %select_n3A_1417 : vector<16xi32> to vector<1x16xi32>
    tpu.vector_store %arg8[%swap3A_1419, %swap3A_1420], %swap3A_1423 {strides = array<i32>} : memref<8x128xi32, #tpu.memory_space<vmem>>, vector<1x16xi32>,
    %broadcast_in_dim3A_1424 = arith.constant 0.000000e+00 : f32
    %broadcast_in_dim3A_1425 = vector.broadcast %broadcast_in_dim3A_1424 : f32 to vector<16xf32>
    %swap3A_1426 = arith.constant 0 : index
    %swap3A_1427 = tpu.vector_load %arg11[%swap3A_1426] {strides = array<i32>} : memref<128xf32, #tpu.memory_space<vmem>>, vector<16xf32>,
    %swap3A_1428 = vector.shape_cast %swap3A_1427 : vector<16xf32> to vector<16xf32>
    %swap3A_1429 = vector.shape_cast %broadcast_in_dim3A_1425 : vector<16xf32> to vector<16xf32>
    tpu.vector_store %arg11[%swap3A_1426], %swap3A_1429 {strides = array<i32>} : memref<128xf32, #tpu.memory_space<vmem>>, vector<16xf32>,
    %broadcast_in_dim3A_1430 = arith.constant 0.000000e+00 : f32
    %broadcast_in_dim3A_1431 = vector.broadcast %broadcast_in_dim3A_1430 : f32 to vector<16xf32>
    %swap3A_1432 = arith.constant 16 : index
    %swap3A_1433 = tpu.vector_load %arg11[%swap3A_1432] {strides = array<i32>} : memref<128xf32, #tpu.memory_space<vmem>>, vector<16xf32>,
    %swap3A_1434 = vector.shape_cast %swap3A_1433 : vector<16xf32> to vector<16xf32>
    %swap3A_1435 = vector.shape_cast %broadcast_in_dim3A_1431 : vector<16xf32> to vector<16xf32>
    tpu.vector_store %arg11[%swap3A_1432], %swap3A_1435 {strides = array<i32>} : memref<128xf32, #tpu.memory_space<vmem>>, vector<16xf32>,
    %broadcast_in_dim3A_1436 = arith.constant 0.000000e+00 : f32
    %broadcast_in_dim3A_1437 = vector.broadcast %broadcast_in_dim3A_1436 : f32 to vector<16xf32>
    %swap3A_1438 = arith.constant 32 : index
    %swap3A_1439 = tpu.vector_load %arg11[%swap3A_1438] {strides = array<i32>} : memref<128xf32, #tpu.memory_space<vmem>>, vector<16xf32>,
    %swap3A_1440 = vector.shape_cast %swap3A_1439 : vector<16xf32> to vector<16xf32>
    %swap3A_1441 = vector.shape_cast %broadcast_in_dim3A_1437 : vector<16xf32> to vector<16xf32>
    tpu.vector_store %arg11[%swap3A_1438], %swap3A_1441 {strides = array<i32>} : memref<128xf32, #tpu.memory_space<vmem>>, vector<16xf32>,
    %broadcast_in_dim3A_1442 = arith.constant 0.000000e+00 : f32
    %broadcast_in_dim3A_1443 = vector.broadcast %broadcast_in_dim3A_1442 : f32 to vector<16xf32>
    %swap3A_1444 = arith.constant 48 : index
    %swap3A_1445 = tpu.vector_load %arg11[%swap3A_1444] {strides = array<i32>} : memref<128xf32, #tpu.memory_space<vmem>>, vector<16xf32>,
    %swap3A_1446 = vector.shape_cast %swap3A_1445 : vector<16xf32> to vector<16xf32>
    %swap3A_1447 = vector.shape_cast %broadcast_in_dim3A_1443 : vector<16xf32> to vector<16xf32>
    tpu.vector_store %arg11[%swap3A_1444], %swap3A_1447 {strides = array<i32>} : memref<128xf32, #tpu.memory_space<vmem>>, vector<16xf32>,
    %broadcast_in_dim3A_1448 = arith.constant 0.000000e+00 : f32
    %broadcast_in_dim3A_1449 = vector.broadcast %broadcast_in_dim3A_1448 : f32 to vector<16xf32>
    %swap3A_1450 = arith.constant 64 : index
    %swap3A_1451 = tpu.vector_load %arg11[%swap3A_1450] {strides = array<i32>} : memref<128xf32, #tpu.memory_space<vmem>>, vector<16xf32>,
    %swap3A_1452 = vector.shape_cast %swap3A_1451 : vector<16xf32> to vector<16xf32>
    %swap3A_1453 = vector.shape_cast %broadcast_in_dim3A_1449 : vector<16xf32> to vector<16xf32>
    tpu.vector_store %arg11[%swap3A_1450], %swap3A_1453 {strides = array<i32>} : memref<128xf32, #tpu.memory_space<vmem>>, vector<16xf32>,
    %broadcast_in_dim3A_1454 = arith.constant 0.000000e+00 : f32
    %broadcast_in_dim3A_1455 = vector.broadcast %broadcast_in_dim3A_1454 : f32 to vector<16xf32>
    %swap3A_1456 = arith.constant 80 : index
    %swap3A_1457 = tpu.vector_load %arg11[%swap3A_1456] {strides = array<i32>} : memref<128xf32, #tpu.memory_space<vmem>>, vector<16xf32>,
    %swap3A_1458 = vector.shape_cast %swap3A_1457 : vector<16xf32> to vector<16xf32>
    %swap3A_1459 = vector.shape_cast %broadcast_in_dim3A_1455 : vector<16xf32> to vector<16xf32>
    tpu.vector_store %arg11[%swap3A_1456], %swap3A_1459 {strides = array<i32>} : memref<128xf32, #tpu.memory_space<vmem>>, vector<16xf32>,
    %broadcast_in_dim3A_1460 = arith.constant 0.000000e+00 : f32
    %broadcast_in_dim3A_1461 = vector.broadcast %broadcast_in_dim3A_1460 : f32 to vector<16xf32>
    %swap3A_1462 = arith.constant 96 : index
    %swap3A_1463 = tpu.vector_load %arg11[%swap3A_1462] {strides = array<i32>} : memref<128xf32, #tpu.memory_space<vmem>>, vector<16xf32>,
    %swap3A_1464 = vector.shape_cast %swap3A_1463 : vector<16xf32> to vector<16xf32>
    %swap3A_1465 = vector.shape_cast %broadcast_in_dim3A_1461 : vector<16xf32> to vector<16xf32>
    tpu.vector_store %arg11[%swap3A_1462], %swap3A_1465 {strides = array<i32>} : memref<128xf32, #tpu.memory_space<vmem>>, vector<16xf32>,
    %broadcast_in_dim3A_1466 = arith.constant 0.000000e+00 : f32
    %broadcast_in_dim3A_1467 = vector.broadcast %broadcast_in_dim3A_1466 : f32 to vector<16xf32>
    %swap3A_1468 = arith.constant 112 : index
    %swap3A_1469 = tpu.vector_load %arg11[%swap3A_1468] {strides = array<i32>} : memref<128xf32, #tpu.memory_space<vmem>>, vector<16xf32>,
    %swap3A_1470 = vector.shape_cast %swap3A_1469 : vector<16xf32> to vector<16xf32>
    %swap3A_1471 = vector.shape_cast %broadcast_in_dim3A_1467 : vector<16xf32> to vector<16xf32>
    tpu.vector_store %arg11[%swap3A_1468], %swap3A_1471 {strides = array<i32>} : memref<128xf32, #tpu.memory_space<vmem>>, vector<16xf32>,
    %barrier3A = arith.constant 0 : index
    tpu.barrier barrier_id(%barrier3A)
    %run_scoped3A = arith.constant 0 : i32
    %run_scoped3A_1472 = arith.constant 0 : i32
    "tpu.region"() ({
      %run_scoped3A_1510 = tpu.sem_alloc : memref<!tpu.dma_semaphore, #tpu.memory_space<semaphore_mem>>
      %dma_start3A = arith.constant 0 : i32
      %dma_start3A_1511 = tpu.memref_slice %arg9[%run_scoped3A, %dma_start3A] : memref<8x128xf32, #tpu.memory_space<vmem>> -> memref<1x128xf32, #tpu.memory_space<vmem>>
      %dma_start3A_1512 = tpu.memref_squeeze %dma_start3A_1511 : memref<1x128xf32, #tpu.memory_space<vmem>> -> memref<128xf32, #tpu.memory_space<vmem>>
      %dma_start3A_1513 = arith.constant 0 : i32
      %dma_start3A_1514 = tpu.memref_slice %arg8[%run_scoped3A_1472, %dma_start3A_1513] : memref<8x128xi32, #tpu.memory_space<vmem>> -> memref<1x128xi32, #tpu.memory_space<vmem>>
      %dma_start3A_1515 = tpu.memref_squeeze %dma_start3A_1514 : memref<1x128xi32, #tpu.memory_space<vmem>> -> memref<128xi32, #tpu.memory_space<vmem>>
      %dma_start3A_1516 = arith.constant 0 : i32
      %dma_start3A_1517 = tpu.memref_slice %arg6[%dma_start3A_1516] : memref<500224xf32, #tpu.memory_space<vmem_shared>> -> memref<500224xf32, #tpu.memory_space<vmem_shared>>
      tpu.enqueue_indirect_dma source(%dma_start3A_1512 : memref<128xf32, #tpu.memory_space<vmem>>) target(%dma_start3A_1517 : memref<500224xf32, #tpu.memory_space<vmem_shared>>) offsets(%dma_start3A_1515 : memref<128xi32, #tpu.memory_space<vmem>>) semaphore(%run_scoped3A_1510 : memref<!tpu.dma_semaphore, #tpu.memory_space<semaphore_mem>>) {add = true}
      %dma_wait3A = arith.constant 0 : i32
      %dma_wait3A_1518 = tpu.memref_slice %arg9[%run_scoped3A, %dma_wait3A] : memref<8x128xf32, #tpu.memory_space<vmem>> -> memref<1x128xf32, #tpu.memory_space<vmem>>
      %dma_wait3A_1519 = tpu.memref_squeeze %dma_wait3A_1518 : memref<1x128xf32, #tpu.memory_space<vmem>> -> memref<128xf32, #tpu.memory_space<vmem>>
      %dma_wait3A_1520 = arith.constant 0 : i32
      %dma_wait3A_1521 = tpu.memref_slice %arg8[%run_scoped3A_1472, %dma_wait3A_1520] : memref<8x128xi32, #tpu.memory_space<vmem>> -> memref<1x128xi32, #tpu.memory_space<vmem>>
      %dma_wait3A_1522 = tpu.memref_squeeze %dma_wait3A_1521 : memref<1x128xi32, #tpu.memory_space<vmem>> -> memref<128xi32, #tpu.memory_space<vmem>>
      %dma_wait3A_1523 = arith.constant 0 : i32
      %dma_wait3A_1524 = tpu.memref_slice %arg6[%dma_wait3A_1523] : memref<500224xf32, #tpu.memory_space<vmem_shared>> -> memref<500224xf32, #tpu.memory_space<vmem_shared>>
      tpu.wait_indirect_dma semaphore(%run_scoped3A_1510 : memref<!tpu.dma_semaphore, #tpu.memory_space<semaphore_mem>>) src(%dma_wait3A_1519 : memref<128xf32, #tpu.memory_space<vmem>>) dst(%dma_wait3A_1524 : memref<500224xf32, #tpu.memory_space<vmem_shared>>)
      tpu.yield
    }) : () -> ()
    %run_scoped3A_1473 = arith.constant 1 : i32
    %run_scoped3A_1474 = arith.constant 1 : i32
    "tpu.region"() ({
      %run_scoped3A_1510 = tpu.sem_alloc : memref<!tpu.dma_semaphore, #tpu.memory_space<semaphore_mem>>
      %dma_start3A = arith.constant 0 : i32
      %dma_start3A_1511 = tpu.memref_slice %arg9[%run_scoped3A_1473, %dma_start3A] : memref<8x128xf32, #tpu.memory_space<vmem>> -> memref<1x128xf32, #tpu.memory_space<vmem>>
      %dma_start3A_1512 = tpu.memref_squeeze %dma_start3A_1511 : memref<1x128xf32, #tpu.memory_space<vmem>> -> memref<128xf32, #tpu.memory_space<vmem>>
      %dma_start3A_1513 = arith.constant 0 : i32
      %dma_start3A_1514 = tpu.memref_slice %arg8[%run_scoped3A_1474, %dma_start3A_1513] : memref<8x128xi32, #tpu.memory_space<vmem>> -> memref<1x128xi32, #tpu.memory_space<vmem>>
      %dma_start3A_1515 = tpu.memref_squeeze %dma_start3A_1514 : memref<1x128xi32, #tpu.memory_space<vmem>> -> memref<128xi32, #tpu.memory_space<vmem>>
      %dma_start3A_1516 = arith.constant 0 : i32
      %dma_start3A_1517 = tpu.memref_slice %arg6[%dma_start3A_1516] : memref<500224xf32, #tpu.memory_space<vmem_shared>> -> memref<500224xf32, #tpu.memory_space<vmem_shared>>
      tpu.enqueue_indirect_dma source(%dma_start3A_1512 : memref<128xf32, #tpu.memory_space<vmem>>) target(%dma_start3A_1517 : memref<500224xf32, #tpu.memory_space<vmem_shared>>) offsets(%dma_start3A_1515 : memref<128xi32, #tpu.memory_space<vmem>>) semaphore(%run_scoped3A_1510 : memref<!tpu.dma_semaphore, #tpu.memory_space<semaphore_mem>>) {add = true}
      %dma_wait3A = arith.constant 0 : i32
      %dma_wait3A_1518 = tpu.memref_slice %arg9[%run_scoped3A_1473, %dma_wait3A] : memref<8x128xf32, #tpu.memory_space<vmem>> -> memref<1x128xf32, #tpu.memory_space<vmem>>
      %dma_wait3A_1519 = tpu.memref_squeeze %dma_wait3A_1518 : memref<1x128xf32, #tpu.memory_space<vmem>> -> memref<128xf32, #tpu.memory_space<vmem>>
      %dma_wait3A_1520 = arith.constant 0 : i32
      %dma_wait3A_1521 = tpu.memref_slice %arg8[%run_scoped3A_1474, %dma_wait3A_1520] : memref<8x128xi32, #tpu.memory_space<vmem>> -> memref<1x128xi32, #tpu.memory_space<vmem>>
      %dma_wait3A_1522 = tpu.memref_squeeze %dma_wait3A_1521 : memref<1x128xi32, #tpu.memory_space<vmem>> -> memref<128xi32, #tpu.memory_space<vmem>>
      %dma_wait3A_1523 = arith.constant 0 : i32
      %dma_wait3A_1524 = tpu.memref_slice %arg6[%dma_wait3A_1523] : memref<500224xf32, #tpu.memory_space<vmem_shared>> -> memref<500224xf32, #tpu.memory_space<vmem_shared>>
      tpu.wait_indirect_dma semaphore(%run_scoped3A_1510 : memref<!tpu.dma_semaphore, #tpu.memory_space<semaphore_mem>>) src(%dma_wait3A_1519 : memref<128xf32, #tpu.memory_space<vmem>>) dst(%dma_wait3A_1524 : memref<500224xf32, #tpu.memory_space<vmem_shared>>)
      tpu.yield
    }) : () -> ()
    %run_scoped3A_1475 = arith.constant 2 : i32
    %run_scoped3A_1476 = arith.constant 2 : i32
    "tpu.region"() ({
      %run_scoped3A_1510 = tpu.sem_alloc : memref<!tpu.dma_semaphore, #tpu.memory_space<semaphore_mem>>
      %dma_start3A = arith.constant 0 : i32
      %dma_start3A_1511 = tpu.memref_slice %arg9[%run_scoped3A_1475, %dma_start3A] : memref<8x128xf32, #tpu.memory_space<vmem>> -> memref<1x128xf32, #tpu.memory_space<vmem>>
      %dma_start3A_1512 = tpu.memref_squeeze %dma_start3A_1511 : memref<1x128xf32, #tpu.memory_space<vmem>> -> memref<128xf32, #tpu.memory_space<vmem>>
      %dma_start3A_1513 = arith.constant 0 : i32
      %dma_start3A_1514 = tpu.memref_slice %arg8[%run_scoped3A_1476, %dma_start3A_1513] : memref<8x128xi32, #tpu.memory_space<vmem>> -> memref<1x128xi32, #tpu.memory_space<vmem>>
      %dma_start3A_1515 = tpu.memref_squeeze %dma_start3A_1514 : memref<1x128xi32, #tpu.memory_space<vmem>> -> memref<128xi32, #tpu.memory_space<vmem>>
      %dma_start3A_1516 = arith.constant 0 : i32
      %dma_start3A_1517 = tpu.memref_slice %arg6[%dma_start3A_1516] : memref<500224xf32, #tpu.memory_space<vmem_shared>> -> memref<500224xf32, #tpu.memory_space<vmem_shared>>
      tpu.enqueue_indirect_dma source(%dma_start3A_1512 : memref<128xf32, #tpu.memory_space<vmem>>) target(%dma_start3A_1517 : memref<500224xf32, #tpu.memory_space<vmem_shared>>) offsets(%dma_start3A_1515 : memref<128xi32, #tpu.memory_space<vmem>>) semaphore(%run_scoped3A_1510 : memref<!tpu.dma_semaphore, #tpu.memory_space<semaphore_mem>>) {add = true}
      %dma_wait3A = arith.constant 0 : i32
      %dma_wait3A_1518 = tpu.memref_slice %arg9[%run_scoped3A_1475, %dma_wait3A] : memref<8x128xf32, #tpu.memory_space<vmem>> -> memref<1x128xf32, #tpu.memory_space<vmem>>
      %dma_wait3A_1519 = tpu.memref_squeeze %dma_wait3A_1518 : memref<1x128xf32, #tpu.memory_space<vmem>> -> memref<128xf32, #tpu.memory_space<vmem>>
      %dma_wait3A_1520 = arith.constant 0 : i32
      %dma_wait3A_1521 = tpu.memref_slice %arg8[%run_scoped3A_1476, %dma_wait3A_1520] : memref<8x128xi32, #tpu.memory_space<vmem>> -> memref<1x128xi32, #tpu.memory_space<vmem>>
      %dma_wait3A_1522 = tpu.memref_squeeze %dma_wait3A_1521 : memref<1x128xi32, #tpu.memory_space<vmem>> -> memref<128xi32, #tpu.memory_space<vmem>>
      %dma_wait3A_1523 = arith.constant 0 : i32
      %dma_wait3A_1524 = tpu.memref_slice %arg6[%dma_wait3A_1523] : memref<500224xf32, #tpu.memory_space<vmem_shared>> -> memref<500224xf32, #tpu.memory_space<vmem_shared>>
      tpu.wait_indirect_dma semaphore(%run_scoped3A_1510 : memref<!tpu.dma_semaphore, #tpu.memory_space<semaphore_mem>>) src(%dma_wait3A_1519 : memref<128xf32, #tpu.memory_space<vmem>>) dst(%dma_wait3A_1524 : memref<500224xf32, #tpu.memory_space<vmem_shared>>)
      tpu.yield
    }) : () -> ()
    %run_scoped3A_1477 = arith.constant 3 : i32
    %run_scoped3A_1478 = arith.constant 3 : i32
    "tpu.region"() ({
      %run_scoped3A_1510 = tpu.sem_alloc : memref<!tpu.dma_semaphore, #tpu.memory_space<semaphore_mem>>
      %dma_start3A = arith.constant 0 : i32
      %dma_start3A_1511 = tpu.memref_slice %arg9[%run_scoped3A_1477, %dma_start3A] : memref<8x128xf32, #tpu.memory_space<vmem>> -> memref<1x128xf32, #tpu.memory_space<vmem>>
      %dma_start3A_1512 = tpu.memref_squeeze %dma_start3A_1511 : memref<1x128xf32, #tpu.memory_space<vmem>> -> memref<128xf32, #tpu.memory_space<vmem>>
      %dma_start3A_1513 = arith.constant 0 : i32
      %dma_start3A_1514 = tpu.memref_slice %arg8[%run_scoped3A_1478, %dma_start3A_1513] : memref<8x128xi32, #tpu.memory_space<vmem>> -> memref<1x128xi32, #tpu.memory_space<vmem>>
      %dma_start3A_1515 = tpu.memref_squeeze %dma_start3A_1514 : memref<1x128xi32, #tpu.memory_space<vmem>> -> memref<128xi32, #tpu.memory_space<vmem>>
      %dma_start3A_1516 = arith.constant 0 : i32
      %dma_start3A_1517 = tpu.memref_slice %arg6[%dma_start3A_1516] : memref<500224xf32, #tpu.memory_space<vmem_shared>> -> memref<500224xf32, #tpu.memory_space<vmem_shared>>
      tpu.enqueue_indirect_dma source(%dma_start3A_1512 : memref<128xf32, #tpu.memory_space<vmem>>) target(%dma_start3A_1517 : memref<500224xf32, #tpu.memory_space<vmem_shared>>) offsets(%dma_start3A_1515 : memref<128xi32, #tpu.memory_space<vmem>>) semaphore(%run_scoped3A_1510 : memref<!tpu.dma_semaphore, #tpu.memory_space<semaphore_mem>>) {add = true}
      %dma_wait3A = arith.constant 0 : i32
      %dma_wait3A_1518 = tpu.memref_slice %arg9[%run_scoped3A_1477, %dma_wait3A] : memref<8x128xf32, #tpu.memory_space<vmem>> -> memref<1x128xf32, #tpu.memory_space<vmem>>
      %dma_wait3A_1519 = tpu.memref_squeeze %dma_wait3A_1518 : memref<1x128xf32, #tpu.memory_space<vmem>> -> memref<128xf32, #tpu.memory_space<vmem>>
      %dma_wait3A_1520 = arith.constant 0 : i32
      %dma_wait3A_1521 = tpu.memref_slice %arg8[%run_scoped3A_1478, %dma_wait3A_1520] : memref<8x128xi32, #tpu.memory_space<vmem>> -> memref<1x128xi32, #tpu.memory_space<vmem>>
      %dma_wait3A_1522 = tpu.memref_squeeze %dma_wait3A_1521 : memref<1x128xi32, #tpu.memory_space<vmem>> -> memref<128xi32, #tpu.memory_space<vmem>>
      %dma_wait3A_1523 = arith.constant 0 : i32
      %dma_wait3A_1524 = tpu.memref_slice %arg6[%dma_wait3A_1523] : memref<500224xf32, #tpu.memory_space<vmem_shared>> -> memref<500224xf32, #tpu.memory_space<vmem_shared>>
      tpu.wait_indirect_dma semaphore(%run_scoped3A_1510 : memref<!tpu.dma_semaphore, #tpu.memory_space<semaphore_mem>>) src(%dma_wait3A_1519 : memref<128xf32, #tpu.memory_space<vmem>>) dst(%dma_wait3A_1524 : memref<500224xf32, #tpu.memory_space<vmem_shared>>)
      tpu.yield
    }) : () -> ()
    %run_scoped3A_1479 = arith.constant 4 : i32
    %run_scoped3A_1480 = arith.constant 4 : i32
    "tpu.region"() ({
      %run_scoped3A_1510 = tpu.sem_alloc : memref<!tpu.dma_semaphore, #tpu.memory_space<semaphore_mem>>
      %dma_start3A = arith.constant 0 : i32
      %dma_start3A_1511 = tpu.memref_slice %arg9[%run_scoped3A_1479, %dma_start3A] : memref<8x128xf32, #tpu.memory_space<vmem>> -> memref<1x128xf32, #tpu.memory_space<vmem>>
      %dma_start3A_1512 = tpu.memref_squeeze %dma_start3A_1511 : memref<1x128xf32, #tpu.memory_space<vmem>> -> memref<128xf32, #tpu.memory_space<vmem>>
      %dma_start3A_1513 = arith.constant 0 : i32
      %dma_start3A_1514 = tpu.memref_slice %arg8[%run_scoped3A_1480, %dma_start3A_1513] : memref<8x128xi32, #tpu.memory_space<vmem>> -> memref<1x128xi32, #tpu.memory_space<vmem>>
      %dma_start3A_1515 = tpu.memref_squeeze %dma_start3A_1514 : memref<1x128xi32, #tpu.memory_space<vmem>> -> memref<128xi32, #tpu.memory_space<vmem>>
      %dma_start3A_1516 = arith.constant 0 : i32
      %dma_start3A_1517 = tpu.memref_slice %arg6[%dma_start3A_1516] : memref<500224xf32, #tpu.memory_space<vmem_shared>> -> memref<500224xf32, #tpu.memory_space<vmem_shared>>
      tpu.enqueue_indirect_dma source(%dma_start3A_1512 : memref<128xf32, #tpu.memory_space<vmem>>) target(%dma_start3A_1517 : memref<500224xf32, #tpu.memory_space<vmem_shared>>) offsets(%dma_start3A_1515 : memref<128xi32, #tpu.memory_space<vmem>>) semaphore(%run_scoped3A_1510 : memref<!tpu.dma_semaphore, #tpu.memory_space<semaphore_mem>>) {add = true}
      %dma_wait3A = arith.constant 0 : i32
      %dma_wait3A_1518 = tpu.memref_slice %arg9[%run_scoped3A_1479, %dma_wait3A] : memref<8x128xf32, #tpu.memory_space<vmem>> -> memref<1x128xf32, #tpu.memory_space<vmem>>
      %dma_wait3A_1519 = tpu.memref_squeeze %dma_wait3A_1518 : memref<1x128xf32, #tpu.memory_space<vmem>> -> memref<128xf32, #tpu.memory_space<vmem>>
      %dma_wait3A_1520 = arith.constant 0 : i32
      %dma_wait3A_1521 = tpu.memref_slice %arg8[%run_scoped3A_1480, %dma_wait3A_1520] : memref<8x128xi32, #tpu.memory_space<vmem>> -> memref<1x128xi32, #tpu.memory_space<vmem>>
      %dma_wait3A_1522 = tpu.memref_squeeze %dma_wait3A_1521 : memref<1x128xi32, #tpu.memory_space<vmem>> -> memref<128xi32, #tpu.memory_space<vmem>>
      %dma_wait3A_1523 = arith.constant 0 : i32
      %dma_wait3A_1524 = tpu.memref_slice %arg6[%dma_wait3A_1523] : memref<500224xf32, #tpu.memory_space<vmem_shared>> -> memref<500224xf32, #tpu.memory_space<vmem_shared>>
      tpu.wait_indirect_dma semaphore(%run_scoped3A_1510 : memref<!tpu.dma_semaphore, #tpu.memory_space<semaphore_mem>>) src(%dma_wait3A_1519 : memref<128xf32, #tpu.memory_space<vmem>>) dst(%dma_wait3A_1524 : memref<500224xf32, #tpu.memory_space<vmem_shared>>)
      tpu.yield
    }) : () -> ()
    %run_scoped3A_1481 = arith.constant 5 : i32
    %run_scoped3A_1482 = arith.constant 5 : i32
    "tpu.region"() ({
      %run_scoped3A_1510 = tpu.sem_alloc : memref<!tpu.dma_semaphore, #tpu.memory_space<semaphore_mem>>
      %dma_start3A = arith.constant 0 : i32
      %dma_start3A_1511 = tpu.memref_slice %arg9[%run_scoped3A_1481, %dma_start3A] : memref<8x128xf32, #tpu.memory_space<vmem>> -> memref<1x128xf32, #tpu.memory_space<vmem>>
      %dma_start3A_1512 = tpu.memref_squeeze %dma_start3A_1511 : memref<1x128xf32, #tpu.memory_space<vmem>> -> memref<128xf32, #tpu.memory_space<vmem>>
      %dma_start3A_1513 = arith.constant 0 : i32
      %dma_start3A_1514 = tpu.memref_slice %arg8[%run_scoped3A_1482, %dma_start3A_1513] : memref<8x128xi32, #tpu.memory_space<vmem>> -> memref<1x128xi32, #tpu.memory_space<vmem>>
      %dma_start3A_1515 = tpu.memref_squeeze %dma_start3A_1514 : memref<1x128xi32, #tpu.memory_space<vmem>> -> memref<128xi32, #tpu.memory_space<vmem>>
      %dma_start3A_1516 = arith.constant 0 : i32
      %dma_start3A_1517 = tpu.memref_slice %arg6[%dma_start3A_1516] : memref<500224xf32, #tpu.memory_space<vmem_shared>> -> memref<500224xf32, #tpu.memory_space<vmem_shared>>
      tpu.enqueue_indirect_dma source(%dma_start3A_1512 : memref<128xf32, #tpu.memory_space<vmem>>) target(%dma_start3A_1517 : memref<500224xf32, #tpu.memory_space<vmem_shared>>) offsets(%dma_start3A_1515 : memref<128xi32, #tpu.memory_space<vmem>>) semaphore(%run_scoped3A_1510 : memref<!tpu.dma_semaphore, #tpu.memory_space<semaphore_mem>>) {add = true}
      %dma_wait3A = arith.constant 0 : i32
      %dma_wait3A_1518 = tpu.memref_slice %arg9[%run_scoped3A_1481, %dma_wait3A] : memref<8x128xf32, #tpu.memory_space<vmem>> -> memref<1x128xf32, #tpu.memory_space<vmem>>
      %dma_wait3A_1519 = tpu.memref_squeeze %dma_wait3A_1518 : memref<1x128xf32, #tpu.memory_space<vmem>> -> memref<128xf32, #tpu.memory_space<vmem>>
      %dma_wait3A_1520 = arith.constant 0 : i32
      %dma_wait3A_1521 = tpu.memref_slice %arg8[%run_scoped3A_1482, %dma_wait3A_1520] : memref<8x128xi32, #tpu.memory_space<vmem>> -> memref<1x128xi32, #tpu.memory_space<vmem>>
      %dma_wait3A_1522 = tpu.memref_squeeze %dma_wait3A_1521 : memref<1x128xi32, #tpu.memory_space<vmem>> -> memref<128xi32, #tpu.memory_space<vmem>>
      %dma_wait3A_1523 = arith.constant 0 : i32
      %dma_wait3A_1524 = tpu.memref_slice %arg6[%dma_wait3A_1523] : memref<500224xf32, #tpu.memory_space<vmem_shared>> -> memref<500224xf32, #tpu.memory_space<vmem_shared>>
      tpu.wait_indirect_dma semaphore(%run_scoped3A_1510 : memref<!tpu.dma_semaphore, #tpu.memory_space<semaphore_mem>>) src(%dma_wait3A_1519 : memref<128xf32, #tpu.memory_space<vmem>>) dst(%dma_wait3A_1524 : memref<500224xf32, #tpu.memory_space<vmem_shared>>)
      tpu.yield
    }) : () -> ()
    %run_scoped3A_1483 = arith.constant 6 : i32
    %run_scoped3A_1484 = arith.constant 6 : i32
    "tpu.region"() ({
      %run_scoped3A_1510 = tpu.sem_alloc : memref<!tpu.dma_semaphore, #tpu.memory_space<semaphore_mem>>
      %dma_start3A = arith.constant 0 : i32
      %dma_start3A_1511 = tpu.memref_slice %arg9[%run_scoped3A_1483, %dma_start3A] : memref<8x128xf32, #tpu.memory_space<vmem>> -> memref<1x128xf32, #tpu.memory_space<vmem>>
      %dma_start3A_1512 = tpu.memref_squeeze %dma_start3A_1511 : memref<1x128xf32, #tpu.memory_space<vmem>> -> memref<128xf32, #tpu.memory_space<vmem>>
      %dma_start3A_1513 = arith.constant 0 : i32
      %dma_start3A_1514 = tpu.memref_slice %arg8[%run_scoped3A_1484, %dma_start3A_1513] : memref<8x128xi32, #tpu.memory_space<vmem>> -> memref<1x128xi32, #tpu.memory_space<vmem>>
      %dma_start3A_1515 = tpu.memref_squeeze %dma_start3A_1514 : memref<1x128xi32, #tpu.memory_space<vmem>> -> memref<128xi32, #tpu.memory_space<vmem>>
      %dma_start3A_1516 = arith.constant 0 : i32
      %dma_start3A_1517 = tpu.memref_slice %arg6[%dma_start3A_1516] : memref<500224xf32, #tpu.memory_space<vmem_shared>> -> memref<500224xf32, #tpu.memory_space<vmem_shared>>
      tpu.enqueue_indirect_dma source(%dma_start3A_1512 : memref<128xf32, #tpu.memory_space<vmem>>) target(%dma_start3A_1517 : memref<500224xf32, #tpu.memory_space<vmem_shared>>) offsets(%dma_start3A_1515 : memref<128xi32, #tpu.memory_space<vmem>>) semaphore(%run_scoped3A_1510 : memref<!tpu.dma_semaphore, #tpu.memory_space<semaphore_mem>>) {add = true}
      %dma_wait3A = arith.constant 0 : i32
      %dma_wait3A_1518 = tpu.memref_slice %arg9[%run_scoped3A_1483, %dma_wait3A] : memref<8x128xf32, #tpu.memory_space<vmem>> -> memref<1x128xf32, #tpu.memory_space<vmem>>
      %dma_wait3A_1519 = tpu.memref_squeeze %dma_wait3A_1518 : memref<1x128xf32, #tpu.memory_space<vmem>> -> memref<128xf32, #tpu.memory_space<vmem>>
      %dma_wait3A_1520 = arith.constant 0 : i32
      %dma_wait3A_1521 = tpu.memref_slice %arg8[%run_scoped3A_1484, %dma_wait3A_1520] : memref<8x128xi32, #tpu.memory_space<vmem>> -> memref<1x128xi32, #tpu.memory_space<vmem>>
      %dma_wait3A_1522 = tpu.memref_squeeze %dma_wait3A_1521 : memref<1x128xi32, #tpu.memory_space<vmem>> -> memref<128xi32, #tpu.memory_space<vmem>>
      %dma_wait3A_1523 = arith.constant 0 : i32
      %dma_wait3A_1524 = tpu.memref_slice %arg6[%dma_wait3A_1523] : memref<500224xf32, #tpu.memory_space<vmem_shared>> -> memref<500224xf32, #tpu.memory_space<vmem_shared>>
      tpu.wait_indirect_dma semaphore(%run_scoped3A_1510 : memref<!tpu.dma_semaphore, #tpu.memory_space<semaphore_mem>>) src(%dma_wait3A_1519 : memref<128xf32, #tpu.memory_space<vmem>>) dst(%dma_wait3A_1524 : memref<500224xf32, #tpu.memory_space<vmem_shared>>)
      tpu.yield
    }) : () -> ()
    %run_scoped3A_1485 = arith.constant 7 : i32
    %run_scoped3A_1486 = arith.constant 7 : i32
    "tpu.region"() ({
      %run_scoped3A_1510 = tpu.sem_alloc : memref<!tpu.dma_semaphore, #tpu.memory_space<semaphore_mem>>
      %dma_start3A = arith.constant 0 : i32
      %dma_start3A_1511 = tpu.memref_slice %arg9[%run_scoped3A_1485, %dma_start3A] : memref<8x128xf32, #tpu.memory_space<vmem>> -> memref<1x128xf32, #tpu.memory_space<vmem>>
      %dma_start3A_1512 = tpu.memref_squeeze %dma_start3A_1511 : memref<1x128xf32, #tpu.memory_space<vmem>> -> memref<128xf32, #tpu.memory_space<vmem>>
      %dma_start3A_1513 = arith.constant 0 : i32
      %dma_start3A_1514 = tpu.memref_slice %arg8[%run_scoped3A_1486, %dma_start3A_1513] : memref<8x128xi32, #tpu.memory_space<vmem>> -> memref<1x128xi32, #tpu.memory_space<vmem>>
      %dma_start3A_1515 = tpu.memref_squeeze %dma_start3A_1514 : memref<1x128xi32, #tpu.memory_space<vmem>> -> memref<128xi32, #tpu.memory_space<vmem>>
      %dma_start3A_1516 = arith.constant 0 : i32
      %dma_start3A_1517 = tpu.memref_slice %arg6[%dma_start3A_1516] : memref<500224xf32, #tpu.memory_space<vmem_shared>> -> memref<500224xf32, #tpu.memory_space<vmem_shared>>
      tpu.enqueue_indirect_dma source(%dma_start3A_1512 : memref<128xf32, #tpu.memory_space<vmem>>) target(%dma_start3A_1517 : memref<500224xf32, #tpu.memory_space<vmem_shared>>) offsets(%dma_start3A_1515 : memref<128xi32, #tpu.memory_space<vmem>>) semaphore(%run_scoped3A_1510 : memref<!tpu.dma_semaphore, #tpu.memory_space<semaphore_mem>>) {add = true}
      %dma_wait3A = arith.constant 0 : i32
      %dma_wait3A_1518 = tpu.memref_slice %arg9[%run_scoped3A_1485, %dma_wait3A] : memref<8x128xf32, #tpu.memory_space<vmem>> -> memref<1x128xf32, #tpu.memory_space<vmem>>
      %dma_wait3A_1519 = tpu.memref_squeeze %dma_wait3A_1518 : memref<1x128xf32, #tpu.memory_space<vmem>> -> memref<128xf32, #tpu.memory_space<vmem>>
      %dma_wait3A_1520 = arith.constant 0 : i32
      %dma_wait3A_1521 = tpu.memref_slice %arg8[%run_scoped3A_1486, %dma_wait3A_1520] : memref<8x128xi32, #tpu.memory_space<vmem>> -> memref<1x128xi32, #tpu.memory_space<vmem>>
      %dma_wait3A_1522 = tpu.memref_squeeze %dma_wait3A_1521 : memref<1x128xi32, #tpu.memory_space<vmem>> -> memref<128xi32, #tpu.memory_space<vmem>>
      %dma_wait3A_1523 = arith.constant 0 : i32
      %dma_wait3A_1524 = tpu.memref_slice %arg6[%dma_wait3A_1523] : memref<500224xf32, #tpu.memory_space<vmem_shared>> -> memref<500224xf32, #tpu.memory_space<vmem_shared>>
      tpu.wait_indirect_dma semaphore(%run_scoped3A_1510 : memref<!tpu.dma_semaphore, #tpu.memory_space<semaphore_mem>>) src(%dma_wait3A_1519 : memref<128xf32, #tpu.memory_space<vmem>>) dst(%dma_wait3A_1524 : memref<500224xf32, #tpu.memory_space<vmem_shared>>)
      tpu.yield
    }) : () -> ()
    %run_scoped3A_1487 = arith.constant 7 : i32
    "tpu.region"() ({
      %run_scoped3A_1510 = tpu.sem_alloc : memref<!tpu.dma_semaphore, #tpu.memory_space<semaphore_mem>>
      %dma_start3A = arith.constant 0 : i32
      %dma_start3A_1511 = tpu.memref_slice %arg8[%run_scoped3A_1487, %dma_start3A] : memref<8x128xi32, #tpu.memory_space<vmem>> -> memref<1x128xi32, #tpu.memory_space<vmem>>
      %dma_start3A_1512 = tpu.memref_squeeze %dma_start3A_1511 : memref<1x128xi32, #tpu.memory_space<vmem>> -> memref<128xi32, #tpu.memory_space<vmem>>
      %dma_start3A_1513 = arith.constant 0 : i32
      %dma_start3A_1514 = tpu.memref_slice %arg6[%dma_start3A_1513] : memref<500224xf32, #tpu.memory_space<vmem_shared>> -> memref<500224xf32, #tpu.memory_space<vmem_shared>>
      tpu.enqueue_indirect_dma source(%arg11 : memref<128xf32, #tpu.memory_space<vmem>>) target(%dma_start3A_1514 : memref<500224xf32, #tpu.memory_space<vmem_shared>>) offsets(%dma_start3A_1512 : memref<128xi32, #tpu.memory_space<vmem>>) semaphore(%run_scoped3A_1510 : memref<!tpu.dma_semaphore, #tpu.memory_space<semaphore_mem>>) {add = true}
      %dma_wait3A = arith.constant 0 : i32
      %dma_wait3A_1515 = tpu.memref_slice %arg8[%run_scoped3A_1487, %dma_wait3A] : memref<8x128xi32, #tpu.memory_space<vmem>> -> memref<1x128xi32, #tpu.memory_space<vmem>>
      %dma_wait3A_1516 = tpu.memref_squeeze %dma_wait3A_1515 : memref<1x128xi32, #tpu.memory_space<vmem>> -> memref<128xi32, #tpu.memory_space<vmem>>
      %dma_wait3A_1517 = arith.constant 0 : i32
      %dma_wait3A_1518 = tpu.memref_slice %arg6[%dma_wait3A_1517] : memref<500224xf32, #tpu.memory_space<vmem_shared>> -> memref<500224xf32, #tpu.memory_space<vmem_shared>>
      tpu.wait_indirect_dma semaphore(%run_scoped3A_1510 : memref<!tpu.dma_semaphore, #tpu.memory_space<semaphore_mem>>) src(%arg11 : memref<128xf32, #tpu.memory_space<vmem>>) dst(%dma_wait3A_1518 : memref<500224xf32, #tpu.memory_space<vmem_shared>>)
      tpu.yield
    }) : () -> ()
    %barrier3A_1488 = arith.constant 0 : index
    tpu.barrier barrier_id(%barrier3A_1488)
    %lt3A_1489 = arith.constant 15 : i32
    %lt3A_1490 = arith.cmpi slt, %arg1, %lt3A_1489 : i32
    %convert_element_type3A_1491 = arith.extui %lt3A_1490 : i1 to i32
    %cond3A_1492 = arith.constant 0 : i32
    %cond3A_1493 = arith.cmpi ne, %convert_element_type3A_1491, %cond3A_1492 : i32
    scf.if %cond3A_1493 {
      %add3A = arith.addi %mul3A_0, %multiple_of3A : i32
      "tpu.region"() ({
        %run_scoped3A_1519 = tpu.sem_alloc : memref<!tpu.dma_semaphore, #tpu.memory_space<semaphore_mem>>
        %dma_start3A = arith.constant 0 : i32
        %dma_start3A_1520 = tpu.memref_slice %arg10[%dma_start3A] : memref<31616xf32, #tpu.memory_space<vmem>> -> memref<31232xf32, #tpu.memory_space<vmem>>
        %dma_start3A_1521 = tpu.memref_slice %arg6[%multiple_of3A] : memref<500224xf32, #tpu.memory_space<vmem_shared>> -> memref<31232xf32, #tpu.memory_space<vmem_shared>>
        %dma_start3A_1522 = arith.constant 0 : i32
        %dma_start3A_1523 = tpu.memref_slice %arg10[%dma_start3A_1522] : memref<31616xf32, #tpu.memory_space<vmem>> -> memref<31232xf32, #tpu.memory_space<vmem>>
        %dma_start3A_1524 = tpu.memref_slice %arg6[%multiple_of3A] : memref<500224xf32, #tpu.memory_space<vmem_shared>> -> memref<31232xf32, #tpu.memory_space<vmem_shared>>
        tpu.enqueue_dma source(%dma_start3A_1524 : memref<31232xf32, #tpu.memory_space<vmem_shared>>) target(%dma_start3A_1523 : memref<31232xf32, #tpu.memory_space<vmem>>) target_semaphore(%run_scoped3A_1519 : memref<!tpu.dma_semaphore, #tpu.memory_space<semaphore_mem>>)
        %dma_wait3A = arith.constant 0 : i32
        %dma_wait3A_1525 = tpu.memref_slice %arg10[%dma_wait3A] : memref<31616xf32, #tpu.memory_space<vmem>> -> memref<31232xf32, #tpu.memory_space<vmem>>
        %dma_wait3A_1526 = tpu.memref_slice %arg6[%multiple_of3A] : memref<500224xf32, #tpu.memory_space<vmem_shared>> -> memref<31232xf32, #tpu.memory_space<vmem_shared>>
        %dma_wait3A_1527 = arith.constant 0 : i32
        %dma_wait3A_1528 = tpu.memref_slice %arg10[%dma_wait3A_1527] : memref<31616xf32, #tpu.memory_space<vmem>> -> memref<31232xf32, #tpu.memory_space<vmem>>
        %dma_wait3A_1529 = tpu.memref_slice %arg6[%multiple_of3A] : memref<500224xf32, #tpu.memory_space<vmem_shared>> -> memref<31232xf32, #tpu.memory_space<vmem_shared>>
        tpu.wait_dma2 semaphore(%run_scoped3A_1519 : memref<!tpu.dma_semaphore, #tpu.memory_space<semaphore_mem>>) src(%dma_wait3A_1529 : memref<31232xf32, #tpu.memory_space<vmem_shared>>) dst(%dma_wait3A_1528 : memref<31232xf32, #tpu.memory_space<vmem>>)
        tpu.yield
      }) : () -> ()
      %eq3A_1510 = arith.constant 0 : i32
      %eq3A_1511 = arith.cmpi eq, %arg0, %eq3A_1510 : i32
      %eq3A_1512 = arith.constant 0 : i32
      %eq3A_1513 = arith.cmpi eq, %arg1, %eq3A_1512 : i32
      %and3A_1514 = arith.andi %eq3A_1511, %eq3A_1513 : i1
      %convert_element_type3A_1515 = arith.extui %and3A_1514 : i1 to i32
      %cond3A_1516 = arith.constant 0 : i32
      %cond3A_1517 = arith.cmpi ne, %convert_element_type3A_1515, %cond3A_1516 : i32
      scf.if %cond3A_1517 {
        %iota3A = tpu.iota {dimensions = array<i32: 0>} : vector<16xi32>
        %get3A_1519 = arith.constant 0 : index
        %get3A_1520 = tpu.vector_load %arg10[%get3A_1519] {strides = array<i32>} : memref<31616xf32, #tpu.memory_space<vmem>>, vector<16xf32>,
        %get3A_1521 = vector.shape_cast %get3A_1520 : vector<16xf32> to vector<16xf32>
        %eq3A_1522 = arith.constant 0 : i32
        %eq3A_1523 = vector.broadcast %eq3A_1522 : i32 to vector<16xi32>
        %eq3A_1524 = arith.cmpi eq, %iota3A, %eq3A_1523 : vector<16xi32>
        %jit3A_1525 = arith.constant 1.000000e+00 : f32
        %jit3A_1526 = arith.constant 0.000000e+00 : f32
        %broadcast_in_dim3A_1527 = vector.broadcast %jit3A_1525 : f32 to vector<16xf32>
        %broadcast_in_dim3A_1528 = vector.broadcast %jit3A_1526 : f32 to vector<16xf32>
        %select_n3A_1529 = arith.select %eq3A_1524, %broadcast_in_dim3A_1527, %broadcast_in_dim3A_1528 : vector<16xi1>, vector<16xf32>
        %add3A_1530 = arith.addf %get3A_1521, %select_n3A_1529 : vector<16xf32>
        %swap3A_1531 = arith.constant 0 : index
        %swap3A_1532 = tpu.vector_load %arg10[%swap3A_1531] {strides = array<i32>} : memref<31616xf32, #tpu.memory_space<vmem>>, vector<16xf32>,
        %swap3A_1533 = vector.shape_cast %swap3A_1532 : vector<16xf32> to vector<16xf32>
        %swap3A_1534 = vector.shape_cast %add3A_1530 : vector<16xf32> to vector<16xf32>
        tpu.vector_store %arg10[%swap3A_1531], %swap3A_1534 {strides = array<i32>} : memref<31616xf32, #tpu.memory_space<vmem>>, vector<16xf32>,
      } else {
      }
      %run_scoped3A_1518 = arith.constant 0 : i32
      "tpu.region"() ({
        %run_scoped3A_1519 = tpu.sem_alloc : memref<!tpu.dma_semaphore, #tpu.memory_space<semaphore_mem>>
        %dma_start3A = arith.constant 0 : i32
        %dma_start3A_1520 = tpu.memref_slice %arg10[%dma_start3A] : memref<31616xf32, #tpu.memory_space<vmem>> -> memref<31232xf32, #tpu.memory_space<vmem>>
        %dma_start3A_1521 = tpu.memref_slice %arg5[%run_scoped3A_1518, %add3A] : memref<1x1000000xf32, #tpu.memory_space<hbm>> -> memref<1x31232xf32, #tpu.memory_space<hbm>>
        %dma_start3A_1522 = tpu.memref_squeeze %dma_start3A_1521 : memref<1x31232xf32, #tpu.memory_space<hbm>> -> memref<31232xf32, #tpu.memory_space<hbm>>
        %dma_start3A_1523 = tpu.memref_slice %arg5[%run_scoped3A_1518, %add3A] : memref<1x1000000xf32, #tpu.memory_space<hbm>> -> memref<1x31232xf32, #tpu.memory_space<hbm>>
        %dma_start3A_1524 = tpu.memref_squeeze %dma_start3A_1523 : memref<1x31232xf32, #tpu.memory_space<hbm>> -> memref<31232xf32, #tpu.memory_space<hbm>>
        %dma_start3A_1525 = arith.constant 0 : i32
        %dma_start3A_1526 = tpu.memref_slice %arg10[%dma_start3A_1525] : memref<31616xf32, #tpu.memory_space<vmem>> -> memref<31232xf32, #tpu.memory_space<vmem>>
        tpu.enqueue_dma source(%dma_start3A_1526 : memref<31232xf32, #tpu.memory_space<vmem>>) target(%dma_start3A_1524 : memref<31232xf32, #tpu.memory_space<hbm>>) target_semaphore(%run_scoped3A_1519 : memref<!tpu.dma_semaphore, #tpu.memory_space<semaphore_mem>>)
        %dma_wait3A = arith.constant 0 : i32
        %dma_wait3A_1527 = tpu.memref_slice %arg10[%dma_wait3A] : memref<31616xf32, #tpu.memory_space<vmem>> -> memref<31232xf32, #tpu.memory_space<vmem>>
        %dma_wait3A_1528 = tpu.memref_slice %arg5[%run_scoped3A_1518, %add3A] : memref<1x1000000xf32, #tpu.memory_space<hbm>> -> memref<1x31232xf32, #tpu.memory_space<hbm>>
        %dma_wait3A_1529 = tpu.memref_squeeze %dma_wait3A_1528 : memref<1x31232xf32, #tpu.memory_space<hbm>> -> memref<31232xf32, #tpu.memory_space<hbm>>
        %dma_wait3A_1530 = tpu.memref_slice %arg5[%run_scoped3A_1518, %add3A] : memref<1x1000000xf32, #tpu.memory_space<hbm>> -> memref<1x31232xf32, #tpu.memory_space<hbm>>
        %dma_wait3A_1531 = tpu.memref_squeeze %dma_wait3A_1530 : memref<1x31232xf32, #tpu.memory_space<hbm>> -> memref<31232xf32, #tpu.memory_space<hbm>>
        %dma_wait3A_1532 = arith.constant 0 : i32
        %dma_wait3A_1533 = tpu.memref_slice %arg10[%dma_wait3A_1532] : memref<31616xf32, #tpu.memory_space<vmem>> -> memref<31232xf32, #tpu.memory_space<vmem>>
        tpu.wait_dma2 semaphore(%run_scoped3A_1519 : memref<!tpu.dma_semaphore, #tpu.memory_space<semaphore_mem>>) src(%dma_wait3A_1533 : memref<31232xf32, #tpu.memory_space<vmem>>) dst(%dma_wait3A_1531 : memref<31232xf32, #tpu.memory_space<hbm>>)
        tpu.yield
      }) : () -> ()
    } else {
    }
    %eq3A_1494 = arith.constant 15 : i32
    %eq3A_1495 = arith.cmpi eq, %arg1, %eq3A_1494 : i32
    %eq3A_1496 = arith.constant 0 : i32
    %eq3A_1497 = arith.cmpi eq, %arg0, %eq3A_1496 : i32
    %and3A_1498 = arith.andi %eq3A_1495, %eq3A_1497 : i1
    %convert_element_type3A_1499 = arith.extui %and3A_1498 : i1 to i32
    %cond3A_1500 = arith.constant 0 : i32
    %cond3A_1501 = arith.cmpi ne, %convert_element_type3A_1499, %cond3A_1500 : i32
    scf.if %cond3A_1501 {
      "tpu.region"() ({
        %run_scoped3A_1519 = tpu.sem_alloc : memref<!tpu.dma_semaphore, #tpu.memory_space<semaphore_mem>>
        %dma_start3A = arith.constant 0 : i32
        %dma_start3A_1520 = tpu.memref_slice %arg10[%dma_start3A] : memref<31616xf32, #tpu.memory_space<vmem>> -> memref<31616xf32, #tpu.memory_space<vmem>>
        %dma_start3A_1521 = tpu.memref_slice %arg6[%multiple_of3A] : memref<500224xf32, #tpu.memory_space<vmem_shared>> -> memref<31616xf32, #tpu.memory_space<vmem_shared>>
        %dma_start3A_1522 = arith.constant 0 : i32
        %dma_start3A_1523 = tpu.memref_slice %arg10[%dma_start3A_1522] : memref<31616xf32, #tpu.memory_space<vmem>> -> memref<31616xf32, #tpu.memory_space<vmem>>
        %dma_start3A_1524 = tpu.memref_slice %arg6[%multiple_of3A] : memref<500224xf32, #tpu.memory_space<vmem_shared>> -> memref<31616xf32, #tpu.memory_space<vmem_shared>>
        tpu.enqueue_dma source(%dma_start3A_1524 : memref<31616xf32, #tpu.memory_space<vmem_shared>>) target(%dma_start3A_1523 : memref<31616xf32, #tpu.memory_space<vmem>>) target_semaphore(%run_scoped3A_1519 : memref<!tpu.dma_semaphore, #tpu.memory_space<semaphore_mem>>)
        %dma_wait3A = arith.constant 0 : i32
        %dma_wait3A_1525 = tpu.memref_slice %arg10[%dma_wait3A] : memref<31616xf32, #tpu.memory_space<vmem>> -> memref<31616xf32, #tpu.memory_space<vmem>>
        %dma_wait3A_1526 = tpu.memref_slice %arg6[%multiple_of3A] : memref<500224xf32, #tpu.memory_space<vmem_shared>> -> memref<31616xf32, #tpu.memory_space<vmem_shared>>
        %dma_wait3A_1527 = arith.constant 0 : i32
        %dma_wait3A_1528 = tpu.memref_slice %arg10[%dma_wait3A_1527] : memref<31616xf32, #tpu.memory_space<vmem>> -> memref<31616xf32, #tpu.memory_space<vmem>>
        %dma_wait3A_1529 = tpu.memref_slice %arg6[%multiple_of3A] : memref<500224xf32, #tpu.memory_space<vmem_shared>> -> memref<31616xf32, #tpu.memory_space<vmem_shared>>
        tpu.wait_dma2 semaphore(%run_scoped3A_1519 : memref<!tpu.dma_semaphore, #tpu.memory_space<semaphore_mem>>) src(%dma_wait3A_1529 : memref<31616xf32, #tpu.memory_space<vmem_shared>>) dst(%dma_wait3A_1528 : memref<31616xf32, #tpu.memory_space<vmem>>)
        tpu.yield
      }) : () -> ()
      %eq3A_1510 = arith.constant 0 : i32
      %eq3A_1511 = arith.cmpi eq, %arg0, %eq3A_1510 : i32
      %eq3A_1512 = arith.constant 0 : i32
      %eq3A_1513 = arith.cmpi eq, %arg1, %eq3A_1512 : i32
      %and3A_1514 = arith.andi %eq3A_1511, %eq3A_1513 : i1
      %convert_element_type3A_1515 = arith.extui %and3A_1514 : i1 to i32
      %cond3A_1516 = arith.constant 0 : i32
      %cond3A_1517 = arith.cmpi ne, %convert_element_type3A_1515, %cond3A_1516 : i32
      scf.if %cond3A_1517 {
        %iota3A = tpu.iota {dimensions = array<i32: 0>} : vector<16xi32>
        %get3A_1519 = arith.constant 0 : index
        %get3A_1520 = tpu.vector_load %arg10[%get3A_1519] {strides = array<i32>} : memref<31616xf32, #tpu.memory_space<vmem>>, vector<16xf32>,
        %get3A_1521 = vector.shape_cast %get3A_1520 : vector<16xf32> to vector<16xf32>
        %eq3A_1522 = arith.constant 0 : i32
        %eq3A_1523 = vector.broadcast %eq3A_1522 : i32 to vector<16xi32>
        %eq3A_1524 = arith.cmpi eq, %iota3A, %eq3A_1523 : vector<16xi32>
        %jit3A_1525 = arith.constant 1.000000e+00 : f32
        %jit3A_1526 = arith.constant 0.000000e+00 : f32
        %broadcast_in_dim3A_1527 = vector.broadcast %jit3A_1525 : f32 to vector<16xf32>
        %broadcast_in_dim3A_1528 = vector.broadcast %jit3A_1526 : f32 to vector<16xf32>
        %select_n3A_1529 = arith.select %eq3A_1524, %broadcast_in_dim3A_1527, %broadcast_in_dim3A_1528 : vector<16xi1>, vector<16xf32>
        %add3A = arith.addf %get3A_1521, %select_n3A_1529 : vector<16xf32>
        %swap3A_1530 = arith.constant 0 : index
        %swap3A_1531 = tpu.vector_load %arg10[%swap3A_1530] {strides = array<i32>} : memref<31616xf32, #tpu.memory_space<vmem>>, vector<16xf32>,
        %swap3A_1532 = vector.shape_cast %swap3A_1531 : vector<16xf32> to vector<16xf32>
        %swap3A_1533 = vector.shape_cast %add3A : vector<16xf32> to vector<16xf32>
        tpu.vector_store %arg10[%swap3A_1530], %swap3A_1533 {strides = array<i32>} : memref<31616xf32, #tpu.memory_space<vmem>>, vector<16xf32>,
      } else {
      }
      %run_scoped3A_1518 = arith.constant 0 : i32
      "tpu.region"() ({
        %run_scoped3A_1519 = tpu.sem_alloc : memref<!tpu.dma_semaphore, #tpu.memory_space<semaphore_mem>>
        %dma_start3A = arith.constant 0 : i32
        %dma_start3A_1520 = tpu.memref_slice %arg10[%dma_start3A] : memref<31616xf32, #tpu.memory_space<vmem>> -> memref<31616xf32, #tpu.memory_space<vmem>>
        %dma_start3A_1521 = arith.constant 468480 : i32
        %dma_start3A_1522 = tpu.memref_slice %arg5[%run_scoped3A_1518, %dma_start3A_1521] : memref<1x1000000xf32, #tpu.memory_space<hbm>> -> memref<1x31616xf32, #tpu.memory_space<hbm>>
        %dma_start3A_1523 = tpu.memref_squeeze %dma_start3A_1522 : memref<1x31616xf32, #tpu.memory_space<hbm>> -> memref<31616xf32, #tpu.memory_space<hbm>>
        %dma_start3A_1524 = arith.constant 468480 : i32
        %dma_start3A_1525 = tpu.memref_slice %arg5[%run_scoped3A_1518, %dma_start3A_1524] : memref<1x1000000xf32, #tpu.memory_space<hbm>> -> memref<1x31616xf32, #tpu.memory_space<hbm>>
        %dma_start3A_1526 = tpu.memref_squeeze %dma_start3A_1525 : memref<1x31616xf32, #tpu.memory_space<hbm>> -> memref<31616xf32, #tpu.memory_space<hbm>>
        %dma_start3A_1527 = arith.constant 0 : i32
        %dma_start3A_1528 = tpu.memref_slice %arg10[%dma_start3A_1527] : memref<31616xf32, #tpu.memory_space<vmem>> -> memref<31616xf32, #tpu.memory_space<vmem>>
        tpu.enqueue_dma source(%dma_start3A_1528 : memref<31616xf32, #tpu.memory_space<vmem>>) target(%dma_start3A_1526 : memref<31616xf32, #tpu.memory_space<hbm>>) target_semaphore(%run_scoped3A_1519 : memref<!tpu.dma_semaphore, #tpu.memory_space<semaphore_mem>>)
        %dma_wait3A = arith.constant 0 : i32
        %dma_wait3A_1529 = tpu.memref_slice %arg10[%dma_wait3A] : memref<31616xf32, #tpu.memory_space<vmem>> -> memref<31616xf32, #tpu.memory_space<vmem>>
        %dma_wait3A_1530 = arith.constant 468480 : i32
        %dma_wait3A_1531 = tpu.memref_slice %arg5[%run_scoped3A_1518, %dma_wait3A_1530] : memref<1x1000000xf32, #tpu.memory_space<hbm>> -> memref<1x31616xf32, #tpu.memory_space<hbm>>
        %dma_wait3A_1532 = tpu.memref_squeeze %dma_wait3A_1531 : memref<1x31616xf32, #tpu.memory_space<hbm>> -> memref<31616xf32, #tpu.memory_space<hbm>>
        %dma_wait3A_1533 = arith.constant 468480 : i32
        %dma_wait3A_1534 = tpu.memref_slice %arg5[%run_scoped3A_1518, %dma_wait3A_1533] : memref<1x1000000xf32, #tpu.memory_space<hbm>> -> memref<1x31616xf32, #tpu.memory_space<hbm>>
        %dma_wait3A_1535 = tpu.memref_squeeze %dma_wait3A_1534 : memref<1x31616xf32, #tpu.memory_space<hbm>> -> memref<31616xf32, #tpu.memory_space<hbm>>
        %dma_wait3A_1536 = arith.constant 0 : i32
        %dma_wait3A_1537 = tpu.memref_slice %arg10[%dma_wait3A_1536] : memref<31616xf32, #tpu.memory_space<vmem>> -> memref<31616xf32, #tpu.memory_space<vmem>>
        tpu.wait_dma2 semaphore(%run_scoped3A_1519 : memref<!tpu.dma_semaphore, #tpu.memory_space<semaphore_mem>>) src(%dma_wait3A_1537 : memref<31616xf32, #tpu.memory_space<vmem>>) dst(%dma_wait3A_1535 : memref<31616xf32, #tpu.memory_space<hbm>>)
        tpu.yield
      }) : () -> ()
    } else {
    }
    %eq3A_1502 = arith.constant 15 : i32
    %eq3A_1503 = arith.cmpi eq, %arg1, %eq3A_1502 : i32
    %eq3A_1504 = arith.constant 1 : i32
    %eq3A_1505 = arith.cmpi eq, %arg0, %eq3A_1504 : i32
    %and3A_1506 = arith.andi %eq3A_1503, %eq3A_1505 : i1
    %convert_element_type3A_1507 = arith.extui %and3A_1506 : i1 to i32
    %cond3A_1508 = arith.constant 0 : i32
    %cond3A_1509 = arith.cmpi ne, %convert_element_type3A_1507, %cond3A_1508 : i32
    scf.if %cond3A_1509 {
      "tpu.region"() ({
        %run_scoped3A_1519 = tpu.sem_alloc : memref<!tpu.dma_semaphore, #tpu.memory_space<semaphore_mem>>
        %dma_start3A = arith.constant 0 : i32
        %dma_start3A_1520 = tpu.memref_slice %arg10[%dma_start3A] : memref<31616xf32, #tpu.memory_space<vmem>> -> memref<31424xf32, #tpu.memory_space<vmem>>
        %dma_start3A_1521 = tpu.memref_slice %arg6[%multiple_of3A] : memref<500224xf32, #tpu.memory_space<vmem_shared>> -> memref<31424xf32, #tpu.memory_space<vmem_shared>>
        %dma_start3A_1522 = arith.constant 0 : i32
        %dma_start3A_1523 = tpu.memref_slice %arg10[%dma_start3A_1522] : memref<31616xf32, #tpu.memory_space<vmem>> -> memref<31424xf32, #tpu.memory_space<vmem>>
        %dma_start3A_1524 = tpu.memref_slice %arg6[%multiple_of3A] : memref<500224xf32, #tpu.memory_space<vmem_shared>> -> memref<31424xf32, #tpu.memory_space<vmem_shared>>
        tpu.enqueue_dma source(%dma_start3A_1524 : memref<31424xf32, #tpu.memory_space<vmem_shared>>) target(%dma_start3A_1523 : memref<31424xf32, #tpu.memory_space<vmem>>) target_semaphore(%run_scoped3A_1519 : memref<!tpu.dma_semaphore, #tpu.memory_space<semaphore_mem>>)
        %dma_wait3A = arith.constant 0 : i32
        %dma_wait3A_1525 = tpu.memref_slice %arg10[%dma_wait3A] : memref<31616xf32, #tpu.memory_space<vmem>> -> memref<31424xf32, #tpu.memory_space<vmem>>
        %dma_wait3A_1526 = tpu.memref_slice %arg6[%multiple_of3A] : memref<500224xf32, #tpu.memory_space<vmem_shared>> -> memref<31424xf32, #tpu.memory_space<vmem_shared>>
        %dma_wait3A_1527 = arith.constant 0 : i32
        %dma_wait3A_1528 = tpu.memref_slice %arg10[%dma_wait3A_1527] : memref<31616xf32, #tpu.memory_space<vmem>> -> memref<31424xf32, #tpu.memory_space<vmem>>
        %dma_wait3A_1529 = tpu.memref_slice %arg6[%multiple_of3A] : memref<500224xf32, #tpu.memory_space<vmem_shared>> -> memref<31424xf32, #tpu.memory_space<vmem_shared>>
        tpu.wait_dma2 semaphore(%run_scoped3A_1519 : memref<!tpu.dma_semaphore, #tpu.memory_space<semaphore_mem>>) src(%dma_wait3A_1529 : memref<31424xf32, #tpu.memory_space<vmem_shared>>) dst(%dma_wait3A_1528 : memref<31424xf32, #tpu.memory_space<vmem>>)
        tpu.yield
      }) : () -> ()
      %eq3A_1510 = arith.constant 0 : i32
      %eq3A_1511 = arith.cmpi eq, %arg0, %eq3A_1510 : i32
      %eq3A_1512 = arith.constant 0 : i32
      %eq3A_1513 = arith.cmpi eq, %arg1, %eq3A_1512 : i32
      %and3A_1514 = arith.andi %eq3A_1511, %eq3A_1513 : i1
      %convert_element_type3A_1515 = arith.extui %and3A_1514 : i1 to i32
      %cond3A_1516 = arith.constant 0 : i32
      %cond3A_1517 = arith.cmpi ne, %convert_element_type3A_1515, %cond3A_1516 : i32
      scf.if %cond3A_1517 {
        %iota3A = tpu.iota {dimensions = array<i32: 0>} : vector<16xi32>
        %get3A_1519 = arith.constant 0 : index
        %get3A_1520 = tpu.vector_load %arg10[%get3A_1519] {strides = array<i32>} : memref<31616xf32, #tpu.memory_space<vmem>>, vector<16xf32>,
        %get3A_1521 = vector.shape_cast %get3A_1520 : vector<16xf32> to vector<16xf32>
        %eq3A_1522 = arith.constant 0 : i32
        %eq3A_1523 = vector.broadcast %eq3A_1522 : i32 to vector<16xi32>
        %eq3A_1524 = arith.cmpi eq, %iota3A, %eq3A_1523 : vector<16xi32>
        %jit3A_1525 = arith.constant 1.000000e+00 : f32
        %jit3A_1526 = arith.constant 0.000000e+00 : f32
        %broadcast_in_dim3A_1527 = vector.broadcast %jit3A_1525 : f32 to vector<16xf32>
        %broadcast_in_dim3A_1528 = vector.broadcast %jit3A_1526 : f32 to vector<16xf32>
        %select_n3A_1529 = arith.select %eq3A_1524, %broadcast_in_dim3A_1527, %broadcast_in_dim3A_1528 : vector<16xi1>, vector<16xf32>
        %add3A = arith.addf %get3A_1521, %select_n3A_1529 : vector<16xf32>
        %swap3A_1530 = arith.constant 0 : index
        %swap3A_1531 = tpu.vector_load %arg10[%swap3A_1530] {strides = array<i32>} : memref<31616xf32, #tpu.memory_space<vmem>>, vector<16xf32>,
        %swap3A_1532 = vector.shape_cast %swap3A_1531 : vector<16xf32> to vector<16xf32>
        %swap3A_1533 = vector.shape_cast %add3A : vector<16xf32> to vector<16xf32>
        tpu.vector_store %arg10[%swap3A_1530], %swap3A_1533 {strides = array<i32>} : memref<31616xf32, #tpu.memory_space<vmem>>, vector<16xf32>,
      } else {
      }
      %run_scoped3A_1518 = arith.constant 0 : i32
      "tpu.region"() ({
        %run_scoped3A_1519 = tpu.sem_alloc : memref<!tpu.dma_semaphore, #tpu.memory_space<semaphore_mem>>
        %dma_start3A = arith.constant 0 : i32
        %dma_start3A_1520 = tpu.memref_slice %arg10[%dma_start3A] : memref<31616xf32, #tpu.memory_space<vmem>> -> memref<31424xf32, #tpu.memory_space<vmem>>
        %dma_start3A_1521 = arith.constant 968576 : i32
        %dma_start3A_1522 = tpu.memref_slice %arg5[%run_scoped3A_1518, %dma_start3A_1521] : memref<1x1000000xf32, #tpu.memory_space<hbm>> -> memref<1x31424xf32, #tpu.memory_space<hbm>>
        %dma_start3A_1523 = tpu.memref_squeeze %dma_start3A_1522 : memref<1x31424xf32, #tpu.memory_space<hbm>> -> memref<31424xf32, #tpu.memory_space<hbm>>
        %dma_start3A_1524 = arith.constant 968576 : i32
        %dma_start3A_1525 = tpu.memref_slice %arg5[%run_scoped3A_1518, %dma_start3A_1524] : memref<1x1000000xf32, #tpu.memory_space<hbm>> -> memref<1x31424xf32, #tpu.memory_space<hbm>>
        %dma_start3A_1526 = tpu.memref_squeeze %dma_start3A_1525 : memref<1x31424xf32, #tpu.memory_space<hbm>> -> memref<31424xf32, #tpu.memory_space<hbm>>
        %dma_start3A_1527 = arith.constant 0 : i32
        %dma_start3A_1528 = tpu.memref_slice %arg10[%dma_start3A_1527] : memref<31616xf32, #tpu.memory_space<vmem>> -> memref<31424xf32, #tpu.memory_space<vmem>>
        tpu.enqueue_dma source(%dma_start3A_1528 : memref<31424xf32, #tpu.memory_space<vmem>>) target(%dma_start3A_1526 : memref<31424xf32, #tpu.memory_space<hbm>>) target_semaphore(%run_scoped3A_1519 : memref<!tpu.dma_semaphore, #tpu.memory_space<semaphore_mem>>)
        %dma_wait3A = arith.constant 0 : i32
        %dma_wait3A_1529 = tpu.memref_slice %arg10[%dma_wait3A] : memref<31616xf32, #tpu.memory_space<vmem>> -> memref<31424xf32, #tpu.memory_space<vmem>>
        %dma_wait3A_1530 = arith.constant 968576 : i32
        %dma_wait3A_1531 = tpu.memref_slice %arg5[%run_scoped3A_1518, %dma_wait3A_1530] : memref<1x1000000xf32, #tpu.memory_space<hbm>> -> memref<1x31424xf32, #tpu.memory_space<hbm>>
        %dma_wait3A_1532 = tpu.memref_squeeze %dma_wait3A_1531 : memref<1x31424xf32, #tpu.memory_space<hbm>> -> memref<31424xf32, #tpu.memory_space<hbm>>
        %dma_wait3A_1533 = arith.constant 968576 : i32
        %dma_wait3A_1534 = tpu.memref_slice %arg5[%run_scoped3A_1518, %dma_wait3A_1533] : memref<1x1000000xf32, #tpu.memory_space<hbm>> -> memref<1x31424xf32, #tpu.memory_space<hbm>>
        %dma_wait3A_1535 = tpu.memref_squeeze %dma_wait3A_1534 : memref<1x31424xf32, #tpu.memory_space<hbm>> -> memref<31424xf32, #tpu.memory_space<hbm>>
        %dma_wait3A_1536 = arith.constant 0 : i32
        %dma_wait3A_1537 = tpu.memref_slice %arg10[%dma_wait3A_1536] : memref<31616xf32, #tpu.memory_space<vmem>> -> memref<31424xf32, #tpu.memory_space<vmem>>
        tpu.wait_dma2 semaphore(%run_scoped3A_1519 : memref<!tpu.dma_semaphore, #tpu.memory_space<semaphore_mem>>) src(%dma_wait3A_1537 : memref<31424xf32, #tpu.memory_space<vmem>>) dst(%dma_wait3A_1535 : memref<31424xf32, #tpu.memory_space<hbm>>)
        tpu.yield
      }) : () -> ()
    } else {
    }
    return
  }
}

</mosaic_0001>

<sc_bundles>
// kernel: kernel.3.cloned.1.call-start
scs
__scs_entry_jumppad:
0x0: {  	(pc) =	sbr.rel $0x88, $3  }
0x1: {  	(tag) =	ssettag $0x0;
	lr =	simm.s32 $0x1  }
0x2: {  	[smem:$0x3F9E] =	sst lr;
	_ =	strace $0xD0000000  }
0x3: {  	_ = 	snop  }
0x4: {  	_ = 	snop  }
0x5: {  	_ = 	snop  }
0x6: {  	_ = 	snop  }
0x7: {  	_ = 	snop  }
__scs_overlays_trampoline_lowered:
0x8: {  	[smem:$0x3FAD] =	sst s0  }
0x9: {  	[smem:$0x3FAE] =	sst s1  }
0xa: {  	[smem:$0x3FAF] =	sst s2  }
0xb: {  	[smem:$0x3FB0] =	sst s3  }
0xc: {  	[smem:$0x3FB1] =	sst s4  }
0xd: {  	[smem:$0x3FB2] =	sst s5  }
0xe: {  	[smem:$0x3FB3] =	sst s6  }
0xf: {  	[smem:$0x3FB4] =	sst s7  }
0x10: {  	[smem:$0x3FB5] =	sst s8  }
0x11: {  	[smem:$0x3FB6] =	sst s9;
	s0 =	simm.s32 @!p0 $0x0  }
0x12: {  	s1 =	sld [smem:$0x3F9C];
	s0 =	simm.s32 @p0 $0x1  }
0x13: {  	[smem:$0x3FB7] =	sst s0;
	s0 =	simm.s32 @!p1 $0x0  }
0x14: {  	s2 =	sld [smem:$0x3F9B];
	s0 =	simm.s32 @p1 $0x1  }
0x15: {  	[smem:$0x3FB8] =	sst s0;
	s0 =	simm.s32 @!p2 $0x0  }
0x16: {  	s3 =	sld [smem:$0x3FDB];
	s0 =	simm.s32 @p2 $0x1  }
0x17: {  	s4 =	simm.s32 $0x1BF5;
	[smem:$0x3FBA] =	sst s0  }
0x18: {  	s0 =	sld [smem:$0x3F9D];
	_ =	swait.ge [sflag:s4], $0x0  }
0x19: {  	s7 =	sld [smem:$0x3F9E]  }
0x1a: {  	s8 =	sadd.s32 $0xFFFFE003, lr  }
0x1b: {  	s9 =	sadd.s32 $0xFFFFFEF7, lr;
	s5 =	simm.s32 $0xFFFFFFFF;
	p2 =	slt.u32 s8, $0xFFFFF086  }
0x1c: {  	p1 =	slt.u32 s9, $0xF7A;
	s5 =	simm.s32 @!p2 $0x0  }
0x1d: {  	s5 =	simm.s32 @p1 $0x1;
	p0 =	seq.s32 s7, s2  }
0x1e: {  	s7 =	smul.u32 @!p0 $0xF7A, s2;
	p2 =	seq.s32 @!p0 s5, $0x0  }
0x1f: {  	s9 =	smul.u32 $0xF7A, s1;
	s8 =	simm.s32 @!p0 $0x1BF5;
	p2 =	por !p2, p0  }
0x20: {  	[sflag:s8] =	ssyncset.s32 @!p0 $0xFFFFF086;
	s6 =	sadd.s32 @!p0 s3, s7;
	s7 =	simm.s32 @!p0 $0x108  }
0x21: {  	s3 =	sadd.s32 s3, s9;
	s6 =	sadd.s32 @!p0 $0x88, s6;
	s7 =	simm.s32 @p2 $0x1082  }
0x22: {  	[simem:s7], [sflag:s8] =	dma.local @!p0 [hbm:s6], $0xF7A  }
0x23: {  	s9 =	sor.u32 $0xD0000000, s2;
	s6 =	simm.s32 $0x108;
	_ =	swait.ge @!p0 [sflag:s8], $0x0  }
0x24: {  	s3 =	sadd.s32 $0x88, s3;
	s6 =	simm.s32 @!p1 $0x1082;
	[sflag:s4] =	ssyncset.s32 $0xFFFFF086  }
0x25: {  	[simem:s6], [sflag:s4] =	dma.local [hbm:s3], $0xF7A  }
0x26: {  	[smem:$0x3F9E] =	sst s1;
	(tag) =	ssettag s2;
	_ =	strace s9  }
0x27: {  	s1 =	sld [smem:$0x3FAE]  }
0x28: {  	s2 =	sld [smem:$0x3FAF]  }
0x29: {  	s4 =	sld [smem:$0x3FB1]  }
0x2a: {  	p0 =	seq.s32 s5, $0x0;
	s5 =	sld [smem:$0x3FB2]  }
0x2b: {  	s6 =	sld [smem:$0x3FB3]  }
0x2c: {  	s7 =	sld [smem:$0x3FB4]  }
0x2d: {  	s3 =	simm.s32 $0x108;
	s8 =	sld [smem:$0x3FB5]  }
0x2e: {  	s3 =	simm.s32 @!p0 $0x1082;
	s9 =	sld [smem:$0x3FB6]  }
0x2f: {  	lr =	sadd.s32 s0, s3;
	s0 =	sld [smem:$0x3FAD]  }
0x30: {  	s3 =	sld [smem:$0x3FB0]  }
0x31: {  	[smem:$0x3FB9] =	sst s10  }
0x32: {  	s10 =	sld [smem:$0x3FB7];
	_ =	sdelay $0x3  }
0x33: {  	p0 =	seq.s32 s10, $0x1;
	s10 =	sld [smem:$0x3FB9];
	_ =	sdelay $0x3  }
0x34: {  	[smem:$0x3FB9] =	sst s10  }
0x35: {  	s10 =	sld [smem:$0x3FB8];
	_ =	sdelay $0x3  }
0x36: {  	p1 =	seq.s32 s10, $0x1;
	s10 =	sld [smem:$0x3FB9];
	_ =	sdelay $0x3  }
0x37: {  	[smem:$0x3FB9] =	sst s10  }
0x38: {  	s10 =	sld [smem:$0x3FBA]  }
0x39: {  	_ = 	snop;
	(pc) =	sbr.ind lr, $3  }
0x3a: {  	_ = 	snop  }
0x3b: {  	_ = 	snop  }
0x3c: {  	p2 =	seq.s32 s10, $0x1;
	s10 =	sld [smem:$0x3FB9]  }
0x3d: {  	_ =	shalt  }
0x3e: {  	_ =	shalt  }
0x3f: {  	_ =	shalt  }
0x40: {  	_ =	shalt  }
0x41: {  	_ =	shalt  }
0x42: {  	_ =	shalt  }
0x43: {  	_ =	shalt  }
0x44: {  	_ =	shalt  }
0x45: {  	_ =	shalt  }
0x46: {  	_ =	shalt  }
0x47: {  	_ =	shalt  }
0x48: {  	_ =	shalt  }
0x49: {  	_ =	shalt  }
0x4a: {  	_ =	shalt  }
0x4b: {  	_ =	shalt  }
0x4c: {  	_ =	shalt  }
0x4d: {  	_ =	shalt  }
0x4e: {  	_ =	shalt  }
0x4f: {  	_ =	shalt  }
0x50: {  	_ =	shalt  }
0x51: {  	_ =	shalt  }
0x52: {  	_ =	shalt  }
0x53: {  	_ =	shalt  }
0x54: {  	_ =	shalt  }
0x55: {  	_ =	shalt  }
0x56: {  	_ =	shalt  }
0x57: {  	_ =	shalt  }
0x58: {  	_ =	shalt  }
0x59: {  	_ =	shalt  }
0x5a: {  	_ =	shalt  }
0x5b: {  	_ =	shalt  }
0x5c: {  	_ =	shalt  }
0x5d: {  	_ =	shalt  }
0x5e: {  	_ =	shalt  }
0x5f: {  	_ =	shalt  }
0x60: {  	_ =	shalt  }
0x61: {  	_ =	shalt  }
0x62: {  	_ =	shalt  }
0x63: {  	_ =	shalt  }
0x64: {  	_ =	shalt  }
0x65: {  	_ =	shalt  }
0x66: {  	_ =	shalt  }
0x67: {  	_ =	shalt  }
0x68: {  	_ =	shalt  }
0x69: {  	_ =	shalt  }
0x6a: {  	_ =	shalt  }
0x6b: {  	_ =	shalt  }
0x6c: {  	_ =	shalt  }
0x6d: {  	_ =	shalt  }
0x6e: {  	_ =	shalt  }
0x6f: {  	_ =	shalt  }
0x70: {  	_ =	shalt  }
0x71: {  	_ =	shalt  }
0x72: {  	_ =	shalt  }
0x73: {  	_ =	shalt  }
0x74: {  	_ =	shalt  }
0x75: {  	_ =	shalt  }
0x76: {  	_ =	shalt  }
0x77: {  	_ =	shalt  }
0x78: {  	_ =	shalt  }
0x79: {  	_ =	shalt  }
0x7a: {  	_ =	shalt  }
0x7b: {  	_ =	shalt  }
0x7c: {  	_ =	shalt  }
0x7d: {  	_ =	shalt  }
0x7e: {  	_ =	shalt  }
0x7f: {  	_ =	shalt  }
0x80: {  	_ =	shalt  }
0x81: {  	_ =	shalt  }
0x82: {  	_ =	shalt  }
0x83: {  	_ =	shalt  }
0x84: {  	_ =	shalt  }
0x85: {  	_ =	shalt  }
0x86: {  	_ =	shalt  }
0x87: {  	_ =	shalt  }
.Lfunc_end0:
.L_simem_size_0:
called_computation_lowered:
.L_overlay_start_0:
0x88: {  	s2 =	sld [smem:$0x3FD9]  }
0x89: {  	s3 =	sld [smem:$0x3FFE];
	_ =	sdelay $0x1  }
0x8a: {  	s1 =	srdreg.scid  }
0x8b: {  	s0 =	sand.u32 $0x1, s1  }
0x8c: {  	s18 =	sshll.u32 s0, $0xA;
	s2 =	sadd.s32 s3, s2  }
0x8d: {  	s2 =	sadd.s32 s2, s18  }
0x8e: {  	[smem:$0x3FC5] =	sst s2  }
0x8f: {  	_ = 	snop  }
0x90: {  	s2 =	sld [smem:$0x3FC9]  }
0x91: {  	s19 =	sld [smem:$0x3FC8]  }
0x92: {  	s4 =	sld [smem:$0x3FC7]  }
0x93: {  	s5 =	sld [smem:$0x3FD0];
	(tm) =	ssettm $0x1  }
0x94: {  	s6 =	sld [smem:$0x3FFB];
	_ =	sdelay $0x3  }
0x95: {  	_ =	strace s6  }
0x96: {  	s6 =	sld [smem:$0x3FFC];
	_ =	sdelay $0x3  }
0x97: {  	_ =	strace s6  }
0x98: {  	s6 =	sld [smem:$0x3FFD];
	_ =	sdelay $0x3  }
0x99: {  	_ =	strace s6  }
0x9a: {  	_ =	strace $0x8FFFFFFF  }
0x9b: {  	s20 =	sld [smem:$0x3FDB];
	_ =	sdelay $0x1  }
0x9c: {  	s7 =	simm.s32 $_scs_section_size  }
0x9d: {  	s8 =	simm.s32 $_size__tile_overlayer_lowered;
	s9 =	simm.s32 $_tile_overlayer_lowered  }
0x9e: {  	s23 =	simm.s32 $0x1BFF;
	s22 =	sshll.u32 s9, $0x1;
	s6 =	sadd.s32 s7, s20  }
0x9f: {  	s10 =	simm.s32 $0x0;
	s21 =	sshll.u32 s8, $0x1;
	s8 =	sadd.s32 s22, s6  }
0xa0: {  	[timem:s10], [sflag:s23] =	dma.local [hbm:s8], s21  }
0xa1: {  	_ =	swait.ge [sflag:s23], s21  }
0xa2: {  	s7 =	ssub.s32 $0x0, s21;
	[sflag:s23] =	ssyncset.done $0x0  }
0xa3: {  	[sflag:s23] =	ssyncadd.s32 s7;
	_ =	sdelay $0x1  }
0xa4: {  	s24 =	simm.s32 $0x1B8B  }
0xa5: {  	_ =	swait.ge [sflag:s24], $0x1  }
0xa6: {  	[sflag:s24] =	ssyncset.done $0x0  }
0xa7: {  	s25 =	simm.s32 $0x1B8E;
	[sflag:s24] =	ssyncadd.s32 $0xFFFFFFFF  }
0xa8: {  	s26 =	simm.s32 $execute0_lowered;
	[smem:$0x3FD2] =	sst s25  }
0xa9: {  	s7 =	sshll.u32 s26, $0x1;
	_ =	strace $0x80000046;
	[dreg:$0x1] =	wrdreg $0xFFFFFFFF  }
0xaa: {  	s28 =	simm.s32 $_size_execute0_lowered;
	s6 =	sadd.s32 s6, s7;
	[dreg:$0x0] =	wrdreg $0x0  }
0xab: {  	s7 =	sshll.u32 s28, $0x1;
	[dreg:$0x2] =	wrdreg s6  }
0xac: {  	[dreg:$0x3] =	wrdreg s7  }
0xad: {  	[dreg:$0x4] =	wrdreg $0xC0  }
0xae: {  	_ =	task [dreg:s10], $0x5FFFF  }
0xaf: {  	[dreg:$0x1] =	wrdreg $0xFFFFFFFF  }
0xb0: {  	[dreg:$0x0] =	wrdreg $0x60  }
0xb1: {  	[dreg:$0x2] =	wrdreg s2  }
0xb2: {  	[dreg:$0x3] =	wrdreg s4  }
0xb3: {  	[dreg:$0x4] =	wrdreg s19  }
0xb4: {  	[dreg:$0x5] =	wrdreg s5  }
0xb5: {  	[dreg:$0x6] =	wrdreg $0x0  }
0xb6: {  	[dreg:$0x7] =	wrdreg $0x9  }
0xb7: {  	_ =	task.clear_ibuf [dreg:s10], $0x8FFFF;
	_ =	strace $0x90000046  }
0xb8: {  	s29 =	simm.s32 $0x9;
	_ =	strace $0x80000048  }
0xb9: {  	_ =	swait.ge [sflag:s29], $0x1  }
0xba: {  	[sflag:s29] =	ssyncadd.s32 $0xFFFFFFFF  }
0xbb: {  	_ =	strace $0x90000048  }
0xbc: {  	_ =	sfence  }
0xbd: {  	s30 =	sld [smem:$0x0];
	_ =	sdelay $0x2  }
0xbe: {  	s31 =	sshll.u32 s1, $0xD;
	s1 =	sshrl.u32 s1, $0x2  }
0xbf: {  	s3 =	sand.u32 $0x4000, s31;
	s1 =	sadd.s32 s1, s30  }
0xc0: {  	s0 =	sor.u32 s3, s0;
	s1 =	sshll.u32 s1, $0x11  }
0xc1: {  	s0 =	sor.u32 s1, s0  }
0xc2: {  	s0 =	sadd.s32 $0x8F2B, s0  }
0xc3: {  	[sflag:s0] =	ssyncadd.remote.s32 $0x1  }
0xc4: {  	_ =	sfence.sel $0xFFFF  }
0xc5: {  	[dreg:$0x0] =	wrdreg $0xFFFFFFFF;
	(pc) =	sbr.abs _section_cstart, $3  }
0xc6: {  	[dreg:$0x1] =	wrdreg $0xFFFFFFFF  }
0xc7: {  	_ =	task.clear_ibuf [dreg:s10], $0x2FFFF;
	_ =	strace $0x9FFFFFFF  }
0xc8: {  	(tm) =	ssettm $0x7FFFFFFF  }
0xc9: {  	_ =	shalt  }
tec
execute0_lowered:
.L_overlay_start_1:
0x0: {  	(tag) =	ssettag $0x1  }
0x1: {  	s4 =	rddreg [dreg:$0x0]  }
0x2: {  	s5 =	rddreg [dreg:$0x1]  }
0x3: {  	s6 =	rddreg [dreg:$0x2]  }
0x4: {  	s7 =	rddreg [dreg:$0x3]  }
0x5: {  	s2 =	rddreg [dreg:$0x4]  }
0x6: {  	s0 =	srdreg.scid;
	s1 =	rddreg [dreg:$0x5];
	s3 =	simm.s32 $0x0  }
0x7: {  	s24 =	simm.s32 $0x7A20;
	s25 =	simm.s32 $0x7E20;
	s26 =	simm.s32 $0x7EA0  }
0x8: {  	s28 =	simm.s32 $0x82A0;
	[smem:$0x7FF] =	sst s3;
	s18 =	sadd.s32 $0xE4C0, s4  }
0x9: {  	s22 =	sadd.s32 $0xE4C0, s7;
	_ =	strace $0x80000047;
	[dreg:$0x7] =	wrdreg s18  }
0xa: {  	s29 =	simm.s32 $0x7F20;
	s23 =	sadd.s32 $0x1D8F0, s7;
	[dreg:$0xc] =	wrdreg s22  }
0xb: {  	s30 =	simm.s32 $0x8320;
	s31 =	simm.s32 $0x7FA0;
	[dreg:$0xd] =	wrdreg s23  }
0xc: {  	s8 =	sand.u32 $0x1, s0;
	s0 =	stileid.u32;
	[dreg:$0xe] =	wrdreg s24  }
0xd: {  	s14 =	simm.s32 $0x84A0;
	s15 =	smul.u32 $0x7A180, s8;
	[dreg:$0xf] =	wrdreg s25  }
0xe: {  	s9 =	smul.u32 $0x7A00, s0;
	s10 =	ssub.s32 $0x2, s8;
	[dreg:$0x10] =	wrdreg s26  }
0xf: {  	s13 =	smul.u32 $0xFFFFFF40, s8;
	s19 =	sshll.u32 s0, $0x7;
	[dreg:$0x11] =	wrdreg s28  }
0x10: {  	p0 =	seq.s32 s8, $0x0;
	p6 =	seq.s32 s8, $0x1;
	[dreg:$0x12] =	wrdreg s29  }
0x11: {  	s16 =	sor.u32 s0, s8;
	p1 =	seq.s32 s0, $0xF;
	[dreg:$0x13] =	wrdreg s30  }
0x12: {  	[dreg:$0x14] =	wrdreg s31;
	s18 =	simm.s32 $0x85A0;
	s12 =	sshrl.u32 s10, $0x1  }
0x13: {  	s5 =	sadd.s32 s5, s19;
	s20 =	sadd.s32 s6, s19;
	s6 =	simm.s32 @!p0 $0x0  }
0x14: {  	p2 =	sne.s32 @p1 s8, $0x0;
	p3 =	por !p6, !p1;
	s8 =	simm.s32 $0x8220  }
0x15: {  	s19 =	simm.s32 $0x101A0;
	s11 =	sadd.s32 s9, s15;
	[dreg:$0x9] =	wrdreg s5  }
0x16: {  	s10 =	ssub.s32 s10, s12;
	s6 =	simm.s32 @p0 $0x1;
	[dreg:$0xa] =	wrdreg s20  }
0x17: {  	s5 =	sadd.s32 $0x72600, s2;
	p2 =	por p2, !p1;
	s12 =	simm.s32 $0x8420  }
0x18: {  	p0 =	sne.s32 @!p1 s16, $0x0;
	v0 =	vmov s15;
	s15 =	simm.s32 $0x8120;
	s16 =	simm.s32 $0x8520  }
0x19: {  	s11 =	sshrl.u32 s11, $0x3;
	[smem:$0x7FC] =	sst s6;
	s6 =	smax.u32 s10, $0x1  }
0x1a: {  	s10 =	simm.s32 $0x83A0;
	p0 =	por p0, p1;
	s17 =	sadd.s32 s4, s11  }
0x1b: {  	s4 =	sadd.s32 $0x1D8F0, s4;
	s21 =	sadd.s32 s7, s11;
	s7 =	simm.s32 $0x1  }
0x1c: {  	s11 =	simm.s32 $0x8020;
	s20 =	simm.s32 @!p0 $0x0;
	[dreg:$0x6] =	wrdreg s17  }
0x1d: {  	s17 =	sadd.s32 $0x7A180, s13;
	[dreg:$0x8] =	wrdreg s4;
	s4 =	sadd.s32 s9, s2  }
0x1e: {  	[dreg:$0xb] =	wrdreg s21;
	s9 =	simm.s32 $0x80;
	s20 =	simm.s32 @p0 $0x1  }
0x1f: {  	v2 =	vimm.f32 $0.0e+00;
	vm0 =	vcmask @!p0 $0x300;
	s13 =	simm.s32 $0x80A0;
	v1 =	vmov s17;
	s17 =	simm.s32 $0x81A0;
	[smem:$0x7FD] =	sst s20  }
.LBB2_1:
0x20: {  	s20 =	rddreg [dreg:$0x7];
	s21 =	simm.s32 @!p2 $0x0;
	s22 =	simm.s32 @!p2 $0x8620  }
0x21: {  	[tilespmem:s22], [sflag:$0x1] =	stream.linear.gather @!p2 [hbm4b:s20+s21], $0x7B80, $0x38;
	[tilespmem:$0x10220] =	vst v63  }
0x22: {  	s20 =	simm.s32 @!p2 $0x1  }
0x23: {  	_ =	swait.ge @!p2 [sflag:s20], $0x7B80  }
0x24: {  	[sflag:s20] =	ssyncset.done @!p2 $0x0  }
0x25: {  	[sflag:s20] =	ssyncadd.s32 @!p2 $0xFFFF8480  }
0x26: {  	[spmem:s5] =	stream.linear.scatter @!p2 [tilespmem:s22], [sflag:$0x1], $0x7B80, $0x38;
	[tilespmem:$0x10220] =	vst v63  }
0x27: {  	_ =	swait.ge @!p2 [sflag:s20], $0x7B80  }
0x28: {  	s22 =	simm.s32 @!p3 $0x8620;
	[sflag:s20] =	ssyncset.done @!p2 $0x0  }
0x29: {  	s21 =	rddreg [dreg:$0x8];
	[sflag:s20] =	ssyncadd.s32 @!p2 $0xFFFF8480;
	s20 =	simm.s32 @!p3 $0x0  }
0x2a: {  	[tilespmem:s22], [sflag:$0x1] =	stream.linear.gather @!p3 [hbm4b:s21+s20], $0x7AC0, $0x38;
	[tilespmem:$0x10220] =	vst v63  }
0x2b: {  	s20 =	simm.s32 @!p3 $0x1  }
0x2c: {  	_ =	swait.ge @!p3 [sflag:s20], $0x7AC0  }
0x2d: {  	[sflag:s20] =	ssyncset.done @!p3 $0x0  }
0x2e: {  	[sflag:s20] =	ssyncadd.s32 @!p3 $0xFFFF8540  }
0x2f: {  	[spmem:s4] =	stream.linear.scatter @!p3 [tilespmem:s22], [sflag:$0x1], $0x7AC0, $0x38;
	[tilespmem:$0x10220] =	vst v63  }
0x30: {  	_ =	swait.ge @!p3 [sflag:s20], $0x7AC0  }
0x31: {  	s21 =	simm.s32 @!p1 $0x0;
	s22 =	simm.s32 @!p1 $0x8620;
	[sflag:s20] =	ssyncset.done @!p3 $0x0  }
0x32: {  	s23 =	rddreg [dreg:$0x6];
	[sflag:s20] =	ssyncadd.s32 @!p3 $0xFFFF8540;
	s20 =	simm.s32 @!p1 $0x1  }
0x33: {  	[tilespmem:s22], [sflag:$0x1] =	stream.linear.gather @!p1 [hbm4b:s23+s21], $0x7A00, $0x38;
	[tilespmem:$0x10220] =	vst v63  }
0x34: {  	_ =	swait.ge @!p1 [sflag:s20], $0x7A00  }
0x35: {  	[sflag:s20] =	ssyncset.done @!p1 $0x0  }
0x36: {  	[sflag:s20] =	ssyncadd.s32 @!p1 $0xFFFF8600  }
0x37: {  	[spmem:s4] =	stream.linear.scatter @!p1 [tilespmem:s22], [sflag:$0x1], $0x7A00, $0x38;
	[tilespmem:$0x10220] =	vst v63  }
0x38: {  	_ =	swait.ge @!p1 [sflag:s20], $0x7A00  }
0x39: {  	s29 =	rddreg [dreg:$0x9];
	[sflag:s20] =	ssyncset.done @!p1 $0x0  }
0x3a: {  	s24 =	rddreg [dreg:$0xe];
	[sflag:s20] =	ssyncadd.s32 @!p1 $0xFFFF8600  }
0x3b: {  	[tilespmem:s24], [sflag:$0x1] =	stream.linear.gather [hbm4b:s29+s3], $0x400, $0x38;
	[tilespmem:$0x10220] =	vst v63  }
0x3c: {  	_ =	swait.ge [sflag:s7], $0x400  }
0x3d: {  	[sflag:s7] =	ssyncset.done $0x0  }
0x3e: {  	s30 =	rddreg [dreg:$0xa];
	[sflag:s7] =	ssyncadd.s32 $0xFFFFFC00  }
0x3f: {  	[tilespmem:s8], [sflag:$0x1] =	stream.linear.gather [hbm4b:s30+s3], $0x400, $0x38;
	[tilespmem:$0x10220] =	vst v63  }
0x40: {  	_ =	swait.ge [sflag:s7], $0x400  }
0x41: {  	[sflag:s7] =	ssyncset.done $0x0  }
0x42: {  	[sflag:s7] =	ssyncadd.s32 $0xFFFFFC00  }
0x43: {  	v3 =	vld [tilespmem:$0x7A20]  }
0x44: {  	v4 =	vld [tilespmem:$0x7A30]  }
0x45: {  	v5 =	vld [tilespmem:$0x7A40]  }
0x46: {  	v6 =	vld [tilespmem:$0x7A50]  }
0x47: {  	v8 =	vld [tilespmem:$0x7A60]  }
0x48: {  	v9 =	vld [tilespmem:$0x7A80]  }
0x49: {  	v11 =	vld [tilespmem:$0x7A90]  }
0x4a: {  	v12 =	vld [tilespmem:$0x7AB0]  }
0x4b: {  	v14 =	vld [tilespmem:$0x7AC0]  }
0x4c: {  	v15 =	vld [tilespmem:$0x7AE0]  }
0x4d: {  	v17 =	vld [tilespmem:$0x7AF0]  }
0x4e: {  	v18 =	vld [tilespmem:$0x7B10]  }
0x4f: {  	v20 =	vld [tilespmem:$0x7B20]  }
0x50: {  	v21 =	vld [tilespmem:$0x7B40]  }
0x51: {  	v23 =	vld [tilespmem:$0x7B50]  }
0x52: {  	v24 =	vld [tilespmem:$0x7B70]  }
0x53: {  	v25 =	vld [tilespmem:$0x7B80]  }
0x54: {  	v27 =	vld [tilespmem:$0x7BA0]  }
0x55: {  	v28 =	vld [tilespmem:$0x7BB0]  }
0x56: {  	v29 =	vld [tilespmem:$0x7BC0]  }
0x57: {  	v30 =	vld [tilespmem:$0x7BD0]  }
0x58: {  	v31 =	vld [tilespmem:$0x7BE0];
	v3 =	vsub.s32 v3, v0;
	v7 =	vsub.s32 v4, v0  }
0x59: {  	v32 =	vld [tilespmem:$0x7BF0];
	v5 =	vsub.s32 v5, v0;
	v6 =	vsub.s32 v6, v0;
	v10 =	vsub.s32 v8, v0  }
0x5a: {  	v33 =	vld [tilespmem:$0x7C00];
	v9 =	vsub.s32 v9, v0;
	v13 =	vsub.s32 v11, v0;
	v12 =	vsub.s32 v12, v0  }
0x5b: {  	v62 =	vld [tilespmem:$0x7C10];
	v16 =	vsub.s32 v14, v0;
	v15 =	vsub.s32 v15, v0;
	v19 =	vsub.s32 v17, v0  }
0x5c: {  	v18 =	vsub.s32 v18, v0;
	v22 =	vsub.s32 v20, v0;
	v21 =	vsub.s32 v21, v0  }
0x5d: {  	v23 =	vsub.s32 v23, v0;
	v24 =	vsub.s32 v24, v0;
	v25 =	vsub.s32 v25, v0  }
0x5e: {  	v27 =	vsub.s32 v27, v0;
	v28 =	vsub.s32 v28, v0;
	v29 =	vsub.s32 v29, v0  }
0x5f: {  	v30 =	vsub.s32 v30, v0;
	v61 =	vsub.s32 v31, v0;
	v34 =	vsub.s32 v32, v0  }
0x60: {  	v36 =	vsub.s32 v33, v0;
	v38 =	vsub.s32 v62, v0;
	vm1 =	vgt.s32 v3, $0xFFFFFFFF  }
0x61: {  	vm2 =	vlt.s32 v3, v1;
	vm3 =	vgt.s32 v7, $0xFFFFFFFF;
	vm4 =	vlt.s32 v7, v1  }
0x62: {  	v43 =	vld [tilespmem:$0x7A70];
	vm9 =	vgt.s32 v10, $0xFFFFFFFF;
	vm5 =	vlt.s32 v10, v1;
	vm10 =	vgt.s32 v13, $0xFFFFFFFF  }
0x63: {  	v35 =	vld [tilespmem:$0x7C20];
	vm11 =	vlt.s32 v13, v1;
	vm12 =	vgt.s32 v16, $0xFFFFFFFF;
	vm13 =	vlt.s32 v16, v1  }
0x64: {  	v46 =	vld [tilespmem:$0x7AA0];
	vm14 =	vgt.s32 v19, $0xFFFFFFFF;
	vm15 =	vlt.s32 v19, v1;
	vm1 =	vmand vm1, vm2  }
0x65: {  	v31 =	vld [tilespmem:$0x7D50];
	vm8 =	vgt.s32 v22, $0xFFFFFFFF;
	vm2 =	vmand vm3, vm4;
	v42 =	vnsel vm1, $0x7A180, v3  }
0x66: {  	v37 =	vld [tilespmem:$0x7C30];
	v3 =	vnsel vm2, $0x7A180, v7;
	vm1 =	vgt.s32 v5, $0xFFFFFFFF;
	vm2 =	vlt.s32 v5, v1  }
0x67: {  	v39 =	vld [tilespmem:$0x7C40];
	vm3 =	vlt.s32 v6, v1;
	v7 =	vsub.s32 v43, v0;
	vm1 =	vmand vm1, vm2  }
0x68: {  	v33 =	vld [tilespmem:$0x7D60];
	vm2 =	vgt.s32 v6, $0xFFFFFFFF;
	[tilespmem:$0x7E20] =	vst v42;
	v42 =	vsub.s32 v35, v0;
	v44 =	vnsel vm1, $0x7A180, v5  }
0x69: {  	vm1 =	vmand vm2, vm3;
	vm2 =	vmand vm9, vm5;
	vm3 =	vlt.s32 v9, v1  }
0x6a: {  	vm9 =	vlt.s32 v22, v1;
	v35 =	vsub.s32 v31, v0;
	v6 =	vnsel vm1, $0x7A180, v6  }
0x6b: {  	v45 =	vnsel vm2, $0x7A180, v10;
	vm1 =	vgt.s32 v7, $0xFFFFFFFF;
	vm2 =	vlt.s32 v7, v1  }
0x6c: {  	v43 =	vld [tilespmem:$0x7C50];
	v10 =	vsub.s32 v46, v0;
	[tilespmem:$0x7E40] =	vst v44;
	v44 =	vsub.s32 v37, v0;
	v46 =	vsub.s32 v39, v0  }
0x6d: {  	v49 =	vld [tilespmem:$0x7AD0];
	v37 =	vsub.s32 v33, v0;
	vm1 =	vmand vm1, vm2;
	vm2 =	vgt.s32 v9, $0xFFFFFFFF  }
0x6e: {  	v47 =	vnsel vm1, $0x7A180, v7;
	vm1 =	vmand vm2, vm3;
	vm2 =	vmand vm10, vm11  }
0x6f: {  	vm3 =	vlt.s32 v12, v1;
	vm10 =	vgt.s32 v23, $0xFFFFFFFF;
	v9 =	vnsel vm1, $0x7A180, v9  }
0x70: {  	v48 =	vnsel vm2, $0x7A180, v13;
	vm1 =	vgt.s32 v10, $0xFFFFFFFF;
	vm2 =	vlt.s32 v10, v1  }
0x71: {  	v52 =	vld [tilespmem:$0x7B00];
	vm11 =	vlt.s32 v23, v1;
	v11 =	vsub.s32 v43, v0;
	vm1 =	vmand vm1, vm2  }
0x72: {  	[tilespmem:$0x7E60] =	vst v45;
	v45 =	vld [tilespmem:$0x7C60];
	v13 =	vsub.s32 v49, v0;
	vm2 =	vgt.s32 v12, $0xFFFFFFFF;
	v50 =	vnsel vm1, $0x7A180, v10  }
0x73: {  	vm1 =	vmand vm2, vm3;
	vm2 =	vmand vm12, vm13;
	vm3 =	vlt.s32 v15, v1  }
0x74: {  	[tilespmem:$0x7E70] =	vst v47;
	v47 =	vld [tilespmem:$0x7C70];
	vm12 =	vgt.s32 v25, $0xFFFFFFFF;
	vm13 =	vlt.s32 v25, v1;
	v12 =	vnsel vm1, $0x7A180, v12  }
0x75: {  	v55 =	vld [tilespmem:$0x7B30];
	v51 =	vnsel vm2, $0x7A180, v16;
	vm1 =	vgt.s32 v13, $0xFFFFFFFF;
	vm2 =	vlt.s32 v13, v1  }
0x76: {  	[tilespmem:$0x7E90] =	vst v48;
	v48 =	vld [tilespmem:$0x7C80];
	v16 =	vsub.s32 v52, v0;
	vm1 =	vmand vm1, vm2;
	vm2 =	vgt.s32 v15, $0xFFFFFFFF  }
0x77: {  	v49 =	vld [tilespmem:$0x7C90];
	v14 =	vsub.s32 v45, v0;
	v53 =	vnsel vm1, $0x7A180, v13;
	vm1 =	vmand vm2, vm3  }
0x78: {  	vm2 =	vmand vm14, vm15;
	vm3 =	vlt.s32 v18, v1;
	vm14 =	vgt.s32 v28, $0xFFFFFFFF  }
0x79: {  	[tilespmem:$0x7EA0] =	vst v50;
	vm15 =	vlt.s32 v28, v1;
	v50 =	vsub.s32 v47, v0;
	v15 =	vnsel vm1, $0x7A180, v15  }
0x7a: {  	v54 =	vnsel vm2, $0x7A180, v19;
	vm1 =	vgt.s32 v16, $0xFFFFFFFF;
	vm2 =	vlt.s32 v16, v1  }
0x7b: {  	v58 =	vld [tilespmem:$0x7B60];
	[tilespmem:$0x7EC0] =	vst v51;
	v19 =	vsub.s32 v55, v0;
	v13 =	vsub.s32 v48, v0;
	vm1 =	vmand vm1, vm2  }
0x7c: {  	v51 =	vld [tilespmem:$0x7CA0];
	vm2 =	vgt.s32 v18, $0xFFFFFFFF;
	[tilespmem:$0x7EE0] =	vst v15;
	v15 =	vsub.s32 v49, v0;
	v56 =	vnsel vm1, $0x7A180, v16  }
0x7d: {  	[tilespmem:$0x7ED0] =	vst v53;
	v53 =	vld [tilespmem:$0x7CB0];
	vm1 =	vmand vm2, vm3;
	vm2 =	vmand vm8, vm9;
	vm3 =	vlt.s32 v21, v1  }
0x7e: {  	v55 =	vld [tilespmem:$0x7CD0];
	vm8 =	vgt.s32 v61, $0xFFFFFFFF;
	vm9 =	vlt.s32 v61, v1;
	v18 =	vnsel vm1, $0x7A180, v18  }
0x7f: {  	v60 =	vld [tilespmem:$0x7B90];
	v57 =	vnsel vm2, $0x7A180, v22;
	vm1 =	vgt.s32 v19, $0xFFFFFFFF;
	vm2 =	vlt.s32 v19, v1  }
0x80: {  	[tilespmem:$0x7EF0] =	vst v54;
	v54 =	vld [tilespmem:$0x7CC0];
	v22 =	vsub.s32 v58, v0;
	vm1 =	vmand vm1, vm2;
	vm2 =	vgt.s32 v21, $0xFFFFFFFF  }
0x81: {  	v49 =	vld [tilespmem:$0x7DD0];
	[tilespmem:$0x7F10] =	vst v18;
	v18 =	vsub.s32 v51, v0;
	v26 =	vnsel vm1, $0x7A180, v19;
	vm1 =	vmand vm2, vm3  }
0x82: {  	vm2 =	vmand vm10, vm11;
	vm3 =	vlt.s32 v24, v1;
	vm10 =	vgt.s32 v38, $0xFFFFFFFF  }
0x83: {  	vm11 =	vlt.s32 v38, v1;
	v17 =	vsub.s32 v53, v0;
	v20 =	vsub.s32 v55, v0  }
0x84: {  	v21 =	vnsel vm1, $0x7A180, v21;
	v59 =	vnsel vm2, $0x7A180, v23;
	vm1 =	vgt.s32 v22, $0xFFFFFFFF  }
0x85: {  	vm2 =	vlt.s32 v22, v1;
	v23 =	vsub.s32 v60, v0;
	v19 =	vsub.s32 v54, v0  }
0x86: {  	v58 =	vld [tilespmem:$0x7D00];
	v55 =	vsub.s32 v49, v0;
	vm1 =	vmand vm1, vm2;
	vm2 =	vgt.s32 v24, $0xFFFFFFFF  }
0x87: {  	v22 =	vnsel vm1, $0x7A180, v22;
	vm1 =	vmand vm2, vm3;
	vm2 =	vmand vm12, vm13  }
0x88: {  	[tilespmem:$0x7F30] =	vst v26;
	v26 =	vld [tilespmem:$0x7D30];
	vm3 =	vlt.s32 v27, v1;
	vm12 =	vgt.s32 v46, $0xFFFFFFFF;
	v24 =	vnsel vm1, $0x7A180, v24  }
0x89: {  	[tilespmem:$0x101A0] =	vst v2;
	v25 =	vnsel vm2, $0x7A180, v25;
	vm1 =	vgt.s32 v23, $0xFFFFFFFF;
	vm2 =	vlt.s32 v23, v1  }
0x8a: {  	[tilespmem:$0x101B0] =	vst v2;
	v62 =	vld [tilespmem:$0x7D10];
	vm13 =	vlt.s32 v46, v1;
	vm1 =	vmand vm1, vm2;
	vm2 =	vgt.s32 v27, $0xFFFFFFFF  }
0x8b: {  	[tilespmem:$0x7F80] =	vst v25;
	v25 =	vsub.s32 v58, v0;
	v23 =	vnsel vm1, $0x7A180, v23;
	vm1 =	vmand vm2, vm3  }
0x8c: {  	[tilespmem:$0x7F00] =	vst v56;
	vm2 =	vmand vm14, vm15;
	vm3 =	vlt.s32 v30, v1;
	vm14 =	vgt.s32 v50, $0xFFFFFFFF  }
0x8d: {  	v56 =	vld [tilespmem:$0x7CE0];
	[tilespmem:$0x7F20] =	vst v57;
	vm15 =	vlt.s32 v50, v1;
	v32 =	vsub.s32 v26, v0;
	v27 =	vnsel vm1, $0x7A180, v27  }
0x8e: {  	[tilespmem:$0x7F70] =	vst v24;
	v24 =	vld [tilespmem:$0x7D20];
	v28 =	vnsel vm2, $0x7A180, v28;
	vm1 =	vgt.s32 v29, $0xFFFFFFFF;
	vm2 =	vlt.s32 v29, v1  }
0x8f: {  	v57 =	vld [tilespmem:$0x7CF0];
	vm1 =	vmand vm1, vm2;
	vm2 =	vgt.s32 v30, $0xFFFFFFFF;
	[tilespmem:$0x7FB0] =	vst v28;
	v28 =	vsub.s32 v62, v0  }
0x90: {  	[tilespmem:$0x7E30] =	vst v3;
	v51 =	vld [tilespmem:$0x7DE0];
	v3 =	vnsel vm1, $0x7A180, v29;
	vm1 =	vmand vm2, vm3;
	vm2 =	vmand vm8, vm9  }
0x91: {  	[tilespmem:$0x101C0] =	vst v2;
	vm3 =	vlt.s32 v36, v1;
	vm8 =	vgt.s32 v18, $0xFFFFFFFF;
	vm9 =	vlt.s32 v18, v1  }
0x92: {  	[tilespmem:$0x101D0] =	vst v2;
	v63 =	vnsel vm1, $0x7A180, v30;
	v4 =	vnsel vm2, $0x7A180, v61;
	vm1 =	vgt.s32 v34, $0xFFFFFFFF  }
0x93: {  	[tilespmem:$0x101E0] =	vst v2;
	vm2 =	vlt.s32 v34, v1;
	v61 =	vsub.s32 v56, v0;
	v30 =	vsub.s32 v24, v0  }
0x94: {  	vm1 =	vmand vm1, vm2;
	vm2 =	vgt.s32 v36, $0xFFFFFFFF;
	[tilespmem:$0x7FD0] =	vst v63;
	v63 =	vsub.s32 v57, v0  }
0x95: {  	[tilespmem:$0x101F0] =	vst v2;
	v57 =	vsub.s32 v51, v0;
	v40 =	vnsel vm1, $0x7A180, v34;
	vm1 =	vmand vm2, vm3  }
0x96: {  	[tilespmem:$0x10200] =	vst v2;
	v56 =	vld [tilespmem:$0x7E00];
	vm2 =	vmand vm10, vm11;
	vm3 =	vlt.s32 v44, v1;
	v5 =	vnsel vm1, $0x7A180, v36  }
0x97: {  	[tilespmem:$0x10210] =	vst v2;
	v41 =	vnsel vm2, $0x7A180, v38;
	vm1 =	vgt.s32 v42, $0xFFFFFFFF;
	vm2 =	vlt.s32 v42, v1  }
0x98: {  	[tilespmem:$0x7E50] =	vst v6;
	v29 =	vld [tilespmem:$0x7D40];
	vm10 =	vgt.s32 v20, $0xFFFFFFFF;
	vm1 =	vmand vm1, vm2;
	vm2 =	vgt.s32 v44, $0xFFFFFFFF  }
0x99: {  	[tilespmem:$0x7E80] =	vst v9;
	vm11 =	vlt.s32 v20, v1;
	v34 =	vld [tilespmem:$0x7D70];
	v9 =	vnsel vm1, $0x7A180, v42;
	vm1 =	vmand vm2, vm3  }
0x9a: {  	[tilespmem:$0x7EB0] =	vst v12;
	vm2 =	vmand vm12, vm13;
	vm3 =	vlt.s32 v14, v1;
	vm12 =	vgt.s32 v25, $0xFFFFFFFF  }
0x9b: {  	[tilespmem:$0x7F40] =	vst v21;
	vm13 =	vlt.s32 v25, v1;
	v62 =	vsub.s32 v56, v0;
	v12 =	vnsel vm1, $0x7A180, v44  }
0x9c: {  	[tilespmem:$0x7F50] =	vst v59;
	v10 =	vnsel vm2, $0x7A180, v46;
	vm1 =	vgt.s32 v11, $0xFFFFFFFF;
	vm2 =	vlt.s32 v11, v1  }
0x9d: {  	vm1 =	vmand vm1, vm2;
	vm2 =	vgt.s32 v14, $0xFFFFFFFF;
	[tilespmem:$0x8030] =	vst v12;
	v12 =	vsub.s32 v29, v0  }
0x9e: {  	v36 =	vld [tilespmem:$0x7D80];
	[tilespmem:$0x8010] =	vst v41;
	v41 =	vsub.s32 v34, v0;
	v11 =	vnsel vm1, $0x7A180, v11;
	vm1 =	vmand vm2, vm3  }
0x9f: {  	[tilespmem:$0x7F60] =	vst v22;
	vm2 =	vmand vm14, vm15;
	vm3 =	vlt.s32 v15, v1;
	v14 =	vnsel vm1, $0x7A180, v14  }
0xa0: {  	[tilespmem:$0x7F90] =	vst v23;
	v52 =	vnsel vm2, $0x7A180, v50;
	vm1 =	vgt.s32 v13, $0xFFFFFFFF;
	vm2 =	vlt.s32 v13, v1  }
0xa1: {  	[tilespmem:$0x7FA0] =	vst v27;
	v38 =	vld [tilespmem:$0x7D90];
	vm14 =	vgt.s32 v32, $0xFFFFFFFF;
	vm1 =	vmand vm1, vm2;
	vm2 =	vgt.s32 v15, $0xFFFFFFFF  }
0xa2: {  	[tilespmem:$0x7FC0] =	vst v3;
	v42 =	vld [tilespmem:$0x7DA0];
	vm15 =	vlt.s32 v32, v1;
	v13 =	vnsel vm1, $0x7A180, v13;
	vm1 =	vmand vm2, vm3  }
0xa3: {  	[tilespmem:$0x7FE0] =	vst v4;
	v43 =	vsub.s32 v36, v0;
	vm2 =	vmand vm8, vm9;
	v15 =	vnsel vm1, $0x7A180, v15  }
0xa4: {  	[tilespmem:$0x7FF0] =	vst v40;
	v18 =	vnsel vm2, $0x7A180, v18;
	vm1 =	vgt.s32 v17, $0xFFFFFFFF;
	vm2 =	vlt.s32 v17, v1  }
0xa5: {  	[tilespmem:$0x8000] =	vst v5;
	vm3 =	vlt.s32 v19, v1;
	vm1 =	vmand vm1, vm2;
	vm2 =	vgt.s32 v19, $0xFFFFFFFF  }
0xa6: {  	[tilespmem:$0x8020] =	vst v9;
	v45 =	vsub.s32 v38, v0;
	v3 =	vnsel vm1, $0x7A180, v17;
	vm1 =	vmand vm2, vm3  }
0xa7: {  	[tilespmem:$0x8040] =	vst v10;
	v48 =	vsub.s32 v42, v0;
	vm2 =	vmand vm10, vm11;
	v59 =	vnsel vm1, $0x7A180, v19  }
0xa8: {  	[tilespmem:$0x8050] =	vst v11;
	v60 =	vnsel vm2, $0x7A180, v20;
	vm1 =	vgt.s32 v61, $0xFFFFFFFF;
	vm2 =	vlt.s32 v61, v1  }
0xa9: {  	v44 =	vld [tilespmem:$0x7DB0];
	[tilespmem:$0x8060] =	vst v14;
	vm3 =	vlt.s32 v63, v1;
	vm1 =	vmand vm1, vm2;
	vm2 =	vgt.s32 v63, $0xFFFFFFFF  }
0xaa: {  	[tilespmem:$0x8070] =	vst v52;
	vm8 =	vgt.s32 v37, $0xFFFFFFFF;
	v27 =	vnsel vm1, $0x7A180, v61;
	vm1 =	vmand vm2, vm3  }
0xab: {  	vm9 =	vlt.s32 v37, v1;
	[tilespmem:$0x8080] =	vst v13;
	vm2 =	vmand vm12, vm13;
	v7 =	vnsel vm1, $0x7A180, v63  }
0xac: {  	[tilespmem:$0x8090] =	vst v15;
	v5 =	vnsel vm2, $0x7A180, v25;
	vm1 =	vgt.s32 v28, $0xFFFFFFFF;
	vm2 =	vlt.s32 v28, v1  }
0xad: {  	[tilespmem:$0x80A0] =	vst v18;
	vm3 =	vlt.s32 v30, v1;
	vm1 =	vmand vm1, vm2;
	vm2 =	vgt.s32 v30, $0xFFFFFFFF  }
0xae: {  	v52 =	vld [tilespmem:$0x7DF0];
	v50 =	vsub.s32 v44, v0;
	[tilespmem:$0x80B0] =	vst v3;
	v9 =	vnsel vm1, $0x7A180, v28;
	vm1 =	vmand vm2, vm3  }
0xaf: {  	vm10 =	vgt.s32 v45, $0xFFFFFFFF;
	[tilespmem:$0x80C0] =	vst v59;
	vm2 =	vmand vm14, vm15;
	v10 =	vnsel vm1, $0x7A180, v30  }
0xb0: {  	[tilespmem:$0x80D0] =	vst v60;
	v11 =	vnsel vm2, $0x7A180, v32;
	vm1 =	vgt.s32 v12, $0xFFFFFFFF;
	vm2 =	vlt.s32 v12, v1  }
0xb1: {  	v46 =	vld [tilespmem:$0x7DC0];
	[tilespmem:$0x80E0] =	vst v27;
	vm3 =	vlt.s32 v35, v1;
	vm1 =	vmand vm1, vm2;
	vm2 =	vgt.s32 v35, $0xFFFFFFFF  }
0xb2: {  	vm11 =	vlt.s32 v45, v1;
	[tilespmem:$0x80F0] =	vst v7;
	v3 =	vnsel vm1, $0x7A180, v12;
	vm1 =	vmand vm2, vm3  }
0xb3: {  	v59 =	vsub.s32 v52, v0;
	[tilespmem:$0x8100] =	vst v5;
	vm2 =	vmand vm8, vm9;
	v39 =	vnsel vm1, $0x7A180, v35  }
0xb4: {  	[tilespmem:$0x8110] =	vst v9;
	v40 =	vnsel vm2, $0x7A180, v37;
	vm1 =	vgt.s32 v41, $0xFFFFFFFF;
	vm2 =	vlt.s32 v41, v1  }
0xb5: {  	[tilespmem:$0x8120] =	vst v10;
	vm3 =	vlt.s32 v43, v1;
	vm1 =	vmand vm1, vm2;
	vm2 =	vgt.s32 v43, $0xFFFFFFFF  }
0xb6: {  	[tilespmem:$0x8140] =	vst v3;
	v3 =	vsub.s32 v46, v0;
	v47 =	vnsel vm1, $0x7A180, v41;
	vm1 =	vmand vm2, vm3  }
0xb7: {  	[tilespmem:$0x8130] =	vst v11;
	vm12 =	vgt.s32 v3, $0xFFFFFFFF;
	vm2 =	vmand vm10, vm11;
	v8 =	vnsel vm1, $0x7A180, v43  }
0xb8: {  	[tilespmem:$0x8150] =	vst v39;
	v7 =	vnsel vm2, $0x7A180, v45;
	vm1 =	vgt.s32 v48, $0xFFFFFFFF;
	vm2 =	vlt.s32 v48, v1  }
0xb9: {  	[tilespmem:$0x8160] =	vst v40;
	vm3 =	vlt.s32 v50, v1;
	vm1 =	vmand vm1, vm2;
	vm2 =	vgt.s32 v50, $0xFFFFFFFF  }
0xba: {  	v58 =	vld [tilespmem:$0x7E10];
	vm13 =	vlt.s32 v3, v1;
	[tilespmem:$0x8170] =	vst v47;
	v53 =	vnsel vm1, $0x7A180, v48;
	vm1 =	vmand vm2, vm3  }
0xbb: {  	vm14 =	vgt.s32 v59, $0xFFFFFFFF;
	[tilespmem:$0x8180] =	vst v8;
	vm2 =	vmand vm12, vm13;
	v54 =	vnsel vm1, $0x7A180, v50  }
0xbc: {  	[tilespmem:$0x8190] =	vst v7;
	v3 =	vnsel vm2, $0x7A180, v3;
	vm1 =	vgt.s32 v55, $0xFFFFFFFF;
	vm2 =	vlt.s32 v55, v1  }
0xbd: {  	vm3 =	vlt.s32 v57, v1;
	[tilespmem:$0x81A0] =	vst v53;
	vm1 =	vmand vm1, vm2;
	vm2 =	vgt.s32 v57, $0xFFFFFFFF  }
0xbe: {  	vm15 =	vlt.s32 v59, v1;
	[tilespmem:$0x81B0] =	vst v54;
	v60 =	vnsel vm1, $0x7A180, v55;
	vm1 =	vmand vm2, vm3  }
0xbf: {  	v63 =	vsub.s32 v58, v0;
	[tilespmem:$0x81C0] =	vst v3;
	vm2 =	vmand vm14, vm15;
	v3 =	vnsel vm1, $0x7A180, v57  }
0xc0: {  	v61 =	vnsel vm2, $0x7A180, v59;
	[tilespmem:$0x81D0] =	vst v60;
	vm1 =	vgt.s32 v62, $0xFFFFFFFF;
	vm2 =	vlt.s32 v62, v1  }
0xc1: {  	vm3 =	vlt.s32 v63, v1;
	[tilespmem:$0x81E0] =	vst v3;
	vm1 =	vmand vm1, vm2;
	vm2 =	vgt.s32 v63, $0xFFFFFFFF  }
0xc2: {  	[tilespmem:$0x81F0] =	vst v61;
	v3 =	vnsel vm1, $0x7A180, v62;
	vm1 =	vmand vm2, vm3  }
0xc3: {  	[tilespmem:$0x8200] =	vst v3;
	v3 =	vnsel vm1, $0x7A180, v63  }
0xc4: {  	[tilespmem:$0x8210] =	vst v3  }
0xc5: {  	[bflag:$0x0] =	sbarrier.arrive $0xFFFF  }
0xc6: {  	s31 =	rddreg [dreg:$0xf]  }
0xc7: {  	[spmem:s2] =	stream.indirect.scatter.add.f32 [tilespmem:s8], [sflag:$0x1], $0x1, s31, s9, $0xb8;
	[tilespmem:$0x10220] =	vst v63  }
0xc8: {  	_ =	swait.ge [sflag:s7], $0x80  }
0xc9: {  	s24 =	rddreg [dreg:$0x10];
	[sflag:s7] =	ssyncset.done $0x0  }
0xca: {  	s25 =	rddreg [dreg:$0x11];
	[sflag:s7] =	ssyncadd.s32 $0xFFFFFF80  }
0xcb: {  	[spmem:s2] =	stream.indirect.scatter.add.f32 [tilespmem:s25], [sflag:$0x1], $0x1, s24, s9, $0xb8;
	[tilespmem:$0x10220] =	vst v63  }
0xcc: {  	_ =	swait.ge [sflag:s7], $0x80  }
0xcd: {  	s26 =	rddreg [dreg:$0x12];
	[sflag:s7] =	ssyncset.done $0x0  }
0xce: {  	s28 =	rddreg [dreg:$0x13];
	[sflag:s7] =	ssyncadd.s32 $0xFFFFFF80  }
0xcf: {  	[spmem:s2] =	stream.indirect.scatter.add.f32 [tilespmem:s28], [sflag:$0x1], $0x1, s26, s9, $0xb8;
	[tilespmem:$0x10220] =	vst v63  }
0xd0: {  	_ =	swait.ge [sflag:s7], $0x80  }
0xd1: {  	[sflag:s7] =	ssyncset.done $0x0  }
0xd2: {  	s29 =	rddreg [dreg:$0x14];
	[sflag:s7] =	ssyncadd.s32 $0xFFFFFF80  }
0xd3: {  	[spmem:s2] =	stream.indirect.scatter.add.f32 [tilespmem:s10], [sflag:$0x1], $0x1, s29, s9, $0xb8;
	[tilespmem:$0x10220] =	vst v63  }
0xd4: {  	_ =	swait.ge [sflag:s7], $0x80  }
0xd5: {  	[sflag:s7] =	ssyncset.done $0x0  }
0xd6: {  	[sflag:s7] =	ssyncadd.s32 $0xFFFFFF80  }
0xd7: {  	[spmem:s2] =	stream.indirect.scatter.add.f32 [tilespmem:s12], [sflag:$0x1], $0x1, s11, s9, $0xb8;
	[tilespmem:$0x10220] =	vst v63  }
0xd8: {  	_ =	swait.ge [sflag:s7], $0x80  }
0xd9: {  	[sflag:s7] =	ssyncset.done $0x0  }
0xda: {  	[sflag:s7] =	ssyncadd.s32 $0xFFFFFF80  }
0xdb: {  	[spmem:s2] =	stream.indirect.scatter.add.f32 [tilespmem:s14], [sflag:$0x1], $0x1, s13, s9, $0xb8;
	[tilespmem:$0x10220] =	vst v63  }
0xdc: {  	_ =	swait.ge [sflag:s7], $0x80  }
0xdd: {  	[sflag:s7] =	ssyncset.done $0x0  }
0xde: {  	[sflag:s7] =	ssyncadd.s32 $0xFFFFFF80  }
0xdf: {  	[spmem:s2] =	stream.indirect.scatter.add.f32 [tilespmem:s16], [sflag:$0x1], $0x1, s15, s9, $0xb8;
	[tilespmem:$0x10220] =	vst v63  }
0xe0: {  	_ =	swait.ge [sflag:s7], $0x80  }
0xe1: {  	[sflag:s7] =	ssyncset.done $0x0  }
0xe2: {  	[sflag:s7] =	ssyncadd.s32 $0xFFFFFF80  }
0xe3: {  	[spmem:s2] =	stream.indirect.scatter.add.f32 [tilespmem:s18], [sflag:$0x1], $0x1, s17, s9, $0xb8;
	[tilespmem:$0x10220] =	vst v63  }
0xe4: {  	_ =	swait.ge [sflag:s7], $0x80  }
0xe5: {  	[sflag:s7] =	ssyncset.done $0x0  }
0xe6: {  	[sflag:s7] =	ssyncadd.s32 $0xFFFFFF80  }
0xe7: {  	[spmem:s2] =	stream.indirect.scatter.add.f32 [tilespmem:s19], [sflag:$0x1], $0x1, s17, s9, $0xb8;
	[tilespmem:$0x10220] =	vst v63  }
0xe8: {  	_ =	swait.ge [sflag:s7], $0x80  }
0xe9: {  	[sflag:s7] =	ssyncset.done $0x0  }
0xea: {  	[sflag:s7] =	ssyncadd.s32 $0xFFFFFF80  }
0xeb: {  	[bflag:$0x0] =	sbarrier.arrive $0xFFFF  }
0xec: {  	[tilespmem:s22], [sflag:$0x1] =	stream.linear.gather @!p1 [spmem:s4], $0x7A00, $0x38;
	[tilespmem:$0x10220] =	vst v63  }
0xed: {  	_ =	swait.ge @!p1 [sflag:s20], $0x7A00  }
0xee: {  	s30 =	sld [smem:$0x7FD];
	_ =	sdelay $0x1  }
0xef: {  	[sflag:s20] =	ssyncset.done @!p1 $0x0  }
0xf0: {  	[sflag:s20] =	ssyncadd.s32 @!p1 $0xFFFF8600;
	p0 =	seq.s32 s30, $0x1  }
0xf1: {  	v3 =	vld @!p0 [tilespmem:$0x8620];
	_ =	sdelay $0x2  }
0xf2: {  	v4 =	vimm.f32 @!p0 $0.0e+00  }
0xf3: {  	v4 =	vsel @!p0 vm0, $0x3F800000, v4  }
0xf4: {  	v3 =	vadd.f32 @!p0 v4, v3  }
0xf5: {  	s31 =	sld [smem:$0x7FC]  }
0xf6: {  	s23 =	rddreg [dreg:$0xb];
	[tilespmem:$0x8620] =	vst @!p0 v3  }
0xf7: {  	[hbm4b:s23+s21] =	stream.linear.scatter @!p1 [tilespmem:s22], [sflag:$0x1], $0x7A00, $0x38;
	[tilespmem:$0x10220] =	vst v63  }
0xf8: {  	p6 =	seq.s32 s31, $0x1;
	p0 =	por @!p1 $0x0, $0x0;
	_ =	swait.ge @!p1 [sflag:s20], $0x7A00  }
0xf9: {  	p6 =	por @!p1 p0, p0;
	[sflag:s20] =	ssyncset.done @!p1 $0x0  }
0xfa: {  	s21 =	simm.s32 @p6 $0x1;
	[sflag:s20] =	ssyncadd.s32 @!p1 $0xFFFF8600;
	s20 =	simm.s32 @p6 $0x8620  }
0xfb: {  	[tilespmem:s20], [sflag:$0x1] =	stream.linear.gather @p6 [spmem:s5], $0x7B80, $0x38;
	[tilespmem:$0x10220] =	vst v63  }
0xfc: {  	_ =	swait.ge @p6 [sflag:s21], $0x7B80  }
0xfd: {  	p5 =	por @p1 $0x0, $0x0;
	p4 =	por @!p3 $0x1, $0x1;
	[sflag:s21] =	ssyncset.done @p6 $0x0  }
0xfe: {  	s23 =	simm.s32 @p6 $0x0;
	s22 =	rddreg [dreg:$0xc];
	[sflag:s21] =	ssyncadd.s32 @p6 $0xFFFF8480  }
0xff: {  	[hbm4b:s22+s23] =	stream.linear.scatter @p6 [tilespmem:s20], [sflag:$0x1], $0x7B80, $0x38;
	[tilespmem:$0x10220] =	vst v63  }
0x100: {  	p5 =	por @!p3 p4, p4;
	_ =	swait.ge @p6 [sflag:s21], $0x7B80  }
0x101: {  	p5 =	por @!p1 p0, p0;
	[sflag:s21] =	ssyncset.done @p6 $0x0  }
0x102: {  	s20 =	simm.s32 @p5 $0x8620;
	[sflag:s21] =	ssyncadd.s32 @p6 $0xFFFF8480;
	s21 =	simm.s32 @p5 $0x1  }
0x103: {  	[tilespmem:s20], [sflag:$0x1] =	stream.linear.gather @p5 [spmem:s4], $0x7AC0, $0x38;
	[tilespmem:$0x10220] =	vst v63  }
0x104: {  	s6 =	sadd.s32 $0xFFFFFFFF, s6;
	_ =	swait.ge @p5 [sflag:s21], $0x7AC0  }
0x105: {  	p0 =	sne.s32 s6, $0x0;
	s23 =	simm.s32 @p5 $0x0;
	[sflag:s21] =	ssyncset.done @p5 $0x0  }
.Ltmp0:
0x106: {  	s22 =	rddreg [dreg:$0xd];
	[sflag:s21] =	ssyncadd.s32 @p5 $0xFFFF8540;
	(pc) =	sbr.rel @p0 .LBB2_1-.Ltmp0, $4  }
0x107: {  	[hbm4b:s22+s23] =	stream.linear.scatter @p5 [tilespmem:s20], [sflag:$0x1], $0x7AC0, $0x38;
	[tilespmem:$0x10220] =	vst v63  }
0x108: {  	_ =	swait.ge @p5 [sflag:s21], $0x7AC0  }
0x109: {  	[sflag:s21] =	ssyncset.done @p5 $0x0  }
0x10a: {  	[sflag:s21] =	ssyncadd.s32 @p5 $0xFFFF8540  }
0x10b: {  	_ =	sfence.sel $0x180000  }
0x10c: {  	[bflag:$0x0] =	sbarrier.arrive $0xFFFF  }
0x10d: {  	p0 =	sne.s32 s0, $0x0;
	_ =	strace $0x90000047  }
0x10e: {  	s0 =	sadd.s32 @!p0 $0x100000, s1;
	[bflag:$0x2] =	sbarrier.arrive $0xFFFF  }
0x10f: {  	[sflag:s0] =	ssyncadd.tile.s32 @!p0 $0x1;
	_ =	shalt  }
.Lfunc_end2:
_tile_overlayer_lowered:
.L_overlay_start_2:
0x110: {  	(tag) =	ssettag $0x2  }
0x111: {  	s0 =	rddreg [dreg:$0x0];
	s2 =	stileid.u32  }
0x112: {  	s1 =	rddreg [dreg:$0x1];
	p0 =	sne.s32 s2, $0x0  }
0x113: {  	s3 =	rddreg [dreg:$0x2];
	[bflag:$0x3] =	sbarrier.arrive $0xFFFF;
	s2 =	simm.s32 @!p0 $0x1C01  }
0x114: {  	[timem:s3], [sflag:s2] =	dma.local @!p0 [hbm:s0], s1  }
0x115: {  	s0 =	simm.s32 @!p0 $0x1  }
0x116: {  	_ =	swait.ge @!p0 [sflag:s0], s1  }
0x117: {  	s1 =	ssub.s32 @!p0 $0x0, s1;
	[sflag:s0] =	ssyncset.done @!p0 $0x0  }
0x118: {  	[sflag:s0] =	ssyncadd.s32 @!p0 s1  }
0x119: {  	[bflag:$0x3] =	sbarrier.arrive $0xFFFF  }
0x11a: {  	_ =	shalt  }

</sc_bundles>
